<compile_context>
chip_gen: v7x
topology: tpu7x:2x2x1
jax: 0.10.2.dev20260603
libtpu: 0.0.44.dev20260713+nightly
codegen_flags: <defaults>
</compile_context>

<pallas_src>
import functools

import jax
import jax.numpy as jnp
from jax import lax
from jax.experimental import pallas as pl
from jax.experimental.pallas import tpu as pltpu
from jax.experimental.pallas import tpu_sc as plsc

B = 16384
NUM_REGION = 1000000
NUM_QUEUE = 1000
NUM_CHAMP = 200
D = 32
NSLOT = 10
NC, NS = 2, 16
NW = NC * NS
BPW = B // NW
CHUNK = 128
NCHUNK = BPW // CHUNK

IDXW = 128
RPACK = 128 // D


PBG = 8192
PCB = 4 * PBG
PGRID = -(-NUM_REGION // PCB)


def _pack_body(x_ref, o_ref):
    xt = x_ref[...].astype(jnp.bfloat16).T
    parts = [xt[p * PBG:(p + 1) * PBG] for p in range(4)]
    o_ref[...] = jnp.concatenate(parts, axis=1).astype(jnp.float32)


def _pack(table_t):
    return pl.pallas_call(
        _pack_body,
        grid=(PGRID,),
        in_specs=[pl.BlockSpec((D, PCB), lambda i: (0, i))],
        out_specs=pl.BlockSpec((PBG, 128), lambda i: (i, 0)),
        out_shape=jax.ShapeDtypeStruct((PGRID * PBG, 128), jnp.float32),
    )(table_t)


def _region_body(table128, idx2d, xr, idx_v, rows, sem):
    w = lax.axis_index("s") * NC + lax.axis_index("c")
    pltpu.sync_copy(idx2d.at[pl.ds(w * NCHUNK, NCHUNK)], idx_v)
    copies = [
        pltpu.async_copy(table128.at[idx_v.at[c]],
                         rows.at[pl.ds(c * CHUNK, CHUNK)], sem)
        for c in range(NCHUNK)
    ]
    for cp in copies:
        cp.wait()
    pltpu.sync_copy(rows, xr.at[pl.ds(w * BPW, BPW)])


def _sc_region(table128, idx2d):
    mesh = plsc.VectorSubcoreMesh(core_axis_name="c", subcore_axis_name="s",
                                  num_cores=NC, num_subcores=NS)
    f = pl.kernel(
        _region_body,
        out_type=jax.ShapeDtypeStruct((B, 128), jnp.float32),
        mesh=mesh,
        scratch_types=[
            pltpu.VMEM((NCHUNK, IDXW), jnp.int32),
            pltpu.VMEM((BPW, 128), jnp.float32),
            pltpu.SemaphoreType.DMA,
        ],
        compiler_params=pltpu.CompilerParams(use_tc_tiling_on_sc=True),
    )
    return f(table128, idx2d)


def _small_body(pq, queue2d, champ2d,
                hc, idx_q, idx_c, acc0, acc1, sem0, sem1):
    w = lax.axis_index("s") * NC + lax.axis_index("c")
    pltpu.sync_copy(queue2d.at[pl.ds(w * NCHUNK, NCHUNK)], idx_q)
    pltpu.sync_copy(champ2d.at[pl.ds(w * NCHUNK * NSLOT, NCHUNK * NSLOT)], idx_c)
    bufs = [(acc0, sem0), (acc1, sem1)]

    def init(c):
        acc, sem = bufs[c % 2]
        pltpu.async_copy(pq.at[idx_q.at[c]], acc, sem).wait()
        cps = []
        for j in range(NSLOT):
            cps.append(
                pltpu.async_copy(pq.at[idx_c.at[c * NSLOT + j]], acc, sem,
                                 add=True))
        return cps

    def drain_write(c, cps):
        acc, _ = bufs[c % 2]
        for cp in cps:
            cp.wait()
        base = w * BPW + c * CHUNK
        pltpu.sync_copy(acc, hc.at[pl.ds(base, CHUNK)])

    inflight = {0: init(0), 1: init(1)}
    for c in range(NCHUNK):
        drain_write(c, inflight.pop(c))
        nxt = c + 2
        if nxt < NCHUNK:
            inflight[nxt] = init(nxt)


def _sc_small(pq, queue2d, champ2d):
    mesh = plsc.VectorSubcoreMesh(core_axis_name="c", subcore_axis_name="s",
                                  num_cores=NC, num_subcores=NS)
    f = pl.kernel(
        _small_body,
        out_type=jax.ShapeDtypeStruct((B, 128), jnp.float32),
        mesh=mesh,
        scratch_types=[
            pltpu.VMEM((NCHUNK, IDXW), jnp.int32),
            pltpu.VMEM((NCHUNK * NSLOT, IDXW), jnp.int32),
            pltpu.VMEM((CHUNK, 128), jnp.float32),
            pltpu.VMEM((CHUNK, 128), jnp.float32),
            pltpu.SemaphoreType.DMA,
            pltpu.SemaphoreType.DMA,
        ],
        compiler_params=pltpu.CompilerParams(use_tc_tiling_on_sc=False),
    )
    return f(pq, queue2d, champ2d)


MLP_BLK = 4096


def _mlp_body(xrp, rmod, hc, w1r, b1, w2, b2, out):
    rm = rmod[...]
    xp = xrp[...]
    xsel = jnp.where(rm == 0, xp[:, 0:D], 0.0)
    for p in range(1, RPACK):
        xsel = xsel + jnp.where(rm == p, xp[:, p * D:(p + 1) * D], 0.0)
    h = (jnp.dot(xsel, w1r[...], preferred_element_type=jnp.float32)
         + hc[...] + b1[...])
    h = jnp.maximum(h, 0.0)
    o = jnp.dot(h, w2[...], preferred_element_type=jnp.float32) + b2[...]
    out[...] = 1.0 / (1.0 + jnp.exp(-o))


def _mlp(xrp, rmod, hc, W1, b1, W2, b2):
    w1r = W1[:D]
    grid = (B // MLP_BLK,)
    return pl.pallas_call(
        _mlp_body,
        grid=grid,
        in_specs=[
            pl.BlockSpec((MLP_BLK, 128), lambda i: (i, 0)),
            pl.BlockSpec((MLP_BLK, 1), lambda i: (i, 0)),
            pl.BlockSpec((MLP_BLK, 128), lambda i: (i, 0)),
            pl.BlockSpec((D, 128), lambda i: (0, 0)),
            pl.BlockSpec((1, 128), lambda i: (0, 0)),
            pl.BlockSpec((128, 1), lambda i: (0, 0)),
            pl.BlockSpec((1, 1), lambda i: (0, 0)),
        ],
        out_specs=pl.BlockSpec((MLP_BLK, 1), lambda i: (i, 0)),
        out_shape=jax.ShapeDtypeStruct((B, 1), jnp.float32),
    )(xrp, rmod, hc, w1r, b1.reshape(1, 128), W2, b2.reshape(1, 1))


def kernel(emb_region, emb_queue, emb_champ, W1, b1, W2, b2, region, queue_type, champion_ids):
    region = region.astype(jnp.int32)
    queue_type = queue_type.astype(jnp.int32)
    champ_flat = champion_ids.astype(jnp.int32).reshape(B * NSLOT)

    table_t = emb_region.T
    gidx = ((region >> 15) << 13) | (region & (PBG - 1))
    ridx2d = gidx.reshape(B // IDXW, IDXW)
    rmod = ((region >> 13) & 3).reshape(B, 1)
    w1q, w1c = W1[D:2 * D], W1[2 * D:]
    pq = jnp.concatenate(
        [emb_queue @ w1q]
        + [emb_champ @ w1c[D * j:D * (j + 1)] for j in range(NSLOT)], axis=0)
    nrow = NUM_QUEUE + NSLOT * NUM_CHAMP
    REP = 4
    pq_rep = jnp.tile(pq, (REP, 1))

    queue2d = (queue_type + (jnp.arange(B, dtype=jnp.int32) // (B // REP)) * nrow
               ).reshape(B // IDXW, IDXW)
    slot_off = NUM_QUEUE + (jnp.arange(B * NSLOT, dtype=jnp.int32) % NSLOT) * NUM_CHAMP
    rep_off = (jnp.arange(B * NSLOT, dtype=jnp.int32) // (B * NSLOT // REP)) * nrow
    champ2d = (champ_flat + slot_off + rep_off).reshape(B * NSLOT // IDXW, IDXW)

    hc = _sc_small(pq_rep, queue2d, champ2d)
    table128 = _pack(table_t)
    xrp = _sc_region(table128, ridx2d)
    out = _mlp(xrp, rmod, hc, W1, b1, W2, b2)
    return jnp.squeeze(out, axis=1)

# --- scband reference (transcript-rebuilt; emitter-appended) ---
"""Pipeline reference for scband-match-outcome-transformer-15350213116696 (READ-ONLY COPY).

The authoritative reference and input builder live on the scoring server;
editing this copy changes nothing except your own understanding.
"""

import jax, jax.numpy as jnp
import numpy as np

B = 16384
EMBED_DIM = 32
NUM_REGION = 1000000
NUM_QUEUE = 1000
NUM_CHAMP = 200
TOTAL_EMBED = EMBED_DIM * 2 + EMBED_DIM * 10  # 384


def setup_inputs(seed: int = 0) -> dict:
    key = jax.random.key(seed)
    ks = jax.random.split(key, 10)
    region = jax.random.randint(ks[0], (B,), 0, NUM_REGION, dtype=jnp.int64 if jax.config.jax_enable_x64 else jnp.int32)
    queue_type = jax.random.randint(ks[1], (B,), 0, NUM_QUEUE, dtype=jnp.int64 if jax.config.jax_enable_x64 else jnp.int32)
    champion_ids = jax.random.randint(ks[2], (B, 10), 0, NUM_CHAMP, dtype=jnp.int64 if jax.config.jax_enable_x64 else jnp.int32)
    emb_region = jax.random.normal(ks[3], (NUM_REGION, EMBED_DIM), dtype=jnp.float32) * 0.02
    emb_queue = jax.random.normal(ks[4], (NUM_QUEUE, EMBED_DIM), dtype=jnp.float32) * 0.02
    emb_champ = jax.random.normal(ks[5], (NUM_CHAMP, EMBED_DIM), dtype=jnp.float32) * 0.02
    W1 = jax.random.normal(ks[6], (TOTAL_EMBED, 128), dtype=jnp.float32) * 0.05
    b1 = jnp.zeros((128,), dtype=jnp.float32)
    W2 = jax.random.normal(ks[7], (128, 1), dtype=jnp.float32) * 0.05
    b2 = jnp.zeros((1,), dtype=jnp.float32)
    return {
        "emb_region": emb_region,
        "emb_queue": emb_queue,
        "emb_champ": emb_champ,
        "W1": W1,
        "b1": b1,
        "W2": W2,
        "b2": b2,
        "region": region,
        "queue_type": queue_type,
        "champion_ids": champion_ids,
    }


def reference(emb_region, emb_queue, emb_champ, W1, b1, W2, b2, region, queue_type, champion_ids):
    # Embedding lookups (SparseCore gathers). ModuleDict iteration order: region, queue_type, champion_ids.
    e_r = jnp.take(emb_region, region, axis=0)                       # [B, 32]
    e_q = jnp.take(emb_queue, queue_type, axis=0)                    # [B, 32]
    e_c = jnp.take(emb_champ, champion_ids, axis=0)                  # [B, 10, 32]
    e_c = e_c.reshape(champion_ids.shape[0], -1)                     # [B, 320]
    x = jnp.concatenate([e_r, e_q, e_c], axis=1)                     # [B, 384]
    # dropout is identity in eval mode
    h = jax.nn.relu(x @ W1 + b1)
    out = jax.nn.sigmoid(h @ W2 + b2)
    return jnp.squeeze(out, axis=1)

if __name__ == "__main__":
    import jax
    _d = setup_inputs()
    print(jax.jit(kernel)(*tuple(_d.values())))

</pallas_src>

<mosaic_0001>
#map = affine_map<(d0, d1) -> (0, 0)>
module attributes {stable_mosaic.version = 14 : i64} {
  func.func @_region_body(%arg0: i32, %arg1: i32, %arg2: memref<253952x128xf32, #tpu.memory_space<hbm>>, %arg3: memref<128x128xi32, #tpu.memory_space<hbm>>, %arg4: memref<16384x128xf32, #tpu.memory_space<hbm>>, %arg5: memref<4x128xi32, #tpu.memory_space<vmem>>, %arg6: memref<512x128xf32, #tpu.memory_space<vmem>>, %arg7: memref<!tpu.dma_semaphore, #tpu.memory_space<semaphore_mem>>) attributes {dimension_semantics = [#tpu.dimension_semantics<core_parallel>, #tpu.dimension_semantics<subcore_parallel>], iteration_bounds = array<i64: 2, 16>, scalar_prefetch = 0 : i64, scratch_operands = 3 : i64, tpu.core_type = #tpu.core_type<sc_vector_subcore>, window_params = [{transform_indices = #map}, {transform_indices = #map}, {transform_indices = #map}]} {
    %mul3A = arith.constant 2 : i32
    %mul3A_0 = arith.muli %arg1, %mul3A : i32
    %add3A = arith.addi %mul3A_0, %arg0 : i32
    %mul3A_1 = arith.constant 4 : i32
    %mul3A_2 = arith.muli %add3A, %mul3A_1 : i32
    "tpu.region"() ({
      %run_scoped3A = tpu.sem_alloc : memref<!tpu.dma_semaphore, #tpu.memory_space<semaphore_mem>>
      %dma_start3A_83 = arith.constant 0 : i32
      %dma_start3A_84 = tpu.memref_slice %arg3[%mul3A_2, %dma_start3A_83] : memref<128x128xi32, #tpu.memory_space<hbm>> -> memref<4x128xi32, #tpu.memory_space<hbm>>
      %dma_start3A_85 = arith.constant 0 : i32
      %dma_start3A_86 = tpu.memref_slice %arg3[%mul3A_2, %dma_start3A_85] : memref<128x128xi32, #tpu.memory_space<hbm>> -> memref<4x128xi32, #tpu.memory_space<hbm>>
      tpu.enqueue_dma source(%dma_start3A_86 : memref<4x128xi32, #tpu.memory_space<hbm>>) target(%arg5 : memref<4x128xi32, #tpu.memory_space<vmem>>) target_semaphore(%run_scoped3A : memref<!tpu.dma_semaphore, #tpu.memory_space<semaphore_mem>>)
      %dma_wait3A_87 = arith.constant 0 : i32
      %dma_wait3A_88 = tpu.memref_slice %arg3[%mul3A_2, %dma_wait3A_87] : memref<128x128xi32, #tpu.memory_space<hbm>> -> memref<4x128xi32, #tpu.memory_space<hbm>>
      %dma_wait3A_89 = arith.constant 0 : i32
      %dma_wait3A_90 = tpu.memref_slice %arg3[%mul3A_2, %dma_wait3A_89] : memref<128x128xi32, #tpu.memory_space<hbm>> -> memref<4x128xi32, #tpu.memory_space<hbm>>
      tpu.wait_dma2 semaphore(%run_scoped3A : memref<!tpu.dma_semaphore, #tpu.memory_space<semaphore_mem>>) src(%dma_wait3A_90 : memref<4x128xi32, #tpu.memory_space<hbm>>) dst(%arg5 : memref<4x128xi32, #tpu.memory_space<vmem>>)
      tpu.yield
    }) : () -> ()
    %dma_start3A = arith.constant 0 : i32
    %dma_start3A_3 = arith.constant 0 : i32
    %dma_start3A_4 = arith.constant 0 : i32
    %dma_start3A_5 = tpu.memref_slice %arg6[%dma_start3A_3, %dma_start3A_4] : memref<512x128xf32, #tpu.memory_space<vmem>> -> memref<128x128xf32, #tpu.memory_space<vmem>>
    %dma_start3A_6 = arith.constant 0 : i32
    %dma_start3A_7 = tpu.memref_slice %arg5[%dma_start3A, %dma_start3A_6] : memref<4x128xi32, #tpu.memory_space<vmem>> -> memref<1x128xi32, #tpu.memory_space<vmem>>
    %dma_start3A_8 = tpu.memref_squeeze %dma_start3A_7 : memref<1x128xi32, #tpu.memory_space<vmem>> -> memref<128xi32, #tpu.memory_space<vmem>>
    %dma_start3A_9 = arith.constant 0 : i32
    %dma_start3A_10 = arith.constant 0 : i32
    %dma_start3A_11 = tpu.memref_slice %arg2[%dma_start3A_9, %dma_start3A_10] : memref<253952x128xf32, #tpu.memory_space<hbm>> -> memref<253952x128xf32, #tpu.memory_space<hbm>>
    tpu.enqueue_indirect_dma source(%dma_start3A_11 : memref<253952x128xf32, #tpu.memory_space<hbm>>) target(%dma_start3A_5 : memref<128x128xf32, #tpu.memory_space<vmem>>) offsets(%dma_start3A_8 : memref<128xi32, #tpu.memory_space<vmem>>) semaphore(%arg7 : memref<!tpu.dma_semaphore, #tpu.memory_space<semaphore_mem>>)
    %dma_start3A_12 = arith.constant 1 : i32
    %dma_start3A_13 = arith.constant 128 : i32
    %dma_start3A_14 = arith.constant 0 : i32
    %dma_start3A_15 = tpu.memref_slice %arg6[%dma_start3A_13, %dma_start3A_14] : memref<512x128xf32, #tpu.memory_space<vmem>> -> memref<128x128xf32, #tpu.memory_space<vmem>>
    %dma_start3A_16 = arith.constant 0 : i32
    %dma_start3A_17 = tpu.memref_slice %arg5[%dma_start3A_12, %dma_start3A_16] : memref<4x128xi32, #tpu.memory_space<vmem>> -> memref<1x128xi32, #tpu.memory_space<vmem>>
    %dma_start3A_18 = tpu.memref_squeeze %dma_start3A_17 : memref<1x128xi32, #tpu.memory_space<vmem>> -> memref<128xi32, #tpu.memory_space<vmem>>
    %dma_start3A_19 = arith.constant 0 : i32
    %dma_start3A_20 = arith.constant 0 : i32
    %dma_start3A_21 = tpu.memref_slice %arg2[%dma_start3A_19, %dma_start3A_20] : memref<253952x128xf32, #tpu.memory_space<hbm>> -> memref<253952x128xf32, #tpu.memory_space<hbm>>
    tpu.enqueue_indirect_dma source(%dma_start3A_21 : memref<253952x128xf32, #tpu.memory_space<hbm>>) target(%dma_start3A_15 : memref<128x128xf32, #tpu.memory_space<vmem>>) offsets(%dma_start3A_18 : memref<128xi32, #tpu.memory_space<vmem>>) semaphore(%arg7 : memref<!tpu.dma_semaphore, #tpu.memory_space<semaphore_mem>>)
    %dma_start3A_22 = arith.constant 2 : i32
    %dma_start3A_23 = arith.constant 256 : i32
    %dma_start3A_24 = arith.constant 0 : i32
    %dma_start3A_25 = tpu.memref_slice %arg6[%dma_start3A_23, %dma_start3A_24] : memref<512x128xf32, #tpu.memory_space<vmem>> -> memref<128x128xf32, #tpu.memory_space<vmem>>
    %dma_start3A_26 = arith.constant 0 : i32
    %dma_start3A_27 = tpu.memref_slice %arg5[%dma_start3A_22, %dma_start3A_26] : memref<4x128xi32, #tpu.memory_space<vmem>> -> memref<1x128xi32, #tpu.memory_space<vmem>>
    %dma_start3A_28 = tpu.memref_squeeze %dma_start3A_27 : memref<1x128xi32, #tpu.memory_space<vmem>> -> memref<128xi32, #tpu.memory_space<vmem>>
    %dma_start3A_29 = arith.constant 0 : i32
    %dma_start3A_30 = arith.constant 0 : i32
    %dma_start3A_31 = tpu.memref_slice %arg2[%dma_start3A_29, %dma_start3A_30] : memref<253952x128xf32, #tpu.memory_space<hbm>> -> memref<253952x128xf32, #tpu.memory_space<hbm>>
    tpu.enqueue_indirect_dma source(%dma_start3A_31 : memref<253952x128xf32, #tpu.memory_space<hbm>>) target(%dma_start3A_25 : memref<128x128xf32, #tpu.memory_space<vmem>>) offsets(%dma_start3A_28 : memref<128xi32, #tpu.memory_space<vmem>>) semaphore(%arg7 : memref<!tpu.dma_semaphore, #tpu.memory_space<semaphore_mem>>)
    %dma_start3A_32 = arith.constant 3 : i32
    %dma_start3A_33 = arith.constant 384 : i32
    %dma_start3A_34 = arith.constant 0 : i32
    %dma_start3A_35 = tpu.memref_slice %arg6[%dma_start3A_33, %dma_start3A_34] : memref<512x128xf32, #tpu.memory_space<vmem>> -> memref<128x128xf32, #tpu.memory_space<vmem>>
    %dma_start3A_36 = arith.constant 0 : i32
    %dma_start3A_37 = tpu.memref_slice %arg5[%dma_start3A_32, %dma_start3A_36] : memref<4x128xi32, #tpu.memory_space<vmem>> -> memref<1x128xi32, #tpu.memory_space<vmem>>
    %dma_start3A_38 = tpu.memref_squeeze %dma_start3A_37 : memref<1x128xi32, #tpu.memory_space<vmem>> -> memref<128xi32, #tpu.memory_space<vmem>>
    %dma_start3A_39 = arith.constant 0 : i32
    %dma_start3A_40 = arith.constant 0 : i32
    %dma_start3A_41 = tpu.memref_slice %arg2[%dma_start3A_39, %dma_start3A_40] : memref<253952x128xf32, #tpu.memory_space<hbm>> -> memref<253952x128xf32, #tpu.memory_space<hbm>>
    tpu.enqueue_indirect_dma source(%dma_start3A_41 : memref<253952x128xf32, #tpu.memory_space<hbm>>) target(%dma_start3A_35 : memref<128x128xf32, #tpu.memory_space<vmem>>) offsets(%dma_start3A_38 : memref<128xi32, #tpu.memory_space<vmem>>) semaphore(%arg7 : memref<!tpu.dma_semaphore, #tpu.memory_space<semaphore_mem>>)
    %dma_wait3A = arith.constant 0 : i32
    %dma_wait3A_42 = arith.constant 0 : i32
    %dma_wait3A_43 = arith.constant 0 : i32
    %dma_wait3A_44 = tpu.memref_slice %arg6[%dma_wait3A_42, %dma_wait3A_43] : memref<512x128xf32, #tpu.memory_space<vmem>> -> memref<128x128xf32, #tpu.memory_space<vmem>>
    %dma_wait3A_45 = arith.constant 0 : i32
    %dma_wait3A_46 = tpu.memref_slice %arg5[%dma_wait3A, %dma_wait3A_45] : memref<4x128xi32, #tpu.memory_space<vmem>> -> memref<1x128xi32, #tpu.memory_space<vmem>>
    %dma_wait3A_47 = tpu.memref_squeeze %dma_wait3A_46 : memref<1x128xi32, #tpu.memory_space<vmem>> -> memref<128xi32, #tpu.memory_space<vmem>>
    %dma_wait3A_48 = arith.constant 0 : i32
    %dma_wait3A_49 = arith.constant 0 : i32
    %dma_wait3A_50 = tpu.memref_slice %arg2[%dma_wait3A_48, %dma_wait3A_49] : memref<253952x128xf32, #tpu.memory_space<hbm>> -> memref<253952x128xf32, #tpu.memory_space<hbm>>
    tpu.wait_indirect_dma semaphore(%arg7 : memref<!tpu.dma_semaphore, #tpu.memory_space<semaphore_mem>>) src(%dma_wait3A_50 : memref<253952x128xf32, #tpu.memory_space<hbm>>) dst(%dma_wait3A_44 : memref<128x128xf32, #tpu.memory_space<vmem>>)
    %dma_wait3A_51 = arith.constant 1 : i32
    %dma_wait3A_52 = arith.constant 128 : i32
    %dma_wait3A_53 = arith.constant 0 : i32
    %dma_wait3A_54 = tpu.memref_slice %arg6[%dma_wait3A_52, %dma_wait3A_53] : memref<512x128xf32, #tpu.memory_space<vmem>> -> memref<128x128xf32, #tpu.memory_space<vmem>>
    %dma_wait3A_55 = arith.constant 0 : i32
    %dma_wait3A_56 = tpu.memref_slice %arg5[%dma_wait3A_51, %dma_wait3A_55] : memref<4x128xi32, #tpu.memory_space<vmem>> -> memref<1x128xi32, #tpu.memory_space<vmem>>
    %dma_wait3A_57 = tpu.memref_squeeze %dma_wait3A_56 : memref<1x128xi32, #tpu.memory_space<vmem>> -> memref<128xi32, #tpu.memory_space<vmem>>
    %dma_wait3A_58 = arith.constant 0 : i32
    %dma_wait3A_59 = arith.constant 0 : i32
    %dma_wait3A_60 = tpu.memref_slice %arg2[%dma_wait3A_58, %dma_wait3A_59] : memref<253952x128xf32, #tpu.memory_space<hbm>> -> memref<253952x128xf32, #tpu.memory_space<hbm>>
    tpu.wait_indirect_dma semaphore(%arg7 : memref<!tpu.dma_semaphore, #tpu.memory_space<semaphore_mem>>) src(%dma_wait3A_60 : memref<253952x128xf32, #tpu.memory_space<hbm>>) dst(%dma_wait3A_54 : memref<128x128xf32, #tpu.memory_space<vmem>>)
    %dma_wait3A_61 = arith.constant 2 : i32
    %dma_wait3A_62 = arith.constant 256 : i32
    %dma_wait3A_63 = arith.constant 0 : i32
    %dma_wait3A_64 = tpu.memref_slice %arg6[%dma_wait3A_62, %dma_wait3A_63] : memref<512x128xf32, #tpu.memory_space<vmem>> -> memref<128x128xf32, #tpu.memory_space<vmem>>
    %dma_wait3A_65 = arith.constant 0 : i32
    %dma_wait3A_66 = tpu.memref_slice %arg5[%dma_wait3A_61, %dma_wait3A_65] : memref<4x128xi32, #tpu.memory_space<vmem>> -> memref<1x128xi32, #tpu.memory_space<vmem>>
    %dma_wait3A_67 = tpu.memref_squeeze %dma_wait3A_66 : memref<1x128xi32, #tpu.memory_space<vmem>> -> memref<128xi32, #tpu.memory_space<vmem>>
    %dma_wait3A_68 = arith.constant 0 : i32
    %dma_wait3A_69 = arith.constant 0 : i32
    %dma_wait3A_70 = tpu.memref_slice %arg2[%dma_wait3A_68, %dma_wait3A_69] : memref<253952x128xf32, #tpu.memory_space<hbm>> -> memref<253952x128xf32, #tpu.memory_space<hbm>>
    tpu.wait_indirect_dma semaphore(%arg7 : memref<!tpu.dma_semaphore, #tpu.memory_space<semaphore_mem>>) src(%dma_wait3A_70 : memref<253952x128xf32, #tpu.memory_space<hbm>>) dst(%dma_wait3A_64 : memref<128x128xf32, #tpu.memory_space<vmem>>)
    %dma_wait3A_71 = arith.constant 3 : i32
    %dma_wait3A_72 = arith.constant 384 : i32
    %dma_wait3A_73 = arith.constant 0 : i32
    %dma_wait3A_74 = tpu.memref_slice %arg6[%dma_wait3A_72, %dma_wait3A_73] : memref<512x128xf32, #tpu.memory_space<vmem>> -> memref<128x128xf32, #tpu.memory_space<vmem>>
    %dma_wait3A_75 = arith.constant 0 : i32
    %dma_wait3A_76 = tpu.memref_slice %arg5[%dma_wait3A_71, %dma_wait3A_75] : memref<4x128xi32, #tpu.memory_space<vmem>> -> memref<1x128xi32, #tpu.memory_space<vmem>>
    %dma_wait3A_77 = tpu.memref_squeeze %dma_wait3A_76 : memref<1x128xi32, #tpu.memory_space<vmem>> -> memref<128xi32, #tpu.memory_space<vmem>>
    %dma_wait3A_78 = arith.constant 0 : i32
    %dma_wait3A_79 = arith.constant 0 : i32
    %dma_wait3A_80 = tpu.memref_slice %arg2[%dma_wait3A_78, %dma_wait3A_79] : memref<253952x128xf32, #tpu.memory_space<hbm>> -> memref<253952x128xf32, #tpu.memory_space<hbm>>
    tpu.wait_indirect_dma semaphore(%arg7 : memref<!tpu.dma_semaphore, #tpu.memory_space<semaphore_mem>>) src(%dma_wait3A_80 : memref<253952x128xf32, #tpu.memory_space<hbm>>) dst(%dma_wait3A_74 : memref<128x128xf32, #tpu.memory_space<vmem>>)
    %mul3A_81 = arith.constant 512 : i32
    %mul3A_82 = arith.muli %add3A, %mul3A_81 : i32
    "tpu.region"() ({
      %run_scoped3A = tpu.sem_alloc : memref<!tpu.dma_semaphore, #tpu.memory_space<semaphore_mem>>
      %dma_start3A_83 = arith.constant 0 : i32
      %dma_start3A_84 = tpu.memref_slice %arg4[%mul3A_82, %dma_start3A_83] : memref<16384x128xf32, #tpu.memory_space<hbm>> -> memref<512x128xf32, #tpu.memory_space<hbm>>
      %dma_start3A_85 = arith.constant 0 : i32
      %dma_start3A_86 = tpu.memref_slice %arg4[%mul3A_82, %dma_start3A_85] : memref<16384x128xf32, #tpu.memory_space<hbm>> -> memref<512x128xf32, #tpu.memory_space<hbm>>
      tpu.enqueue_dma source(%arg6 : memref<512x128xf32, #tpu.memory_space<vmem>>) target(%dma_start3A_86 : memref<512x128xf32, #tpu.memory_space<hbm>>) target_semaphore(%run_scoped3A : memref<!tpu.dma_semaphore, #tpu.memory_space<semaphore_mem>>)
      %dma_wait3A_87 = arith.constant 0 : i32
      %dma_wait3A_88 = tpu.memref_slice %arg4[%mul3A_82, %dma_wait3A_87] : memref<16384x128xf32, #tpu.memory_space<hbm>> -> memref<512x128xf32, #tpu.memory_space<hbm>>
      %dma_wait3A_89 = arith.constant 0 : i32
      %dma_wait3A_90 = tpu.memref_slice %arg4[%mul3A_82, %dma_wait3A_89] : memref<16384x128xf32, #tpu.memory_space<hbm>> -> memref<512x128xf32, #tpu.memory_space<hbm>>
      tpu.wait_dma2 semaphore(%run_scoped3A : memref<!tpu.dma_semaphore, #tpu.memory_space<semaphore_mem>>) src(%arg6 : memref<512x128xf32, #tpu.memory_space<vmem>>) dst(%dma_wait3A_90 : memref<512x128xf32, #tpu.memory_space<hbm>>)
      tpu.yield
    }) : () -> ()
    return
  }
}

#map = affine_map<(d0, d1) -> (0, 0)>
module attributes {stable_mosaic.version = 14 : i64} {
  func.func @_small_body(%arg0: i32, %arg1: i32, %arg2: memref<12000x128xf32, #tpu.memory_space<hbm>>, %arg3: memref<128x128xi32, #tpu.memory_space<hbm>>, %arg4: memref<1280x128xi32, #tpu.memory_space<hbm>>, %arg5: memref<16384x128xf32, #tpu.memory_space<hbm>>, %arg6: memref<4x128xi32, #tpu.memory_space<vmem>>, %arg7: memref<40x128xi32, #tpu.memory_space<vmem>>, %arg8: memref<128x128xf32, #tpu.memory_space<vmem>>, %arg9: memref<128x128xf32, #tpu.memory_space<vmem>>, %arg10: memref<!tpu.dma_semaphore, #tpu.memory_space<semaphore_mem>>, %arg11: memref<!tpu.dma_semaphore, #tpu.memory_space<semaphore_mem>>) attributes {dimension_semantics = [#tpu.dimension_semantics<core_parallel>, #tpu.dimension_semantics<subcore_parallel>], iteration_bounds = array<i64: 2, 16>, scalar_prefetch = 0 : i64, scratch_operands = 6 : i64, tpu.core_type = #tpu.core_type<sc_vector_subcore>, window_params = [{transform_indices = #map}, {transform_indices = #map}, {transform_indices = #map}, {transform_indices = #map}]} {
    %mul3A = arith.constant 2 : i32
    %mul3A_0 = arith.muli %arg1, %mul3A : i32
    %add3A = arith.addi %mul3A_0, %arg0 : i32
    %mul3A_1 = arith.constant 4 : i32
    %mul3A_2 = arith.muli %add3A, %mul3A_1 : i32
    "tpu.region"() ({
      %run_scoped3A = tpu.sem_alloc : memref<!tpu.dma_semaphore, #tpu.memory_space<semaphore_mem>>
      %dma_start3A_637 = arith.constant 0 : i32
      %dma_start3A_638 = tpu.memref_slice %arg3[%mul3A_2, %dma_start3A_637] : memref<128x128xi32, #tpu.memory_space<hbm>> -> memref<4x128xi32, #tpu.memory_space<hbm>>
      %dma_start3A_639 = arith.constant 0 : i32
      %dma_start3A_640 = tpu.memref_slice %arg3[%mul3A_2, %dma_start3A_639] : memref<128x128xi32, #tpu.memory_space<hbm>> -> memref<4x128xi32, #tpu.memory_space<hbm>>
      tpu.enqueue_dma source(%dma_start3A_640 : memref<4x128xi32, #tpu.memory_space<hbm>>) target(%arg6 : memref<4x128xi32, #tpu.memory_space<vmem>>) target_semaphore(%run_scoped3A : memref<!tpu.dma_semaphore, #tpu.memory_space<semaphore_mem>>)
      %dma_wait3A_641 = arith.constant 0 : i32
      %dma_wait3A_642 = tpu.memref_slice %arg3[%mul3A_2, %dma_wait3A_641] : memref<128x128xi32, #tpu.memory_space<hbm>> -> memref<4x128xi32, #tpu.memory_space<hbm>>
      %dma_wait3A_643 = arith.constant 0 : i32
      %dma_wait3A_644 = tpu.memref_slice %arg3[%mul3A_2, %dma_wait3A_643] : memref<128x128xi32, #tpu.memory_space<hbm>> -> memref<4x128xi32, #tpu.memory_space<hbm>>
      tpu.wait_dma2 semaphore(%run_scoped3A : memref<!tpu.dma_semaphore, #tpu.memory_space<semaphore_mem>>) src(%dma_wait3A_644 : memref<4x128xi32, #tpu.memory_space<hbm>>) dst(%arg6 : memref<4x128xi32, #tpu.memory_space<vmem>>)
      tpu.yield
    }) : () -> ()
    %mul3A_3 = arith.constant 4 : i32
    %mul3A_4 = arith.muli %add3A, %mul3A_3 : i32
    %mul3A_5 = arith.constant 10 : i32
    %mul3A_6 = arith.muli %mul3A_4, %mul3A_5 : i32
    "tpu.region"() ({
      %run_scoped3A = tpu.sem_alloc : memref<!tpu.dma_semaphore, #tpu.memory_space<semaphore_mem>>
      %dma_start3A_637 = arith.constant 0 : i32
      %dma_start3A_638 = tpu.memref_slice %arg4[%mul3A_6, %dma_start3A_637] : memref<1280x128xi32, #tpu.memory_space<hbm>> -> memref<40x128xi32, #tpu.memory_space<hbm>>
      %dma_start3A_639 = arith.constant 0 : i32
      %dma_start3A_640 = tpu.memref_slice %arg4[%mul3A_6, %dma_start3A_639] : memref<1280x128xi32, #tpu.memory_space<hbm>> -> memref<40x128xi32, #tpu.memory_space<hbm>>
      tpu.enqueue_dma source(%dma_start3A_640 : memref<40x128xi32, #tpu.memory_space<hbm>>) target(%arg7 : memref<40x128xi32, #tpu.memory_space<vmem>>) target_semaphore(%run_scoped3A : memref<!tpu.dma_semaphore, #tpu.memory_space<semaphore_mem>>)
      %dma_wait3A_641 = arith.constant 0 : i32
      %dma_wait3A_642 = tpu.memref_slice %arg4[%mul3A_6, %dma_wait3A_641] : memref<1280x128xi32, #tpu.memory_space<hbm>> -> memref<40x128xi32, #tpu.memory_space<hbm>>
      %dma_wait3A_643 = arith.constant 0 : i32
      %dma_wait3A_644 = tpu.memref_slice %arg4[%mul3A_6, %dma_wait3A_643] : memref<1280x128xi32, #tpu.memory_space<hbm>> -> memref<40x128xi32, #tpu.memory_space<hbm>>
      tpu.wait_dma2 semaphore(%run_scoped3A : memref<!tpu.dma_semaphore, #tpu.memory_space<semaphore_mem>>) src(%dma_wait3A_644 : memref<40x128xi32, #tpu.memory_space<hbm>>) dst(%arg7 : memref<40x128xi32, #tpu.memory_space<vmem>>)
      tpu.yield
    }) : () -> ()
    %dma_start3A = arith.constant 0 : i32
    %dma_start3A_7 = arith.constant 0 : i32
    %dma_start3A_8 = tpu.memref_slice %arg6[%dma_start3A, %dma_start3A_7] : memref<4x128xi32, #tpu.memory_space<vmem>> -> memref<1x128xi32, #tpu.memory_space<vmem>>
    %dma_start3A_9 = tpu.memref_squeeze %dma_start3A_8 : memref<1x128xi32, #tpu.memory_space<vmem>> -> memref<128xi32, #tpu.memory_space<vmem>>
    %dma_start3A_10 = arith.constant 0 : i32
    %dma_start3A_11 = arith.constant 0 : i32
    %dma_start3A_12 = tpu.memref_slice %arg2[%dma_start3A_10, %dma_start3A_11] : memref<12000x128xf32, #tpu.memory_space<hbm>> -> memref<12000x128xf32, #tpu.memory_space<hbm>>
    tpu.enqueue_indirect_dma source(%dma_start3A_12 : memref<12000x128xf32, #tpu.memory_space<hbm>>) target(%arg8 : memref<128x128xf32, #tpu.memory_space<vmem>>) offsets(%dma_start3A_9 : memref<128xi32, #tpu.memory_space<vmem>>) semaphore(%arg10 : memref<!tpu.dma_semaphore, #tpu.memory_space<semaphore_mem>>)
    %dma_wait3A = arith.constant 0 : i32
    %dma_wait3A_13 = arith.constant 0 : i32
    %dma_wait3A_14 = tpu.memref_slice %arg6[%dma_wait3A, %dma_wait3A_13] : memref<4x128xi32, #tpu.memory_space<vmem>> -> memref<1x128xi32, #tpu.memory_space<vmem>>
    %dma_wait3A_15 = tpu.memref_squeeze %dma_wait3A_14 : memref<1x128xi32, #tpu.memory_space<vmem>> -> memref<128xi32, #tpu.memory_space<vmem>>
    %dma_wait3A_16 = arith.constant 0 : i32
    %dma_wait3A_17 = arith.constant 0 : i32
    %dma_wait3A_18 = tpu.memref_slice %arg2[%dma_wait3A_16, %dma_wait3A_17] : memref<12000x128xf32, #tpu.memory_space<hbm>> -> memref<12000x128xf32, #tpu.memory_space<hbm>>
    tpu.wait_indirect_dma semaphore(%arg10 : memref<!tpu.dma_semaphore, #tpu.memory_space<semaphore_mem>>) src(%dma_wait3A_18 : memref<12000x128xf32, #tpu.memory_space<hbm>>) dst(%arg8 : memref<128x128xf32, #tpu.memory_space<vmem>>)
    %dma_start3A_19 = arith.constant 0 : i32
    %dma_start3A_20 = arith.constant 0 : i32
    %dma_start3A_21 = tpu.memref_slice %arg7[%dma_start3A_19, %dma_start3A_20] : memref<40x128xi32, #tpu.memory_space<vmem>> -> memref<1x128xi32, #tpu.memory_space<vmem>>
    %dma_start3A_22 = tpu.memref_squeeze %dma_start3A_21 : memref<1x128xi32, #tpu.memory_space<vmem>> -> memref<128xi32, #tpu.memory_space<vmem>>
    %dma_start3A_23 = arith.constant 0 : i32
    %dma_start3A_24 = arith.constant 0 : i32
    %dma_start3A_25 = tpu.memref_slice %arg2[%dma_start3A_23, %dma_start3A_24] : memref<12000x128xf32, #tpu.memory_space<hbm>> -> memref<12000x128xf32, #tpu.memory_space<hbm>>
    tpu.enqueue_indirect_dma source(%dma_start3A_25 : memref<12000x128xf32, #tpu.memory_space<hbm>>) target(%arg8 : memref<128x128xf32, #tpu.memory_space<vmem>>) offsets(%dma_start3A_22 : memref<128xi32, #tpu.memory_space<vmem>>) semaphore(%arg10 : memref<!tpu.dma_semaphore, #tpu.memory_space<semaphore_mem>>) {add = true}
    %dma_start3A_26 = arith.constant 1 : i32
    %dma_start3A_27 = arith.constant 0 : i32
    %dma_start3A_28 = tpu.memref_slice %arg7[%dma_start3A_26, %dma_start3A_27] : memref<40x128xi32, #tpu.memory_space<vmem>> -> memref<1x128xi32, #tpu.memory_space<vmem>>
    %dma_start3A_29 = tpu.memref_squeeze %dma_start3A_28 : memref<1x128xi32, #tpu.memory_space<vmem>> -> memref<128xi32, #tpu.memory_space<vmem>>
    %dma_start3A_30 = arith.constant 0 : i32
    %dma_start3A_31 = arith.constant 0 : i32
    %dma_start3A_32 = tpu.memref_slice %arg2[%dma_start3A_30, %dma_start3A_31] : memref<12000x128xf32, #tpu.memory_space<hbm>> -> memref<12000x128xf32, #tpu.memory_space<hbm>>
    tpu.enqueue_indirect_dma source(%dma_start3A_32 : memref<12000x128xf32, #tpu.memory_space<hbm>>) target(%arg8 : memref<128x128xf32, #tpu.memory_space<vmem>>) offsets(%dma_start3A_29 : memref<128xi32, #tpu.memory_space<vmem>>) semaphore(%arg10 : memref<!tpu.dma_semaphore, #tpu.memory_space<semaphore_mem>>) {add = true}
    %dma_start3A_33 = arith.constant 2 : i32
    %dma_start3A_34 = arith.constant 0 : i32
    %dma_start3A_35 = tpu.memref_slice %arg7[%dma_start3A_33, %dma_start3A_34] : memref<40x128xi32, #tpu.memory_space<vmem>> -> memref<1x128xi32, #tpu.memory_space<vmem>>
    %dma_start3A_36 = tpu.memref_squeeze %dma_start3A_35 : memref<1x128xi32, #tpu.memory_space<vmem>> -> memref<128xi32, #tpu.memory_space<vmem>>
    %dma_start3A_37 = arith.constant 0 : i32
    %dma_start3A_38 = arith.constant 0 : i32
    %dma_start3A_39 = tpu.memref_slice %arg2[%dma_start3A_37, %dma_start3A_38] : memref<12000x128xf32, #tpu.memory_space<hbm>> -> memref<12000x128xf32, #tpu.memory_space<hbm>>
    tpu.enqueue_indirect_dma source(%dma_start3A_39 : memref<12000x128xf32, #tpu.memory_space<hbm>>) target(%arg8 : memref<128x128xf32, #tpu.memory_space<vmem>>) offsets(%dma_start3A_36 : memref<128xi32, #tpu.memory_space<vmem>>) semaphore(%arg10 : memref<!tpu.dma_semaphore, #tpu.memory_space<semaphore_mem>>) {add = true}
    %dma_start3A_40 = arith.constant 3 : i32
    %dma_start3A_41 = arith.constant 0 : i32
    %dma_start3A_42 = tpu.memref_slice %arg7[%dma_start3A_40, %dma_start3A_41] : memref<40x128xi32, #tpu.memory_space<vmem>> -> memref<1x128xi32, #tpu.memory_space<vmem>>
    %dma_start3A_43 = tpu.memref_squeeze %dma_start3A_42 : memref<1x128xi32, #tpu.memory_space<vmem>> -> memref<128xi32, #tpu.memory_space<vmem>>
    %dma_start3A_44 = arith.constant 0 : i32
    %dma_start3A_45 = arith.constant 0 : i32
    %dma_start3A_46 = tpu.memref_slice %arg2[%dma_start3A_44, %dma_start3A_45] : memref<12000x128xf32, #tpu.memory_space<hbm>> -> memref<12000x128xf32, #tpu.memory_space<hbm>>
    tpu.enqueue_indirect_dma source(%dma_start3A_46 : memref<12000x128xf32, #tpu.memory_space<hbm>>) target(%arg8 : memref<128x128xf32, #tpu.memory_space<vmem>>) offsets(%dma_start3A_43 : memref<128xi32, #tpu.memory_space<vmem>>) semaphore(%arg10 : memref<!tpu.dma_semaphore, #tpu.memory_space<semaphore_mem>>) {add = true}
    %dma_start3A_47 = arith.constant 4 : i32
    %dma_start3A_48 = arith.constant 0 : i32
    %dma_start3A_49 = tpu.memref_slice %arg7[%dma_start3A_47, %dma_start3A_48] : memref<40x128xi32, #tpu.memory_space<vmem>> -> memref<1x128xi32, #tpu.memory_space<vmem>>
    %dma_start3A_50 = tpu.memref_squeeze %dma_start3A_49 : memref<1x128xi32, #tpu.memory_space<vmem>> -> memref<128xi32, #tpu.memory_space<vmem>>
    %dma_start3A_51 = arith.constant 0 : i32
    %dma_start3A_52 = arith.constant 0 : i32
    %dma_start3A_53 = tpu.memref_slice %arg2[%dma_start3A_51, %dma_start3A_52] : memref<12000x128xf32, #tpu.memory_space<hbm>> -> memref<12000x128xf32, #tpu.memory_space<hbm>>
    tpu.enqueue_indirect_dma source(%dma_start3A_53 : memref<12000x128xf32, #tpu.memory_space<hbm>>) target(%arg8 : memref<128x128xf32, #tpu.memory_space<vmem>>) offsets(%dma_start3A_50 : memref<128xi32, #tpu.memory_space<vmem>>) semaphore(%arg10 : memref<!tpu.dma_semaphore, #tpu.memory_space<semaphore_mem>>) {add = true}
    %dma_start3A_54 = arith.constant 5 : i32
    %dma_start3A_55 = arith.constant 0 : i32
    %dma_start3A_56 = tpu.memref_slice %arg7[%dma_start3A_54, %dma_start3A_55] : memref<40x128xi32, #tpu.memory_space<vmem>> -> memref<1x128xi32, #tpu.memory_space<vmem>>
    %dma_start3A_57 = tpu.memref_squeeze %dma_start3A_56 : memref<1x128xi32, #tpu.memory_space<vmem>> -> memref<128xi32, #tpu.memory_space<vmem>>
    %dma_start3A_58 = arith.constant 0 : i32
    %dma_start3A_59 = arith.constant 0 : i32
    %dma_start3A_60 = tpu.memref_slice %arg2[%dma_start3A_58, %dma_start3A_59] : memref<12000x128xf32, #tpu.memory_space<hbm>> -> memref<12000x128xf32, #tpu.memory_space<hbm>>
    tpu.enqueue_indirect_dma source(%dma_start3A_60 : memref<12000x128xf32, #tpu.memory_space<hbm>>) target(%arg8 : memref<128x128xf32, #tpu.memory_space<vmem>>) offsets(%dma_start3A_57 : memref<128xi32, #tpu.memory_space<vmem>>) semaphore(%arg10 : memref<!tpu.dma_semaphore, #tpu.memory_space<semaphore_mem>>) {add = true}
    %dma_start3A_61 = arith.constant 6 : i32
    %dma_start3A_62 = arith.constant 0 : i32
    %dma_start3A_63 = tpu.memref_slice %arg7[%dma_start3A_61, %dma_start3A_62] : memref<40x128xi32, #tpu.memory_space<vmem>> -> memref<1x128xi32, #tpu.memory_space<vmem>>
    %dma_start3A_64 = tpu.memref_squeeze %dma_start3A_63 : memref<1x128xi32, #tpu.memory_space<vmem>> -> memref<128xi32, #tpu.memory_space<vmem>>
    %dma_start3A_65 = arith.constant 0 : i32
    %dma_start3A_66 = arith.constant 0 : i32
    %dma_start3A_67 = tpu.memref_slice %arg2[%dma_start3A_65, %dma_start3A_66] : memref<12000x128xf32, #tpu.memory_space<hbm>> -> memref<12000x128xf32, #tpu.memory_space<hbm>>
    tpu.enqueue_indirect_dma source(%dma_start3A_67 : memref<12000x128xf32, #tpu.memory_space<hbm>>) target(%arg8 : memref<128x128xf32, #tpu.memory_space<vmem>>) offsets(%dma_start3A_64 : memref<128xi32, #tpu.memory_space<vmem>>) semaphore(%arg10 : memref<!tpu.dma_semaphore, #tpu.memory_space<semaphore_mem>>) {add = true}
    %dma_start3A_68 = arith.constant 7 : i32
    %dma_start3A_69 = arith.constant 0 : i32
    %dma_start3A_70 = tpu.memref_slice %arg7[%dma_start3A_68, %dma_start3A_69] : memref<40x128xi32, #tpu.memory_space<vmem>> -> memref<1x128xi32, #tpu.memory_space<vmem>>
    %dma_start3A_71 = tpu.memref_squeeze %dma_start3A_70 : memref<1x128xi32, #tpu.memory_space<vmem>> -> memref<128xi32, #tpu.memory_space<vmem>>
    %dma_start3A_72 = arith.constant 0 : i32
    %dma_start3A_73 = arith.constant 0 : i32
    %dma_start3A_74 = tpu.memref_slice %arg2[%dma_start3A_72, %dma_start3A_73] : memref<12000x128xf32, #tpu.memory_space<hbm>> -> memref<12000x128xf32, #tpu.memory_space<hbm>>
    tpu.enqueue_indirect_dma source(%dma_start3A_74 : memref<12000x128xf32, #tpu.memory_space<hbm>>) target(%arg8 : memref<128x128xf32, #tpu.memory_space<vmem>>) offsets(%dma_start3A_71 : memref<128xi32, #tpu.memory_space<vmem>>) semaphore(%arg10 : memref<!tpu.dma_semaphore, #tpu.memory_space<semaphore_mem>>) {add = true}
    %dma_start3A_75 = arith.constant 8 : i32
    %dma_start3A_76 = arith.constant 0 : i32
    %dma_start3A_77 = tpu.memref_slice %arg7[%dma_start3A_75, %dma_start3A_76] : memref<40x128xi32, #tpu.memory_space<vmem>> -> memref<1x128xi32, #tpu.memory_space<vmem>>
    %dma_start3A_78 = tpu.memref_squeeze %dma_start3A_77 : memref<1x128xi32, #tpu.memory_space<vmem>> -> memref<128xi32, #tpu.memory_space<vmem>>
    %dma_start3A_79 = arith.constant 0 : i32
    %dma_start3A_80 = arith.constant 0 : i32
    %dma_start3A_81 = tpu.memref_slice %arg2[%dma_start3A_79, %dma_start3A_80] : memref<12000x128xf32, #tpu.memory_space<hbm>> -> memref<12000x128xf32, #tpu.memory_space<hbm>>
    tpu.enqueue_indirect_dma source(%dma_start3A_81 : memref<12000x128xf32, #tpu.memory_space<hbm>>) target(%arg8 : memref<128x128xf32, #tpu.memory_space<vmem>>) offsets(%dma_start3A_78 : memref<128xi32, #tpu.memory_space<vmem>>) semaphore(%arg10 : memref<!tpu.dma_semaphore, #tpu.memory_space<semaphore_mem>>) {add = true}
    %dma_start3A_82 = arith.constant 9 : i32
    %dma_start3A_83 = arith.constant 0 : i32
    %dma_start3A_84 = tpu.memref_slice %arg7[%dma_start3A_82, %dma_start3A_83] : memref<40x128xi32, #tpu.memory_space<vmem>> -> memref<1x128xi32, #tpu.memory_space<vmem>>
    %dma_start3A_85 = tpu.memref_squeeze %dma_start3A_84 : memref<1x128xi32, #tpu.memory_space<vmem>> -> memref<128xi32, #tpu.memory_space<vmem>>
    %dma_start3A_86 = arith.constant 0 : i32
    %dma_start3A_87 = arith.constant 0 : i32
    %dma_start3A_88 = tpu.memref_slice %arg2[%dma_start3A_86, %dma_start3A_87] : memref<12000x128xf32, #tpu.memory_space<hbm>> -> memref<12000x128xf32, #tpu.memory_space<hbm>>
    tpu.enqueue_indirect_dma source(%dma_start3A_88 : memref<12000x128xf32, #tpu.memory_space<hbm>>) target(%arg8 : memref<128x128xf32, #tpu.memory_space<vmem>>) offsets(%dma_start3A_85 : memref<128xi32, #tpu.memory_space<vmem>>) semaphore(%arg10 : memref<!tpu.dma_semaphore, #tpu.memory_space<semaphore_mem>>) {add = true}
    %dma_start3A_89 = arith.constant 1 : i32
    %dma_start3A_90 = arith.constant 0 : i32
    %dma_start3A_91 = tpu.memref_slice %arg6[%dma_start3A_89, %dma_start3A_90] : memref<4x128xi32, #tpu.memory_space<vmem>> -> memref<1x128xi32, #tpu.memory_space<vmem>>
    %dma_start3A_92 = tpu.memref_squeeze %dma_start3A_91 : memref<1x128xi32, #tpu.memory_space<vmem>> -> memref<128xi32, #tpu.memory_space<vmem>>
    %dma_start3A_93 = arith.constant 0 : i32
    %dma_start3A_94 = arith.constant 0 : i32
    %dma_start3A_95 = tpu.memref_slice %arg2[%dma_start3A_93, %dma_start3A_94] : memref<12000x128xf32, #tpu.memory_space<hbm>> -> memref<12000x128xf32, #tpu.memory_space<hbm>>
    tpu.enqueue_indirect_dma source(%dma_start3A_95 : memref<12000x128xf32, #tpu.memory_space<hbm>>) target(%arg9 : memref<128x128xf32, #tpu.memory_space<vmem>>) offsets(%dma_start3A_92 : memref<128xi32, #tpu.memory_space<vmem>>) semaphore(%arg11 : memref<!tpu.dma_semaphore, #tpu.memory_space<semaphore_mem>>)
    %dma_wait3A_96 = arith.constant 1 : i32
    %dma_wait3A_97 = arith.constant 0 : i32
    %dma_wait3A_98 = tpu.memref_slice %arg6[%dma_wait3A_96, %dma_wait3A_97] : memref<4x128xi32, #tpu.memory_space<vmem>> -> memref<1x128xi32, #tpu.memory_space<vmem>>
    %dma_wait3A_99 = tpu.memref_squeeze %dma_wait3A_98 : memref<1x128xi32, #tpu.memory_space<vmem>> -> memref<128xi32, #tpu.memory_space<vmem>>
    %dma_wait3A_100 = arith.constant 0 : i32
    %dma_wait3A_101 = arith.constant 0 : i32
    %dma_wait3A_102 = tpu.memref_slice %arg2[%dma_wait3A_100, %dma_wait3A_101] : memref<12000x128xf32, #tpu.memory_space<hbm>> -> memref<12000x128xf32, #tpu.memory_space<hbm>>
    tpu.wait_indirect_dma semaphore(%arg11 : memref<!tpu.dma_semaphore, #tpu.memory_space<semaphore_mem>>) src(%dma_wait3A_102 : memref<12000x128xf32, #tpu.memory_space<hbm>>) dst(%arg9 : memref<128x128xf32, #tpu.memory_space<vmem>>)
    %dma_start3A_103 = arith.constant 10 : i32
    %dma_start3A_104 = arith.constant 0 : i32
    %dma_start3A_105 = tpu.memref_slice %arg7[%dma_start3A_103, %dma_start3A_104] : memref<40x128xi32, #tpu.memory_space<vmem>> -> memref<1x128xi32, #tpu.memory_space<vmem>>
    %dma_start3A_106 = tpu.memref_squeeze %dma_start3A_105 : memref<1x128xi32, #tpu.memory_space<vmem>> -> memref<128xi32, #tpu.memory_space<vmem>>
    %dma_start3A_107 = arith.constant 0 : i32
    %dma_start3A_108 = arith.constant 0 : i32
    %dma_start3A_109 = tpu.memref_slice %arg2[%dma_start3A_107, %dma_start3A_108] : memref<12000x128xf32, #tpu.memory_space<hbm>> -> memref<12000x128xf32, #tpu.memory_space<hbm>>
    tpu.enqueue_indirect_dma source(%dma_start3A_109 : memref<12000x128xf32, #tpu.memory_space<hbm>>) target(%arg9 : memref<128x128xf32, #tpu.memory_space<vmem>>) offsets(%dma_start3A_106 : memref<128xi32, #tpu.memory_space<vmem>>) semaphore(%arg11 : memref<!tpu.dma_semaphore, #tpu.memory_space<semaphore_mem>>) {add = true}
    %dma_start3A_110 = arith.constant 11 : i32
    %dma_start3A_111 = arith.constant 0 : i32
    %dma_start3A_112 = tpu.memref_slice %arg7[%dma_start3A_110, %dma_start3A_111] : memref<40x128xi32, #tpu.memory_space<vmem>> -> memref<1x128xi32, #tpu.memory_space<vmem>>
    %dma_start3A_113 = tpu.memref_squeeze %dma_start3A_112 : memref<1x128xi32, #tpu.memory_space<vmem>> -> memref<128xi32, #tpu.memory_space<vmem>>
    %dma_start3A_114 = arith.constant 0 : i32
    %dma_start3A_115 = arith.constant 0 : i32
    %dma_start3A_116 = tpu.memref_slice %arg2[%dma_start3A_114, %dma_start3A_115] : memref<12000x128xf32, #tpu.memory_space<hbm>> -> memref<12000x128xf32, #tpu.memory_space<hbm>>
    tpu.enqueue_indirect_dma source(%dma_start3A_116 : memref<12000x128xf32, #tpu.memory_space<hbm>>) target(%arg9 : memref<128x128xf32, #tpu.memory_space<vmem>>) offsets(%dma_start3A_113 : memref<128xi32, #tpu.memory_space<vmem>>) semaphore(%arg11 : memref<!tpu.dma_semaphore, #tpu.memory_space<semaphore_mem>>) {add = true}
    %dma_start3A_117 = arith.constant 12 : i32
    %dma_start3A_118 = arith.constant 0 : i32
    %dma_start3A_119 = tpu.memref_slice %arg7[%dma_start3A_117, %dma_start3A_118] : memref<40x128xi32, #tpu.memory_space<vmem>> -> memref<1x128xi32, #tpu.memory_space<vmem>>
    %dma_start3A_120 = tpu.memref_squeeze %dma_start3A_119 : memref<1x128xi32, #tpu.memory_space<vmem>> -> memref<128xi32, #tpu.memory_space<vmem>>
    %dma_start3A_121 = arith.constant 0 : i32
    %dma_start3A_122 = arith.constant 0 : i32
    %dma_start3A_123 = tpu.memref_slice %arg2[%dma_start3A_121, %dma_start3A_122] : memref<12000x128xf32, #tpu.memory_space<hbm>> -> memref<12000x128xf32, #tpu.memory_space<hbm>>
    tpu.enqueue_indirect_dma source(%dma_start3A_123 : memref<12000x128xf32, #tpu.memory_space<hbm>>) target(%arg9 : memref<128x128xf32, #tpu.memory_space<vmem>>) offsets(%dma_start3A_120 : memref<128xi32, #tpu.memory_space<vmem>>) semaphore(%arg11 : memref<!tpu.dma_semaphore, #tpu.memory_space<semaphore_mem>>) {add = true}
    %dma_start3A_124 = arith.constant 13 : i32
    %dma_start3A_125 = arith.constant 0 : i32
    %dma_start3A_126 = tpu.memref_slice %arg7[%dma_start3A_124, %dma_start3A_125] : memref<40x128xi32, #tpu.memory_space<vmem>> -> memref<1x128xi32, #tpu.memory_space<vmem>>
    %dma_start3A_127 = tpu.memref_squeeze %dma_start3A_126 : memref<1x128xi32, #tpu.memory_space<vmem>> -> memref<128xi32, #tpu.memory_space<vmem>>
    %dma_start3A_128 = arith.constant 0 : i32
    %dma_start3A_129 = arith.constant 0 : i32
    %dma_start3A_130 = tpu.memref_slice %arg2[%dma_start3A_128, %dma_start3A_129] : memref<12000x128xf32, #tpu.memory_space<hbm>> -> memref<12000x128xf32, #tpu.memory_space<hbm>>
    tpu.enqueue_indirect_dma source(%dma_start3A_130 : memref<12000x128xf32, #tpu.memory_space<hbm>>) target(%arg9 : memref<128x128xf32, #tpu.memory_space<vmem>>) offsets(%dma_start3A_127 : memref<128xi32, #tpu.memory_space<vmem>>) semaphore(%arg11 : memref<!tpu.dma_semaphore, #tpu.memory_space<semaphore_mem>>) {add = true}
    %dma_start3A_131 = arith.constant 14 : i32
    %dma_start3A_132 = arith.constant 0 : i32
    %dma_start3A_133 = tpu.memref_slice %arg7[%dma_start3A_131, %dma_start3A_132] : memref<40x128xi32, #tpu.memory_space<vmem>> -> memref<1x128xi32, #tpu.memory_space<vmem>>
    %dma_start3A_134 = tpu.memref_squeeze %dma_start3A_133 : memref<1x128xi32, #tpu.memory_space<vmem>> -> memref<128xi32, #tpu.memory_space<vmem>>
    %dma_start3A_135 = arith.constant 0 : i32
    %dma_start3A_136 = arith.constant 0 : i32
    %dma_start3A_137 = tpu.memref_slice %arg2[%dma_start3A_135, %dma_start3A_136] : memref<12000x128xf32, #tpu.memory_space<hbm>> -> memref<12000x128xf32, #tpu.memory_space<hbm>>
    tpu.enqueue_indirect_dma source(%dma_start3A_137 : memref<12000x128xf32, #tpu.memory_space<hbm>>) target(%arg9 : memref<128x128xf32, #tpu.memory_space<vmem>>) offsets(%dma_start3A_134 : memref<128xi32, #tpu.memory_space<vmem>>) semaphore(%arg11 : memref<!tpu.dma_semaphore, #tpu.memory_space<semaphore_mem>>) {add = true}
    %dma_start3A_138 = arith.constant 15 : i32
    %dma_start3A_139 = arith.constant 0 : i32
    %dma_start3A_140 = tpu.memref_slice %arg7[%dma_start3A_138, %dma_start3A_139] : memref<40x128xi32, #tpu.memory_space<vmem>> -> memref<1x128xi32, #tpu.memory_space<vmem>>
    %dma_start3A_141 = tpu.memref_squeeze %dma_start3A_140 : memref<1x128xi32, #tpu.memory_space<vmem>> -> memref<128xi32, #tpu.memory_space<vmem>>
    %dma_start3A_142 = arith.constant 0 : i32
    %dma_start3A_143 = arith.constant 0 : i32
    %dma_start3A_144 = tpu.memref_slice %arg2[%dma_start3A_142, %dma_start3A_143] : memref<12000x128xf32, #tpu.memory_space<hbm>> -> memref<12000x128xf32, #tpu.memory_space<hbm>>
    tpu.enqueue_indirect_dma source(%dma_start3A_144 : memref<12000x128xf32, #tpu.memory_space<hbm>>) target(%arg9 : memref<128x128xf32, #tpu.memory_space<vmem>>) offsets(%dma_start3A_141 : memref<128xi32, #tpu.memory_space<vmem>>) semaphore(%arg11 : memref<!tpu.dma_semaphore, #tpu.memory_space<semaphore_mem>>) {add = true}
    %dma_start3A_145 = arith.constant 16 : i32
    %dma_start3A_146 = arith.constant 0 : i32
    %dma_start3A_147 = tpu.memref_slice %arg7[%dma_start3A_145, %dma_start3A_146] : memref<40x128xi32, #tpu.memory_space<vmem>> -> memref<1x128xi32, #tpu.memory_space<vmem>>
    %dma_start3A_148 = tpu.memref_squeeze %dma_start3A_147 : memref<1x128xi32, #tpu.memory_space<vmem>> -> memref<128xi32, #tpu.memory_space<vmem>>
    %dma_start3A_149 = arith.constant 0 : i32
    %dma_start3A_150 = arith.constant 0 : i32
    %dma_start3A_151 = tpu.memref_slice %arg2[%dma_start3A_149, %dma_start3A_150] : memref<12000x128xf32, #tpu.memory_space<hbm>> -> memref<12000x128xf32, #tpu.memory_space<hbm>>
    tpu.enqueue_indirect_dma source(%dma_start3A_151 : memref<12000x128xf32, #tpu.memory_space<hbm>>) target(%arg9 : memref<128x128xf32, #tpu.memory_space<vmem>>) offsets(%dma_start3A_148 : memref<128xi32, #tpu.memory_space<vmem>>) semaphore(%arg11 : memref<!tpu.dma_semaphore, #tpu.memory_space<semaphore_mem>>) {add = true}
    %dma_start3A_152 = arith.constant 17 : i32
    %dma_start3A_153 = arith.constant 0 : i32
    %dma_start3A_154 = tpu.memref_slice %arg7[%dma_start3A_152, %dma_start3A_153] : memref<40x128xi32, #tpu.memory_space<vmem>> -> memref<1x128xi32, #tpu.memory_space<vmem>>
    %dma_start3A_155 = tpu.memref_squeeze %dma_start3A_154 : memref<1x128xi32, #tpu.memory_space<vmem>> -> memref<128xi32, #tpu.memory_space<vmem>>
    %dma_start3A_156 = arith.constant 0 : i32
    %dma_start3A_157 = arith.constant 0 : i32
    %dma_start3A_158 = tpu.memref_slice %arg2[%dma_start3A_156, %dma_start3A_157] : memref<12000x128xf32, #tpu.memory_space<hbm>> -> memref<12000x128xf32, #tpu.memory_space<hbm>>
    tpu.enqueue_indirect_dma source(%dma_start3A_158 : memref<12000x128xf32, #tpu.memory_space<hbm>>) target(%arg9 : memref<128x128xf32, #tpu.memory_space<vmem>>) offsets(%dma_start3A_155 : memref<128xi32, #tpu.memory_space<vmem>>) semaphore(%arg11 : memref<!tpu.dma_semaphore, #tpu.memory_space<semaphore_mem>>) {add = true}
    %dma_start3A_159 = arith.constant 18 : i32
    %dma_start3A_160 = arith.constant 0 : i32
    %dma_start3A_161 = tpu.memref_slice %arg7[%dma_start3A_159, %dma_start3A_160] : memref<40x128xi32, #tpu.memory_space<vmem>> -> memref<1x128xi32, #tpu.memory_space<vmem>>
    %dma_start3A_162 = tpu.memref_squeeze %dma_start3A_161 : memref<1x128xi32, #tpu.memory_space<vmem>> -> memref<128xi32, #tpu.memory_space<vmem>>
    %dma_start3A_163 = arith.constant 0 : i32
    %dma_start3A_164 = arith.constant 0 : i32
    %dma_start3A_165 = tpu.memref_slice %arg2[%dma_start3A_163, %dma_start3A_164] : memref<12000x128xf32, #tpu.memory_space<hbm>> -> memref<12000x128xf32, #tpu.memory_space<hbm>>
    tpu.enqueue_indirect_dma source(%dma_start3A_165 : memref<12000x128xf32, #tpu.memory_space<hbm>>) target(%arg9 : memref<128x128xf32, #tpu.memory_space<vmem>>) offsets(%dma_start3A_162 : memref<128xi32, #tpu.memory_space<vmem>>) semaphore(%arg11 : memref<!tpu.dma_semaphore, #tpu.memory_space<semaphore_mem>>) {add = true}
    %dma_start3A_166 = arith.constant 19 : i32
    %dma_start3A_167 = arith.constant 0 : i32
    %dma_start3A_168 = tpu.memref_slice %arg7[%dma_start3A_166, %dma_start3A_167] : memref<40x128xi32, #tpu.memory_space<vmem>> -> memref<1x128xi32, #tpu.memory_space<vmem>>
    %dma_start3A_169 = tpu.memref_squeeze %dma_start3A_168 : memref<1x128xi32, #tpu.memory_space<vmem>> -> memref<128xi32, #tpu.memory_space<vmem>>
    %dma_start3A_170 = arith.constant 0 : i32
    %dma_start3A_171 = arith.constant 0 : i32
    %dma_start3A_172 = tpu.memref_slice %arg2[%dma_start3A_170, %dma_start3A_171] : memref<12000x128xf32, #tpu.memory_space<hbm>> -> memref<12000x128xf32, #tpu.memory_space<hbm>>
    tpu.enqueue_indirect_dma source(%dma_start3A_172 : memref<12000x128xf32, #tpu.memory_space<hbm>>) target(%arg9 : memref<128x128xf32, #tpu.memory_space<vmem>>) offsets(%dma_start3A_169 : memref<128xi32, #tpu.memory_space<vmem>>) semaphore(%arg11 : memref<!tpu.dma_semaphore, #tpu.memory_space<semaphore_mem>>) {add = true}
    %dma_wait3A_173 = arith.constant 0 : i32
    %dma_wait3A_174 = arith.constant 0 : i32
    %dma_wait3A_175 = tpu.memref_slice %arg7[%dma_wait3A_173, %dma_wait3A_174] : memref<40x128xi32, #tpu.memory_space<vmem>> -> memref<1x128xi32, #tpu.memory_space<vmem>>
    %dma_wait3A_176 = tpu.memref_squeeze %dma_wait3A_175 : memref<1x128xi32, #tpu.memory_space<vmem>> -> memref<128xi32, #tpu.memory_space<vmem>>
    %dma_wait3A_177 = arith.constant 0 : i32
    %dma_wait3A_178 = arith.constant 0 : i32
    %dma_wait3A_179 = tpu.memref_slice %arg2[%dma_wait3A_177, %dma_wait3A_178] : memref<12000x128xf32, #tpu.memory_space<hbm>> -> memref<12000x128xf32, #tpu.memory_space<hbm>>
    tpu.wait_indirect_dma semaphore(%arg10 : memref<!tpu.dma_semaphore, #tpu.memory_space<semaphore_mem>>) src(%dma_wait3A_179 : memref<12000x128xf32, #tpu.memory_space<hbm>>) dst(%arg8 : memref<128x128xf32, #tpu.memory_space<vmem>>)
    %dma_wait3A_180 = arith.constant 1 : i32
    %dma_wait3A_181 = arith.constant 0 : i32
    %dma_wait3A_182 = tpu.memref_slice %arg7[%dma_wait3A_180, %dma_wait3A_181] : memref<40x128xi32, #tpu.memory_space<vmem>> -> memref<1x128xi32, #tpu.memory_space<vmem>>
    %dma_wait3A_183 = tpu.memref_squeeze %dma_wait3A_182 : memref<1x128xi32, #tpu.memory_space<vmem>> -> memref<128xi32, #tpu.memory_space<vmem>>
    %dma_wait3A_184 = arith.constant 0 : i32
    %dma_wait3A_185 = arith.constant 0 : i32
    %dma_wait3A_186 = tpu.memref_slice %arg2[%dma_wait3A_184, %dma_wait3A_185] : memref<12000x128xf32, #tpu.memory_space<hbm>> -> memref<12000x128xf32, #tpu.memory_space<hbm>>
    tpu.wait_indirect_dma semaphore(%arg10 : memref<!tpu.dma_semaphore, #tpu.memory_space<semaphore_mem>>) src(%dma_wait3A_186 : memref<12000x128xf32, #tpu.memory_space<hbm>>) dst(%arg8 : memref<128x128xf32, #tpu.memory_space<vmem>>)
    %dma_wait3A_187 = arith.constant 2 : i32
    %dma_wait3A_188 = arith.constant 0 : i32
    %dma_wait3A_189 = tpu.memref_slice %arg7[%dma_wait3A_187, %dma_wait3A_188] : memref<40x128xi32, #tpu.memory_space<vmem>> -> memref<1x128xi32, #tpu.memory_space<vmem>>
    %dma_wait3A_190 = tpu.memref_squeeze %dma_wait3A_189 : memref<1x128xi32, #tpu.memory_space<vmem>> -> memref<128xi32, #tpu.memory_space<vmem>>
    %dma_wait3A_191 = arith.constant 0 : i32
    %dma_wait3A_192 = arith.constant 0 : i32
    %dma_wait3A_193 = tpu.memref_slice %arg2[%dma_wait3A_191, %dma_wait3A_192] : memref<12000x128xf32, #tpu.memory_space<hbm>> -> memref<12000x128xf32, #tpu.memory_space<hbm>>
    tpu.wait_indirect_dma semaphore(%arg10 : memref<!tpu.dma_semaphore, #tpu.memory_space<semaphore_mem>>) src(%dma_wait3A_193 : memref<12000x128xf32, #tpu.memory_space<hbm>>) dst(%arg8 : memref<128x128xf32, #tpu.memory_space<vmem>>)
    %dma_wait3A_194 = arith.constant 3 : i32
    %dma_wait3A_195 = arith.constant 0 : i32
    %dma_wait3A_196 = tpu.memref_slice %arg7[%dma_wait3A_194, %dma_wait3A_195] : memref<40x128xi32, #tpu.memory_space<vmem>> -> memref<1x128xi32, #tpu.memory_space<vmem>>
    %dma_wait3A_197 = tpu.memref_squeeze %dma_wait3A_196 : memref<1x128xi32, #tpu.memory_space<vmem>> -> memref<128xi32, #tpu.memory_space<vmem>>
    %dma_wait3A_198 = arith.constant 0 : i32
    %dma_wait3A_199 = arith.constant 0 : i32
    %dma_wait3A_200 = tpu.memref_slice %arg2[%dma_wait3A_198, %dma_wait3A_199] : memref<12000x128xf32, #tpu.memory_space<hbm>> -> memref<12000x128xf32, #tpu.memory_space<hbm>>
    tpu.wait_indirect_dma semaphore(%arg10 : memref<!tpu.dma_semaphore, #tpu.memory_space<semaphore_mem>>) src(%dma_wait3A_200 : memref<12000x128xf32, #tpu.memory_space<hbm>>) dst(%arg8 : memref<128x128xf32, #tpu.memory_space<vmem>>)
    %dma_wait3A_201 = arith.constant 4 : i32
    %dma_wait3A_202 = arith.constant 0 : i32
    %dma_wait3A_203 = tpu.memref_slice %arg7[%dma_wait3A_201, %dma_wait3A_202] : memref<40x128xi32, #tpu.memory_space<vmem>> -> memref<1x128xi32, #tpu.memory_space<vmem>>
    %dma_wait3A_204 = tpu.memref_squeeze %dma_wait3A_203 : memref<1x128xi32, #tpu.memory_space<vmem>> -> memref<128xi32, #tpu.memory_space<vmem>>
    %dma_wait3A_205 = arith.constant 0 : i32
    %dma_wait3A_206 = arith.constant 0 : i32
    %dma_wait3A_207 = tpu.memref_slice %arg2[%dma_wait3A_205, %dma_wait3A_206] : memref<12000x128xf32, #tpu.memory_space<hbm>> -> memref<12000x128xf32, #tpu.memory_space<hbm>>
    tpu.wait_indirect_dma semaphore(%arg10 : memref<!tpu.dma_semaphore, #tpu.memory_space<semaphore_mem>>) src(%dma_wait3A_207 : memref<12000x128xf32, #tpu.memory_space<hbm>>) dst(%arg8 : memref<128x128xf32, #tpu.memory_space<vmem>>)
    %dma_wait3A_208 = arith.constant 5 : i32
    %dma_wait3A_209 = arith.constant 0 : i32
    %dma_wait3A_210 = tpu.memref_slice %arg7[%dma_wait3A_208, %dma_wait3A_209] : memref<40x128xi32, #tpu.memory_space<vmem>> -> memref<1x128xi32, #tpu.memory_space<vmem>>
    %dma_wait3A_211 = tpu.memref_squeeze %dma_wait3A_210 : memref<1x128xi32, #tpu.memory_space<vmem>> -> memref<128xi32, #tpu.memory_space<vmem>>
    %dma_wait3A_212 = arith.constant 0 : i32
    %dma_wait3A_213 = arith.constant 0 : i32
    %dma_wait3A_214 = tpu.memref_slice %arg2[%dma_wait3A_212, %dma_wait3A_213] : memref<12000x128xf32, #tpu.memory_space<hbm>> -> memref<12000x128xf32, #tpu.memory_space<hbm>>
    tpu.wait_indirect_dma semaphore(%arg10 : memref<!tpu.dma_semaphore, #tpu.memory_space<semaphore_mem>>) src(%dma_wait3A_214 : memref<12000x128xf32, #tpu.memory_space<hbm>>) dst(%arg8 : memref<128x128xf32, #tpu.memory_space<vmem>>)
    %dma_wait3A_215 = arith.constant 6 : i32
    %dma_wait3A_216 = arith.constant 0 : i32
    %dma_wait3A_217 = tpu.memref_slice %arg7[%dma_wait3A_215, %dma_wait3A_216] : memref<40x128xi32, #tpu.memory_space<vmem>> -> memref<1x128xi32, #tpu.memory_space<vmem>>
    %dma_wait3A_218 = tpu.memref_squeeze %dma_wait3A_217 : memref<1x128xi32, #tpu.memory_space<vmem>> -> memref<128xi32, #tpu.memory_space<vmem>>
    %dma_wait3A_219 = arith.constant 0 : i32
    %dma_wait3A_220 = arith.constant 0 : i32
    %dma_wait3A_221 = tpu.memref_slice %arg2[%dma_wait3A_219, %dma_wait3A_220] : memref<12000x128xf32, #tpu.memory_space<hbm>> -> memref<12000x128xf32, #tpu.memory_space<hbm>>
    tpu.wait_indirect_dma semaphore(%arg10 : memref<!tpu.dma_semaphore, #tpu.memory_space<semaphore_mem>>) src(%dma_wait3A_221 : memref<12000x128xf32, #tpu.memory_space<hbm>>) dst(%arg8 : memref<128x128xf32, #tpu.memory_space<vmem>>)
    %dma_wait3A_222 = arith.constant 7 : i32
    %dma_wait3A_223 = arith.constant 0 : i32
    %dma_wait3A_224 = tpu.memref_slice %arg7[%dma_wait3A_222, %dma_wait3A_223] : memref<40x128xi32, #tpu.memory_space<vmem>> -> memref<1x128xi32, #tpu.memory_space<vmem>>
    %dma_wait3A_225 = tpu.memref_squeeze %dma_wait3A_224 : memref<1x128xi32, #tpu.memory_space<vmem>> -> memref<128xi32, #tpu.memory_space<vmem>>
    %dma_wait3A_226 = arith.constant 0 : i32
    %dma_wait3A_227 = arith.constant 0 : i32
    %dma_wait3A_228 = tpu.memref_slice %arg2[%dma_wait3A_226, %dma_wait3A_227] : memref<12000x128xf32, #tpu.memory_space<hbm>> -> memref<12000x128xf32, #tpu.memory_space<hbm>>
    tpu.wait_indirect_dma semaphore(%arg10 : memref<!tpu.dma_semaphore, #tpu.memory_space<semaphore_mem>>) src(%dma_wait3A_228 : memref<12000x128xf32, #tpu.memory_space<hbm>>) dst(%arg8 : memref<128x128xf32, #tpu.memory_space<vmem>>)
    %dma_wait3A_229 = arith.constant 8 : i32
    %dma_wait3A_230 = arith.constant 0 : i32
    %dma_wait3A_231 = tpu.memref_slice %arg7[%dma_wait3A_229, %dma_wait3A_230] : memref<40x128xi32, #tpu.memory_space<vmem>> -> memref<1x128xi32, #tpu.memory_space<vmem>>
    %dma_wait3A_232 = tpu.memref_squeeze %dma_wait3A_231 : memref<1x128xi32, #tpu.memory_space<vmem>> -> memref<128xi32, #tpu.memory_space<vmem>>
    %dma_wait3A_233 = arith.constant 0 : i32
    %dma_wait3A_234 = arith.constant 0 : i32
    %dma_wait3A_235 = tpu.memref_slice %arg2[%dma_wait3A_233, %dma_wait3A_234] : memref<12000x128xf32, #tpu.memory_space<hbm>> -> memref<12000x128xf32, #tpu.memory_space<hbm>>
    tpu.wait_indirect_dma semaphore(%arg10 : memref<!tpu.dma_semaphore, #tpu.memory_space<semaphore_mem>>) src(%dma_wait3A_235 : memref<12000x128xf32, #tpu.memory_space<hbm>>) dst(%arg8 : memref<128x128xf32, #tpu.memory_space<vmem>>)
    %dma_wait3A_236 = arith.constant 9 : i32
    %dma_wait3A_237 = arith.constant 0 : i32
    %dma_wait3A_238 = tpu.memref_slice %arg7[%dma_wait3A_236, %dma_wait3A_237] : memref<40x128xi32, #tpu.memory_space<vmem>> -> memref<1x128xi32, #tpu.memory_space<vmem>>
    %dma_wait3A_239 = tpu.memref_squeeze %dma_wait3A_238 : memref<1x128xi32, #tpu.memory_space<vmem>> -> memref<128xi32, #tpu.memory_space<vmem>>
    %dma_wait3A_240 = arith.constant 0 : i32
    %dma_wait3A_241 = arith.constant 0 : i32
    %dma_wait3A_242 = tpu.memref_slice %arg2[%dma_wait3A_240, %dma_wait3A_241] : memref<12000x128xf32, #tpu.memory_space<hbm>> -> memref<12000x128xf32, #tpu.memory_space<hbm>>
    tpu.wait_indirect_dma semaphore(%arg10 : memref<!tpu.dma_semaphore, #tpu.memory_space<semaphore_mem>>) src(%dma_wait3A_242 : memref<12000x128xf32, #tpu.memory_space<hbm>>) dst(%arg8 : memref<128x128xf32, #tpu.memory_space<vmem>>)
    %mul3A_243 = arith.constant 512 : i32
    %mul3A_244 = arith.muli %add3A, %mul3A_243 : i32
    %add3A_245 = arith.constant 0 : i32
    %add3A_246 = arith.addi %mul3A_244, %add3A_245 : i32
    "tpu.region"() ({
      %run_scoped3A = tpu.sem_alloc : memref<!tpu.dma_semaphore, #tpu.memory_space<semaphore_mem>>
      %dma_start3A_637 = arith.constant 0 : i32
      %dma_start3A_638 = tpu.memref_slice %arg5[%add3A_246, %dma_start3A_637] : memref<16384x128xf32, #tpu.memory_space<hbm>> -> memref<128x128xf32, #tpu.memory_space<hbm>>
      %dma_start3A_639 = arith.constant 0 : i32
      %dma_start3A_640 = tpu.memref_slice %arg5[%add3A_246, %dma_start3A_639] : memref<16384x128xf32, #tpu.memory_space<hbm>> -> memref<128x128xf32, #tpu.memory_space<hbm>>
      tpu.enqueue_dma source(%arg8 : memref<128x128xf32, #tpu.memory_space<vmem>>) target(%dma_start3A_640 : memref<128x128xf32, #tpu.memory_space<hbm>>) target_semaphore(%run_scoped3A : memref<!tpu.dma_semaphore, #tpu.memory_space<semaphore_mem>>)
      %dma_wait3A_641 = arith.constant 0 : i32
      %dma_wait3A_642 = tpu.memref_slice %arg5[%add3A_246, %dma_wait3A_641] : memref<16384x128xf32, #tpu.memory_space<hbm>> -> memref<128x128xf32, #tpu.memory_space<hbm>>
      %dma_wait3A_643 = arith.constant 0 : i32
      %dma_wait3A_644 = tpu.memref_slice %arg5[%add3A_246, %dma_wait3A_643] : memref<16384x128xf32, #tpu.memory_space<hbm>> -> memref<128x128xf32, #tpu.memory_space<hbm>>
      tpu.wait_dma2 semaphore(%run_scoped3A : memref<!tpu.dma_semaphore, #tpu.memory_space<semaphore_mem>>) src(%arg8 : memref<128x128xf32, #tpu.memory_space<vmem>>) dst(%dma_wait3A_644 : memref<128x128xf32, #tpu.memory_space<hbm>>)
      tpu.yield
    }) : () -> ()
    %dma_start3A_247 = arith.constant 2 : i32
    %dma_start3A_248 = arith.constant 0 : i32
    %dma_start3A_249 = tpu.memref_slice %arg6[%dma_start3A_247, %dma_start3A_248] : memref<4x128xi32, #tpu.memory_space<vmem>> -> memref<1x128xi32, #tpu.memory_space<vmem>>
    %dma_start3A_250 = tpu.memref_squeeze %dma_start3A_249 : memref<1x128xi32, #tpu.memory_space<vmem>> -> memref<128xi32, #tpu.memory_space<vmem>>
    %dma_start3A_251 = arith.constant 0 : i32
    %dma_start3A_252 = arith.constant 0 : i32
    %dma_start3A_253 = tpu.memref_slice %arg2[%dma_start3A_251, %dma_start3A_252] : memref<12000x128xf32, #tpu.memory_space<hbm>> -> memref<12000x128xf32, #tpu.memory_space<hbm>>
    tpu.enqueue_indirect_dma source(%dma_start3A_253 : memref<12000x128xf32, #tpu.memory_space<hbm>>) target(%arg8 : memref<128x128xf32, #tpu.memory_space<vmem>>) offsets(%dma_start3A_250 : memref<128xi32, #tpu.memory_space<vmem>>) semaphore(%arg10 : memref<!tpu.dma_semaphore, #tpu.memory_space<semaphore_mem>>)
    %dma_wait3A_254 = arith.constant 2 : i32
    %dma_wait3A_255 = arith.constant 0 : i32
    %dma_wait3A_256 = tpu.memref_slice %arg6[%dma_wait3A_254, %dma_wait3A_255] : memref<4x128xi32, #tpu.memory_space<vmem>> -> memref<1x128xi32, #tpu.memory_space<vmem>>
    %dma_wait3A_257 = tpu.memref_squeeze %dma_wait3A_256 : memref<1x128xi32, #tpu.memory_space<vmem>> -> memref<128xi32, #tpu.memory_space<vmem>>
    %dma_wait3A_258 = arith.constant 0 : i32
    %dma_wait3A_259 = arith.constant 0 : i32
    %dma_wait3A_260 = tpu.memref_slice %arg2[%dma_wait3A_258, %dma_wait3A_259] : memref<12000x128xf32, #tpu.memory_space<hbm>> -> memref<12000x128xf32, #tpu.memory_space<hbm>>
    tpu.wait_indirect_dma semaphore(%arg10 : memref<!tpu.dma_semaphore, #tpu.memory_space<semaphore_mem>>) src(%dma_wait3A_260 : memref<12000x128xf32, #tpu.memory_space<hbm>>) dst(%arg8 : memref<128x128xf32, #tpu.memory_space<vmem>>)
    %dma_start3A_261 = arith.constant 20 : i32
    %dma_start3A_262 = arith.constant 0 : i32
    %dma_start3A_263 = tpu.memref_slice %arg7[%dma_start3A_261, %dma_start3A_262] : memref<40x128xi32, #tpu.memory_space<vmem>> -> memref<1x128xi32, #tpu.memory_space<vmem>>
    %dma_start3A_264 = tpu.memref_squeeze %dma_start3A_263 : memref<1x128xi32, #tpu.memory_space<vmem>> -> memref<128xi32, #tpu.memory_space<vmem>>
    %dma_start3A_265 = arith.constant 0 : i32
    %dma_start3A_266 = arith.constant 0 : i32
    %dma_start3A_267 = tpu.memref_slice %arg2[%dma_start3A_265, %dma_start3A_266] : memref<12000x128xf32, #tpu.memory_space<hbm>> -> memref<12000x128xf32, #tpu.memory_space<hbm>>
    tpu.enqueue_indirect_dma source(%dma_start3A_267 : memref<12000x128xf32, #tpu.memory_space<hbm>>) target(%arg8 : memref<128x128xf32, #tpu.memory_space<vmem>>) offsets(%dma_start3A_264 : memref<128xi32, #tpu.memory_space<vmem>>) semaphore(%arg10 : memref<!tpu.dma_semaphore, #tpu.memory_space<semaphore_mem>>) {add = true}
    %dma_start3A_268 = arith.constant 21 : i32
    %dma_start3A_269 = arith.constant 0 : i32
    %dma_start3A_270 = tpu.memref_slice %arg7[%dma_start3A_268, %dma_start3A_269] : memref<40x128xi32, #tpu.memory_space<vmem>> -> memref<1x128xi32, #tpu.memory_space<vmem>>
    %dma_start3A_271 = tpu.memref_squeeze %dma_start3A_270 : memref<1x128xi32, #tpu.memory_space<vmem>> -> memref<128xi32, #tpu.memory_space<vmem>>
    %dma_start3A_272 = arith.constant 0 : i32
    %dma_start3A_273 = arith.constant 0 : i32
    %dma_start3A_274 = tpu.memref_slice %arg2[%dma_start3A_272, %dma_start3A_273] : memref<12000x128xf32, #tpu.memory_space<hbm>> -> memref<12000x128xf32, #tpu.memory_space<hbm>>
    tpu.enqueue_indirect_dma source(%dma_start3A_274 : memref<12000x128xf32, #tpu.memory_space<hbm>>) target(%arg8 : memref<128x128xf32, #tpu.memory_space<vmem>>) offsets(%dma_start3A_271 : memref<128xi32, #tpu.memory_space<vmem>>) semaphore(%arg10 : memref<!tpu.dma_semaphore, #tpu.memory_space<semaphore_mem>>) {add = true}
    %dma_start3A_275 = arith.constant 22 : i32
    %dma_start3A_276 = arith.constant 0 : i32
    %dma_start3A_277 = tpu.memref_slice %arg7[%dma_start3A_275, %dma_start3A_276] : memref<40x128xi32, #tpu.memory_space<vmem>> -> memref<1x128xi32, #tpu.memory_space<vmem>>
    %dma_start3A_278 = tpu.memref_squeeze %dma_start3A_277 : memref<1x128xi32, #tpu.memory_space<vmem>> -> memref<128xi32, #tpu.memory_space<vmem>>
    %dma_start3A_279 = arith.constant 0 : i32
    %dma_start3A_280 = arith.constant 0 : i32
    %dma_start3A_281 = tpu.memref_slice %arg2[%dma_start3A_279, %dma_start3A_280] : memref<12000x128xf32, #tpu.memory_space<hbm>> -> memref<12000x128xf32, #tpu.memory_space<hbm>>
    tpu.enqueue_indirect_dma source(%dma_start3A_281 : memref<12000x128xf32, #tpu.memory_space<hbm>>) target(%arg8 : memref<128x128xf32, #tpu.memory_space<vmem>>) offsets(%dma_start3A_278 : memref<128xi32, #tpu.memory_space<vmem>>) semaphore(%arg10 : memref<!tpu.dma_semaphore, #tpu.memory_space<semaphore_mem>>) {add = true}
    %dma_start3A_282 = arith.constant 23 : i32
    %dma_start3A_283 = arith.constant 0 : i32
    %dma_start3A_284 = tpu.memref_slice %arg7[%dma_start3A_282, %dma_start3A_283] : memref<40x128xi32, #tpu.memory_space<vmem>> -> memref<1x128xi32, #tpu.memory_space<vmem>>
    %dma_start3A_285 = tpu.memref_squeeze %dma_start3A_284 : memref<1x128xi32, #tpu.memory_space<vmem>> -> memref<128xi32, #tpu.memory_space<vmem>>
    %dma_start3A_286 = arith.constant 0 : i32
    %dma_start3A_287 = arith.constant 0 : i32
    %dma_start3A_288 = tpu.memref_slice %arg2[%dma_start3A_286, %dma_start3A_287] : memref<12000x128xf32, #tpu.memory_space<hbm>> -> memref<12000x128xf32, #tpu.memory_space<hbm>>
    tpu.enqueue_indirect_dma source(%dma_start3A_288 : memref<12000x128xf32, #tpu.memory_space<hbm>>) target(%arg8 : memref<128x128xf32, #tpu.memory_space<vmem>>) offsets(%dma_start3A_285 : memref<128xi32, #tpu.memory_space<vmem>>) semaphore(%arg10 : memref<!tpu.dma_semaphore, #tpu.memory_space<semaphore_mem>>) {add = true}
    %dma_start3A_289 = arith.constant 24 : i32
    %dma_start3A_290 = arith.constant 0 : i32
    %dma_start3A_291 = tpu.memref_slice %arg7[%dma_start3A_289, %dma_start3A_290] : memref<40x128xi32, #tpu.memory_space<vmem>> -> memref<1x128xi32, #tpu.memory_space<vmem>>
    %dma_start3A_292 = tpu.memref_squeeze %dma_start3A_291 : memref<1x128xi32, #tpu.memory_space<vmem>> -> memref<128xi32, #tpu.memory_space<vmem>>
    %dma_start3A_293 = arith.constant 0 : i32
    %dma_start3A_294 = arith.constant 0 : i32
    %dma_start3A_295 = tpu.memref_slice %arg2[%dma_start3A_293, %dma_start3A_294] : memref<12000x128xf32, #tpu.memory_space<hbm>> -> memref<12000x128xf32, #tpu.memory_space<hbm>>
    tpu.enqueue_indirect_dma source(%dma_start3A_295 : memref<12000x128xf32, #tpu.memory_space<hbm>>) target(%arg8 : memref<128x128xf32, #tpu.memory_space<vmem>>) offsets(%dma_start3A_292 : memref<128xi32, #tpu.memory_space<vmem>>) semaphore(%arg10 : memref<!tpu.dma_semaphore, #tpu.memory_space<semaphore_mem>>) {add = true}
    %dma_start3A_296 = arith.constant 25 : i32
    %dma_start3A_297 = arith.constant 0 : i32
    %dma_start3A_298 = tpu.memref_slice %arg7[%dma_start3A_296, %dma_start3A_297] : memref<40x128xi32, #tpu.memory_space<vmem>> -> memref<1x128xi32, #tpu.memory_space<vmem>>
    %dma_start3A_299 = tpu.memref_squeeze %dma_start3A_298 : memref<1x128xi32, #tpu.memory_space<vmem>> -> memref<128xi32, #tpu.memory_space<vmem>>
    %dma_start3A_300 = arith.constant 0 : i32
    %dma_start3A_301 = arith.constant 0 : i32
    %dma_start3A_302 = tpu.memref_slice %arg2[%dma_start3A_300, %dma_start3A_301] : memref<12000x128xf32, #tpu.memory_space<hbm>> -> memref<12000x128xf32, #tpu.memory_space<hbm>>
    tpu.enqueue_indirect_dma source(%dma_start3A_302 : memref<12000x128xf32, #tpu.memory_space<hbm>>) target(%arg8 : memref<128x128xf32, #tpu.memory_space<vmem>>) offsets(%dma_start3A_299 : memref<128xi32, #tpu.memory_space<vmem>>) semaphore(%arg10 : memref<!tpu.dma_semaphore, #tpu.memory_space<semaphore_mem>>) {add = true}
    %dma_start3A_303 = arith.constant 26 : i32
    %dma_start3A_304 = arith.constant 0 : i32
    %dma_start3A_305 = tpu.memref_slice %arg7[%dma_start3A_303, %dma_start3A_304] : memref<40x128xi32, #tpu.memory_space<vmem>> -> memref<1x128xi32, #tpu.memory_space<vmem>>
    %dma_start3A_306 = tpu.memref_squeeze %dma_start3A_305 : memref<1x128xi32, #tpu.memory_space<vmem>> -> memref<128xi32, #tpu.memory_space<vmem>>
    %dma_start3A_307 = arith.constant 0 : i32
    %dma_start3A_308 = arith.constant 0 : i32
    %dma_start3A_309 = tpu.memref_slice %arg2[%dma_start3A_307, %dma_start3A_308] : memref<12000x128xf32, #tpu.memory_space<hbm>> -> memref<12000x128xf32, #tpu.memory_space<hbm>>
    tpu.enqueue_indirect_dma source(%dma_start3A_309 : memref<12000x128xf32, #tpu.memory_space<hbm>>) target(%arg8 : memref<128x128xf32, #tpu.memory_space<vmem>>) offsets(%dma_start3A_306 : memref<128xi32, #tpu.memory_space<vmem>>) semaphore(%arg10 : memref<!tpu.dma_semaphore, #tpu.memory_space<semaphore_mem>>) {add = true}
    %dma_start3A_310 = arith.constant 27 : i32
    %dma_start3A_311 = arith.constant 0 : i32
    %dma_start3A_312 = tpu.memref_slice %arg7[%dma_start3A_310, %dma_start3A_311] : memref<40x128xi32, #tpu.memory_space<vmem>> -> memref<1x128xi32, #tpu.memory_space<vmem>>
    %dma_start3A_313 = tpu.memref_squeeze %dma_start3A_312 : memref<1x128xi32, #tpu.memory_space<vmem>> -> memref<128xi32, #tpu.memory_space<vmem>>
    %dma_start3A_314 = arith.constant 0 : i32
    %dma_start3A_315 = arith.constant 0 : i32
    %dma_start3A_316 = tpu.memref_slice %arg2[%dma_start3A_314, %dma_start3A_315] : memref<12000x128xf32, #tpu.memory_space<hbm>> -> memref<12000x128xf32, #tpu.memory_space<hbm>>
    tpu.enqueue_indirect_dma source(%dma_start3A_316 : memref<12000x128xf32, #tpu.memory_space<hbm>>) target(%arg8 : memref<128x128xf32, #tpu.memory_space<vmem>>) offsets(%dma_start3A_313 : memref<128xi32, #tpu.memory_space<vmem>>) semaphore(%arg10 : memref<!tpu.dma_semaphore, #tpu.memory_space<semaphore_mem>>) {add = true}
    %dma_start3A_317 = arith.constant 28 : i32
    %dma_start3A_318 = arith.constant 0 : i32
    %dma_start3A_319 = tpu.memref_slice %arg7[%dma_start3A_317, %dma_start3A_318] : memref<40x128xi32, #tpu.memory_space<vmem>> -> memref<1x128xi32, #tpu.memory_space<vmem>>
    %dma_start3A_320 = tpu.memref_squeeze %dma_start3A_319 : memref<1x128xi32, #tpu.memory_space<vmem>> -> memref<128xi32, #tpu.memory_space<vmem>>
    %dma_start3A_321 = arith.constant 0 : i32
    %dma_start3A_322 = arith.constant 0 : i32
    %dma_start3A_323 = tpu.memref_slice %arg2[%dma_start3A_321, %dma_start3A_322] : memref<12000x128xf32, #tpu.memory_space<hbm>> -> memref<12000x128xf32, #tpu.memory_space<hbm>>
    tpu.enqueue_indirect_dma source(%dma_start3A_323 : memref<12000x128xf32, #tpu.memory_space<hbm>>) target(%arg8 : memref<128x128xf32, #tpu.memory_space<vmem>>) offsets(%dma_start3A_320 : memref<128xi32, #tpu.memory_space<vmem>>) semaphore(%arg10 : memref<!tpu.dma_semaphore, #tpu.memory_space<semaphore_mem>>) {add = true}
    %dma_start3A_324 = arith.constant 29 : i32
    %dma_start3A_325 = arith.constant 0 : i32
    %dma_start3A_326 = tpu.memref_slice %arg7[%dma_start3A_324, %dma_start3A_325] : memref<40x128xi32, #tpu.memory_space<vmem>> -> memref<1x128xi32, #tpu.memory_space<vmem>>
    %dma_start3A_327 = tpu.memref_squeeze %dma_start3A_326 : memref<1x128xi32, #tpu.memory_space<vmem>> -> memref<128xi32, #tpu.memory_space<vmem>>
    %dma_start3A_328 = arith.constant 0 : i32
    %dma_start3A_329 = arith.constant 0 : i32
    %dma_start3A_330 = tpu.memref_slice %arg2[%dma_start3A_328, %dma_start3A_329] : memref<12000x128xf32, #tpu.memory_space<hbm>> -> memref<12000x128xf32, #tpu.memory_space<hbm>>
    tpu.enqueue_indirect_dma source(%dma_start3A_330 : memref<12000x128xf32, #tpu.memory_space<hbm>>) target(%arg8 : memref<128x128xf32, #tpu.memory_space<vmem>>) offsets(%dma_start3A_327 : memref<128xi32, #tpu.memory_space<vmem>>) semaphore(%arg10 : memref<!tpu.dma_semaphore, #tpu.memory_space<semaphore_mem>>) {add = true}
    %dma_wait3A_331 = arith.constant 10 : i32
    %dma_wait3A_332 = arith.constant 0 : i32
    %dma_wait3A_333 = tpu.memref_slice %arg7[%dma_wait3A_331, %dma_wait3A_332] : memref<40x128xi32, #tpu.memory_space<vmem>> -> memref<1x128xi32, #tpu.memory_space<vmem>>
    %dma_wait3A_334 = tpu.memref_squeeze %dma_wait3A_333 : memref<1x128xi32, #tpu.memory_space<vmem>> -> memref<128xi32, #tpu.memory_space<vmem>>
    %dma_wait3A_335 = arith.constant 0 : i32
    %dma_wait3A_336 = arith.constant 0 : i32
    %dma_wait3A_337 = tpu.memref_slice %arg2[%dma_wait3A_335, %dma_wait3A_336] : memref<12000x128xf32, #tpu.memory_space<hbm>> -> memref<12000x128xf32, #tpu.memory_space<hbm>>
    tpu.wait_indirect_dma semaphore(%arg11 : memref<!tpu.dma_semaphore, #tpu.memory_space<semaphore_mem>>) src(%dma_wait3A_337 : memref<12000x128xf32, #tpu.memory_space<hbm>>) dst(%arg9 : memref<128x128xf32, #tpu.memory_space<vmem>>)
    %dma_wait3A_338 = arith.constant 11 : i32
    %dma_wait3A_339 = arith.constant 0 : i32
    %dma_wait3A_340 = tpu.memref_slice %arg7[%dma_wait3A_338, %dma_wait3A_339] : memref<40x128xi32, #tpu.memory_space<vmem>> -> memref<1x128xi32, #tpu.memory_space<vmem>>
    %dma_wait3A_341 = tpu.memref_squeeze %dma_wait3A_340 : memref<1x128xi32, #tpu.memory_space<vmem>> -> memref<128xi32, #tpu.memory_space<vmem>>
    %dma_wait3A_342 = arith.constant 0 : i32
    %dma_wait3A_343 = arith.constant 0 : i32
    %dma_wait3A_344 = tpu.memref_slice %arg2[%dma_wait3A_342, %dma_wait3A_343] : memref<12000x128xf32, #tpu.memory_space<hbm>> -> memref<12000x128xf32, #tpu.memory_space<hbm>>
    tpu.wait_indirect_dma semaphore(%arg11 : memref<!tpu.dma_semaphore, #tpu.memory_space<semaphore_mem>>) src(%dma_wait3A_344 : memref<12000x128xf32, #tpu.memory_space<hbm>>) dst(%arg9 : memref<128x128xf32, #tpu.memory_space<vmem>>)
    %dma_wait3A_345 = arith.constant 12 : i32
    %dma_wait3A_346 = arith.constant 0 : i32
    %dma_wait3A_347 = tpu.memref_slice %arg7[%dma_wait3A_345, %dma_wait3A_346] : memref<40x128xi32, #tpu.memory_space<vmem>> -> memref<1x128xi32, #tpu.memory_space<vmem>>
    %dma_wait3A_348 = tpu.memref_squeeze %dma_wait3A_347 : memref<1x128xi32, #tpu.memory_space<vmem>> -> memref<128xi32, #tpu.memory_space<vmem>>
    %dma_wait3A_349 = arith.constant 0 : i32
    %dma_wait3A_350 = arith.constant 0 : i32
    %dma_wait3A_351 = tpu.memref_slice %arg2[%dma_wait3A_349, %dma_wait3A_350] : memref<12000x128xf32, #tpu.memory_space<hbm>> -> memref<12000x128xf32, #tpu.memory_space<hbm>>
    tpu.wait_indirect_dma semaphore(%arg11 : memref<!tpu.dma_semaphore, #tpu.memory_space<semaphore_mem>>) src(%dma_wait3A_351 : memref<12000x128xf32, #tpu.memory_space<hbm>>) dst(%arg9 : memref<128x128xf32, #tpu.memory_space<vmem>>)
    %dma_wait3A_352 = arith.constant 13 : i32
    %dma_wait3A_353 = arith.constant 0 : i32
    %dma_wait3A_354 = tpu.memref_slice %arg7[%dma_wait3A_352, %dma_wait3A_353] : memref<40x128xi32, #tpu.memory_space<vmem>> -> memref<1x128xi32, #tpu.memory_space<vmem>>
    %dma_wait3A_355 = tpu.memref_squeeze %dma_wait3A_354 : memref<1x128xi32, #tpu.memory_space<vmem>> -> memref<128xi32, #tpu.memory_space<vmem>>
    %dma_wait3A_356 = arith.constant 0 : i32
    %dma_wait3A_357 = arith.constant 0 : i32
    %dma_wait3A_358 = tpu.memref_slice %arg2[%dma_wait3A_356, %dma_wait3A_357] : memref<12000x128xf32, #tpu.memory_space<hbm>> -> memref<12000x128xf32, #tpu.memory_space<hbm>>
    tpu.wait_indirect_dma semaphore(%arg11 : memref<!tpu.dma_semaphore, #tpu.memory_space<semaphore_mem>>) src(%dma_wait3A_358 : memref<12000x128xf32, #tpu.memory_space<hbm>>) dst(%arg9 : memref<128x128xf32, #tpu.memory_space<vmem>>)
    %dma_wait3A_359 = arith.constant 14 : i32
    %dma_wait3A_360 = arith.constant 0 : i32
    %dma_wait3A_361 = tpu.memref_slice %arg7[%dma_wait3A_359, %dma_wait3A_360] : memref<40x128xi32, #tpu.memory_space<vmem>> -> memref<1x128xi32, #tpu.memory_space<vmem>>
    %dma_wait3A_362 = tpu.memref_squeeze %dma_wait3A_361 : memref<1x128xi32, #tpu.memory_space<vmem>> -> memref<128xi32, #tpu.memory_space<vmem>>
    %dma_wait3A_363 = arith.constant 0 : i32
    %dma_wait3A_364 = arith.constant 0 : i32
    %dma_wait3A_365 = tpu.memref_slice %arg2[%dma_wait3A_363, %dma_wait3A_364] : memref<12000x128xf32, #tpu.memory_space<hbm>> -> memref<12000x128xf32, #tpu.memory_space<hbm>>
    tpu.wait_indirect_dma semaphore(%arg11 : memref<!tpu.dma_semaphore, #tpu.memory_space<semaphore_mem>>) src(%dma_wait3A_365 : memref<12000x128xf32, #tpu.memory_space<hbm>>) dst(%arg9 : memref<128x128xf32, #tpu.memory_space<vmem>>)
    %dma_wait3A_366 = arith.constant 15 : i32
    %dma_wait3A_367 = arith.constant 0 : i32
    %dma_wait3A_368 = tpu.memref_slice %arg7[%dma_wait3A_366, %dma_wait3A_367] : memref<40x128xi32, #tpu.memory_space<vmem>> -> memref<1x128xi32, #tpu.memory_space<vmem>>
    %dma_wait3A_369 = tpu.memref_squeeze %dma_wait3A_368 : memref<1x128xi32, #tpu.memory_space<vmem>> -> memref<128xi32, #tpu.memory_space<vmem>>
    %dma_wait3A_370 = arith.constant 0 : i32
    %dma_wait3A_371 = arith.constant 0 : i32
    %dma_wait3A_372 = tpu.memref_slice %arg2[%dma_wait3A_370, %dma_wait3A_371] : memref<12000x128xf32, #tpu.memory_space<hbm>> -> memref<12000x128xf32, #tpu.memory_space<hbm>>
    tpu.wait_indirect_dma semaphore(%arg11 : memref<!tpu.dma_semaphore, #tpu.memory_space<semaphore_mem>>) src(%dma_wait3A_372 : memref<12000x128xf32, #tpu.memory_space<hbm>>) dst(%arg9 : memref<128x128xf32, #tpu.memory_space<vmem>>)
    %dma_wait3A_373 = arith.constant 16 : i32
    %dma_wait3A_374 = arith.constant 0 : i32
    %dma_wait3A_375 = tpu.memref_slice %arg7[%dma_wait3A_373, %dma_wait3A_374] : memref<40x128xi32, #tpu.memory_space<vmem>> -> memref<1x128xi32, #tpu.memory_space<vmem>>
    %dma_wait3A_376 = tpu.memref_squeeze %dma_wait3A_375 : memref<1x128xi32, #tpu.memory_space<vmem>> -> memref<128xi32, #tpu.memory_space<vmem>>
    %dma_wait3A_377 = arith.constant 0 : i32
    %dma_wait3A_378 = arith.constant 0 : i32
    %dma_wait3A_379 = tpu.memref_slice %arg2[%dma_wait3A_377, %dma_wait3A_378] : memref<12000x128xf32, #tpu.memory_space<hbm>> -> memref<12000x128xf32, #tpu.memory_space<hbm>>
    tpu.wait_indirect_dma semaphore(%arg11 : memref<!tpu.dma_semaphore, #tpu.memory_space<semaphore_mem>>) src(%dma_wait3A_379 : memref<12000x128xf32, #tpu.memory_space<hbm>>) dst(%arg9 : memref<128x128xf32, #tpu.memory_space<vmem>>)
    %dma_wait3A_380 = arith.constant 17 : i32
    %dma_wait3A_381 = arith.constant 0 : i32
    %dma_wait3A_382 = tpu.memref_slice %arg7[%dma_wait3A_380, %dma_wait3A_381] : memref<40x128xi32, #tpu.memory_space<vmem>> -> memref<1x128xi32, #tpu.memory_space<vmem>>
    %dma_wait3A_383 = tpu.memref_squeeze %dma_wait3A_382 : memref<1x128xi32, #tpu.memory_space<vmem>> -> memref<128xi32, #tpu.memory_space<vmem>>
    %dma_wait3A_384 = arith.constant 0 : i32
    %dma_wait3A_385 = arith.constant 0 : i32
    %dma_wait3A_386 = tpu.memref_slice %arg2[%dma_wait3A_384, %dma_wait3A_385] : memref<12000x128xf32, #tpu.memory_space<hbm>> -> memref<12000x128xf32, #tpu.memory_space<hbm>>
    tpu.wait_indirect_dma semaphore(%arg11 : memref<!tpu.dma_semaphore, #tpu.memory_space<semaphore_mem>>) src(%dma_wait3A_386 : memref<12000x128xf32, #tpu.memory_space<hbm>>) dst(%arg9 : memref<128x128xf32, #tpu.memory_space<vmem>>)
    %dma_wait3A_387 = arith.constant 18 : i32
    %dma_wait3A_388 = arith.constant 0 : i32
    %dma_wait3A_389 = tpu.memref_slice %arg7[%dma_wait3A_387, %dma_wait3A_388] : memref<40x128xi32, #tpu.memory_space<vmem>> -> memref<1x128xi32, #tpu.memory_space<vmem>>
    %dma_wait3A_390 = tpu.memref_squeeze %dma_wait3A_389 : memref<1x128xi32, #tpu.memory_space<vmem>> -> memref<128xi32, #tpu.memory_space<vmem>>
    %dma_wait3A_391 = arith.constant 0 : i32
    %dma_wait3A_392 = arith.constant 0 : i32
    %dma_wait3A_393 = tpu.memref_slice %arg2[%dma_wait3A_391, %dma_wait3A_392] : memref<12000x128xf32, #tpu.memory_space<hbm>> -> memref<12000x128xf32, #tpu.memory_space<hbm>>
    tpu.wait_indirect_dma semaphore(%arg11 : memref<!tpu.dma_semaphore, #tpu.memory_space<semaphore_mem>>) src(%dma_wait3A_393 : memref<12000x128xf32, #tpu.memory_space<hbm>>) dst(%arg9 : memref<128x128xf32, #tpu.memory_space<vmem>>)
    %dma_wait3A_394 = arith.constant 19 : i32
    %dma_wait3A_395 = arith.constant 0 : i32
    %dma_wait3A_396 = tpu.memref_slice %arg7[%dma_wait3A_394, %dma_wait3A_395] : memref<40x128xi32, #tpu.memory_space<vmem>> -> memref<1x128xi32, #tpu.memory_space<vmem>>
    %dma_wait3A_397 = tpu.memref_squeeze %dma_wait3A_396 : memref<1x128xi32, #tpu.memory_space<vmem>> -> memref<128xi32, #tpu.memory_space<vmem>>
    %dma_wait3A_398 = arith.constant 0 : i32
    %dma_wait3A_399 = arith.constant 0 : i32
    %dma_wait3A_400 = tpu.memref_slice %arg2[%dma_wait3A_398, %dma_wait3A_399] : memref<12000x128xf32, #tpu.memory_space<hbm>> -> memref<12000x128xf32, #tpu.memory_space<hbm>>
    tpu.wait_indirect_dma semaphore(%arg11 : memref<!tpu.dma_semaphore, #tpu.memory_space<semaphore_mem>>) src(%dma_wait3A_400 : memref<12000x128xf32, #tpu.memory_space<hbm>>) dst(%arg9 : memref<128x128xf32, #tpu.memory_space<vmem>>)
    %mul3A_401 = arith.constant 512 : i32
    %mul3A_402 = arith.muli %add3A, %mul3A_401 : i32
    %add3A_403 = arith.constant 128 : i32
    %add3A_404 = arith.addi %mul3A_402, %add3A_403 : i32
    "tpu.region"() ({
      %run_scoped3A = tpu.sem_alloc : memref<!tpu.dma_semaphore, #tpu.memory_space<semaphore_mem>>
      %dma_start3A_637 = arith.constant 0 : i32
      %dma_start3A_638 = tpu.memref_slice %arg5[%add3A_404, %dma_start3A_637] : memref<16384x128xf32, #tpu.memory_space<hbm>> -> memref<128x128xf32, #tpu.memory_space<hbm>>
      %dma_start3A_639 = arith.constant 0 : i32
      %dma_start3A_640 = tpu.memref_slice %arg5[%add3A_404, %dma_start3A_639] : memref<16384x128xf32, #tpu.memory_space<hbm>> -> memref<128x128xf32, #tpu.memory_space<hbm>>
      tpu.enqueue_dma source(%arg9 : memref<128x128xf32, #tpu.memory_space<vmem>>) target(%dma_start3A_640 : memref<128x128xf32, #tpu.memory_space<hbm>>) target_semaphore(%run_scoped3A : memref<!tpu.dma_semaphore, #tpu.memory_space<semaphore_mem>>)
      %dma_wait3A_641 = arith.constant 0 : i32
      %dma_wait3A_642 = tpu.memref_slice %arg5[%add3A_404, %dma_wait3A_641] : memref<16384x128xf32, #tpu.memory_space<hbm>> -> memref<128x128xf32, #tpu.memory_space<hbm>>
      %dma_wait3A_643 = arith.constant 0 : i32
      %dma_wait3A_644 = tpu.memref_slice %arg5[%add3A_404, %dma_wait3A_643] : memref<16384x128xf32, #tpu.memory_space<hbm>> -> memref<128x128xf32, #tpu.memory_space<hbm>>
      tpu.wait_dma2 semaphore(%run_scoped3A : memref<!tpu.dma_semaphore, #tpu.memory_space<semaphore_mem>>) src(%arg9 : memref<128x128xf32, #tpu.memory_space<vmem>>) dst(%dma_wait3A_644 : memref<128x128xf32, #tpu.memory_space<hbm>>)
      tpu.yield
    }) : () -> ()
    %dma_start3A_405 = arith.constant 3 : i32
    %dma_start3A_406 = arith.constant 0 : i32
    %dma_start3A_407 = tpu.memref_slice %arg6[%dma_start3A_405, %dma_start3A_406] : memref<4x128xi32, #tpu.memory_space<vmem>> -> memref<1x128xi32, #tpu.memory_space<vmem>>
    %dma_start3A_408 = tpu.memref_squeeze %dma_start3A_407 : memref<1x128xi32, #tpu.memory_space<vmem>> -> memref<128xi32, #tpu.memory_space<vmem>>
    %dma_start3A_409 = arith.constant 0 : i32
    %dma_start3A_410 = arith.constant 0 : i32
    %dma_start3A_411 = tpu.memref_slice %arg2[%dma_start3A_409, %dma_start3A_410] : memref<12000x128xf32, #tpu.memory_space<hbm>> -> memref<12000x128xf32, #tpu.memory_space<hbm>>
    tpu.enqueue_indirect_dma source(%dma_start3A_411 : memref<12000x128xf32, #tpu.memory_space<hbm>>) target(%arg9 : memref<128x128xf32, #tpu.memory_space<vmem>>) offsets(%dma_start3A_408 : memref<128xi32, #tpu.memory_space<vmem>>) semaphore(%arg11 : memref<!tpu.dma_semaphore, #tpu.memory_space<semaphore_mem>>)
    %dma_wait3A_412 = arith.constant 3 : i32
    %dma_wait3A_413 = arith.constant 0 : i32
    %dma_wait3A_414 = tpu.memref_slice %arg6[%dma_wait3A_412, %dma_wait3A_413] : memref<4x128xi32, #tpu.memory_space<vmem>> -> memref<1x128xi32, #tpu.memory_space<vmem>>
    %dma_wait3A_415 = tpu.memref_squeeze %dma_wait3A_414 : memref<1x128xi32, #tpu.memory_space<vmem>> -> memref<128xi32, #tpu.memory_space<vmem>>
    %dma_wait3A_416 = arith.constant 0 : i32
    %dma_wait3A_417 = arith.constant 0 : i32
    %dma_wait3A_418 = tpu.memref_slice %arg2[%dma_wait3A_416, %dma_wait3A_417] : memref<12000x128xf32, #tpu.memory_space<hbm>> -> memref<12000x128xf32, #tpu.memory_space<hbm>>
    tpu.wait_indirect_dma semaphore(%arg11 : memref<!tpu.dma_semaphore, #tpu.memory_space<semaphore_mem>>) src(%dma_wait3A_418 : memref<12000x128xf32, #tpu.memory_space<hbm>>) dst(%arg9 : memref<128x128xf32, #tpu.memory_space<vmem>>)
    %dma_start3A_419 = arith.constant 30 : i32
    %dma_start3A_420 = arith.constant 0 : i32
    %dma_start3A_421 = tpu.memref_slice %arg7[%dma_start3A_419, %dma_start3A_420] : memref<40x128xi32, #tpu.memory_space<vmem>> -> memref<1x128xi32, #tpu.memory_space<vmem>>
    %dma_start3A_422 = tpu.memref_squeeze %dma_start3A_421 : memref<1x128xi32, #tpu.memory_space<vmem>> -> memref<128xi32, #tpu.memory_space<vmem>>
    %dma_start3A_423 = arith.constant 0 : i32
    %dma_start3A_424 = arith.constant 0 : i32
    %dma_start3A_425 = tpu.memref_slice %arg2[%dma_start3A_423, %dma_start3A_424] : memref<12000x128xf32, #tpu.memory_space<hbm>> -> memref<12000x128xf32, #tpu.memory_space<hbm>>
    tpu.enqueue_indirect_dma source(%dma_start3A_425 : memref<12000x128xf32, #tpu.memory_space<hbm>>) target(%arg9 : memref<128x128xf32, #tpu.memory_space<vmem>>) offsets(%dma_start3A_422 : memref<128xi32, #tpu.memory_space<vmem>>) semaphore(%arg11 : memref<!tpu.dma_semaphore, #tpu.memory_space<semaphore_mem>>) {add = true}
    %dma_start3A_426 = arith.constant 31 : i32
    %dma_start3A_427 = arith.constant 0 : i32
    %dma_start3A_428 = tpu.memref_slice %arg7[%dma_start3A_426, %dma_start3A_427] : memref<40x128xi32, #tpu.memory_space<vmem>> -> memref<1x128xi32, #tpu.memory_space<vmem>>
    %dma_start3A_429 = tpu.memref_squeeze %dma_start3A_428 : memref<1x128xi32, #tpu.memory_space<vmem>> -> memref<128xi32, #tpu.memory_space<vmem>>
    %dma_start3A_430 = arith.constant 0 : i32
    %dma_start3A_431 = arith.constant 0 : i32
    %dma_start3A_432 = tpu.memref_slice %arg2[%dma_start3A_430, %dma_start3A_431] : memref<12000x128xf32, #tpu.memory_space<hbm>> -> memref<12000x128xf32, #tpu.memory_space<hbm>>
    tpu.enqueue_indirect_dma source(%dma_start3A_432 : memref<12000x128xf32, #tpu.memory_space<hbm>>) target(%arg9 : memref<128x128xf32, #tpu.memory_space<vmem>>) offsets(%dma_start3A_429 : memref<128xi32, #tpu.memory_space<vmem>>) semaphore(%arg11 : memref<!tpu.dma_semaphore, #tpu.memory_space<semaphore_mem>>) {add = true}
    %dma_start3A_433 = arith.constant 32 : i32
    %dma_start3A_434 = arith.constant 0 : i32
    %dma_start3A_435 = tpu.memref_slice %arg7[%dma_start3A_433, %dma_start3A_434] : memref<40x128xi32, #tpu.memory_space<vmem>> -> memref<1x128xi32, #tpu.memory_space<vmem>>
    %dma_start3A_436 = tpu.memref_squeeze %dma_start3A_435 : memref<1x128xi32, #tpu.memory_space<vmem>> -> memref<128xi32, #tpu.memory_space<vmem>>
    %dma_start3A_437 = arith.constant 0 : i32
    %dma_start3A_438 = arith.constant 0 : i32
    %dma_start3A_439 = tpu.memref_slice %arg2[%dma_start3A_437, %dma_start3A_438] : memref<12000x128xf32, #tpu.memory_space<hbm>> -> memref<12000x128xf32, #tpu.memory_space<hbm>>
    tpu.enqueue_indirect_dma source(%dma_start3A_439 : memref<12000x128xf32, #tpu.memory_space<hbm>>) target(%arg9 : memref<128x128xf32, #tpu.memory_space<vmem>>) offsets(%dma_start3A_436 : memref<128xi32, #tpu.memory_space<vmem>>) semaphore(%arg11 : memref<!tpu.dma_semaphore, #tpu.memory_space<semaphore_mem>>) {add = true}
    %dma_start3A_440 = arith.constant 33 : i32
    %dma_start3A_441 = arith.constant 0 : i32
    %dma_start3A_442 = tpu.memref_slice %arg7[%dma_start3A_440, %dma_start3A_441] : memref<40x128xi32, #tpu.memory_space<vmem>> -> memref<1x128xi32, #tpu.memory_space<vmem>>
    %dma_start3A_443 = tpu.memref_squeeze %dma_start3A_442 : memref<1x128xi32, #tpu.memory_space<vmem>> -> memref<128xi32, #tpu.memory_space<vmem>>
    %dma_start3A_444 = arith.constant 0 : i32
    %dma_start3A_445 = arith.constant 0 : i32
    %dma_start3A_446 = tpu.memref_slice %arg2[%dma_start3A_444, %dma_start3A_445] : memref<12000x128xf32, #tpu.memory_space<hbm>> -> memref<12000x128xf32, #tpu.memory_space<hbm>>
    tpu.enqueue_indirect_dma source(%dma_start3A_446 : memref<12000x128xf32, #tpu.memory_space<hbm>>) target(%arg9 : memref<128x128xf32, #tpu.memory_space<vmem>>) offsets(%dma_start3A_443 : memref<128xi32, #tpu.memory_space<vmem>>) semaphore(%arg11 : memref<!tpu.dma_semaphore, #tpu.memory_space<semaphore_mem>>) {add = true}
    %dma_start3A_447 = arith.constant 34 : i32
    %dma_start3A_448 = arith.constant 0 : i32
    %dma_start3A_449 = tpu.memref_slice %arg7[%dma_start3A_447, %dma_start3A_448] : memref<40x128xi32, #tpu.memory_space<vmem>> -> memref<1x128xi32, #tpu.memory_space<vmem>>
    %dma_start3A_450 = tpu.memref_squeeze %dma_start3A_449 : memref<1x128xi32, #tpu.memory_space<vmem>> -> memref<128xi32, #tpu.memory_space<vmem>>
    %dma_start3A_451 = arith.constant 0 : i32
    %dma_start3A_452 = arith.constant 0 : i32
    %dma_start3A_453 = tpu.memref_slice %arg2[%dma_start3A_451, %dma_start3A_452] : memref<12000x128xf32, #tpu.memory_space<hbm>> -> memref<12000x128xf32, #tpu.memory_space<hbm>>
    tpu.enqueue_indirect_dma source(%dma_start3A_453 : memref<12000x128xf32, #tpu.memory_space<hbm>>) target(%arg9 : memref<128x128xf32, #tpu.memory_space<vmem>>) offsets(%dma_start3A_450 : memref<128xi32, #tpu.memory_space<vmem>>) semaphore(%arg11 : memref<!tpu.dma_semaphore, #tpu.memory_space<semaphore_mem>>) {add = true}
    %dma_start3A_454 = arith.constant 35 : i32
    %dma_start3A_455 = arith.constant 0 : i32
    %dma_start3A_456 = tpu.memref_slice %arg7[%dma_start3A_454, %dma_start3A_455] : memref<40x128xi32, #tpu.memory_space<vmem>> -> memref<1x128xi32, #tpu.memory_space<vmem>>
    %dma_start3A_457 = tpu.memref_squeeze %dma_start3A_456 : memref<1x128xi32, #tpu.memory_space<vmem>> -> memref<128xi32, #tpu.memory_space<vmem>>
    %dma_start3A_458 = arith.constant 0 : i32
    %dma_start3A_459 = arith.constant 0 : i32
    %dma_start3A_460 = tpu.memref_slice %arg2[%dma_start3A_458, %dma_start3A_459] : memref<12000x128xf32, #tpu.memory_space<hbm>> -> memref<12000x128xf32, #tpu.memory_space<hbm>>
    tpu.enqueue_indirect_dma source(%dma_start3A_460 : memref<12000x128xf32, #tpu.memory_space<hbm>>) target(%arg9 : memref<128x128xf32, #tpu.memory_space<vmem>>) offsets(%dma_start3A_457 : memref<128xi32, #tpu.memory_space<vmem>>) semaphore(%arg11 : memref<!tpu.dma_semaphore, #tpu.memory_space<semaphore_mem>>) {add = true}
    %dma_start3A_461 = arith.constant 36 : i32
    %dma_start3A_462 = arith.constant 0 : i32
    %dma_start3A_463 = tpu.memref_slice %arg7[%dma_start3A_461, %dma_start3A_462] : memref<40x128xi32, #tpu.memory_space<vmem>> -> memref<1x128xi32, #tpu.memory_space<vmem>>
    %dma_start3A_464 = tpu.memref_squeeze %dma_start3A_463 : memref<1x128xi32, #tpu.memory_space<vmem>> -> memref<128xi32, #tpu.memory_space<vmem>>
    %dma_start3A_465 = arith.constant 0 : i32
    %dma_start3A_466 = arith.constant 0 : i32
    %dma_start3A_467 = tpu.memref_slice %arg2[%dma_start3A_465, %dma_start3A_466] : memref<12000x128xf32, #tpu.memory_space<hbm>> -> memref<12000x128xf32, #tpu.memory_space<hbm>>
    tpu.enqueue_indirect_dma source(%dma_start3A_467 : memref<12000x128xf32, #tpu.memory_space<hbm>>) target(%arg9 : memref<128x128xf32, #tpu.memory_space<vmem>>) offsets(%dma_start3A_464 : memref<128xi32, #tpu.memory_space<vmem>>) semaphore(%arg11 : memref<!tpu.dma_semaphore, #tpu.memory_space<semaphore_mem>>) {add = true}
    %dma_start3A_468 = arith.constant 37 : i32
    %dma_start3A_469 = arith.constant 0 : i32
    %dma_start3A_470 = tpu.memref_slice %arg7[%dma_start3A_468, %dma_start3A_469] : memref<40x128xi32, #tpu.memory_space<vmem>> -> memref<1x128xi32, #tpu.memory_space<vmem>>
    %dma_start3A_471 = tpu.memref_squeeze %dma_start3A_470 : memref<1x128xi32, #tpu.memory_space<vmem>> -> memref<128xi32, #tpu.memory_space<vmem>>
    %dma_start3A_472 = arith.constant 0 : i32
    %dma_start3A_473 = arith.constant 0 : i32
    %dma_start3A_474 = tpu.memref_slice %arg2[%dma_start3A_472, %dma_start3A_473] : memref<12000x128xf32, #tpu.memory_space<hbm>> -> memref<12000x128xf32, #tpu.memory_space<hbm>>
    tpu.enqueue_indirect_dma source(%dma_start3A_474 : memref<12000x128xf32, #tpu.memory_space<hbm>>) target(%arg9 : memref<128x128xf32, #tpu.memory_space<vmem>>) offsets(%dma_start3A_471 : memref<128xi32, #tpu.memory_space<vmem>>) semaphore(%arg11 : memref<!tpu.dma_semaphore, #tpu.memory_space<semaphore_mem>>) {add = true}
    %dma_start3A_475 = arith.constant 38 : i32
    %dma_start3A_476 = arith.constant 0 : i32
    %dma_start3A_477 = tpu.memref_slice %arg7[%dma_start3A_475, %dma_start3A_476] : memref<40x128xi32, #tpu.memory_space<vmem>> -> memref<1x128xi32, #tpu.memory_space<vmem>>
    %dma_start3A_478 = tpu.memref_squeeze %dma_start3A_477 : memref<1x128xi32, #tpu.memory_space<vmem>> -> memref<128xi32, #tpu.memory_space<vmem>>
    %dma_start3A_479 = arith.constant 0 : i32
    %dma_start3A_480 = arith.constant 0 : i32
    %dma_start3A_481 = tpu.memref_slice %arg2[%dma_start3A_479, %dma_start3A_480] : memref<12000x128xf32, #tpu.memory_space<hbm>> -> memref<12000x128xf32, #tpu.memory_space<hbm>>
    tpu.enqueue_indirect_dma source(%dma_start3A_481 : memref<12000x128xf32, #tpu.memory_space<hbm>>) target(%arg9 : memref<128x128xf32, #tpu.memory_space<vmem>>) offsets(%dma_start3A_478 : memref<128xi32, #tpu.memory_space<vmem>>) semaphore(%arg11 : memref<!tpu.dma_semaphore, #tpu.memory_space<semaphore_mem>>) {add = true}
    %dma_start3A_482 = arith.constant 39 : i32
    %dma_start3A_483 = arith.constant 0 : i32
    %dma_start3A_484 = tpu.memref_slice %arg7[%dma_start3A_482, %dma_start3A_483] : memref<40x128xi32, #tpu.memory_space<vmem>> -> memref<1x128xi32, #tpu.memory_space<vmem>>
    %dma_start3A_485 = tpu.memref_squeeze %dma_start3A_484 : memref<1x128xi32, #tpu.memory_space<vmem>> -> memref<128xi32, #tpu.memory_space<vmem>>
    %dma_start3A_486 = arith.constant 0 : i32
    %dma_start3A_487 = arith.constant 0 : i32
    %dma_start3A_488 = tpu.memref_slice %arg2[%dma_start3A_486, %dma_start3A_487] : memref<12000x128xf32, #tpu.memory_space<hbm>> -> memref<12000x128xf32, #tpu.memory_space<hbm>>
    tpu.enqueue_indirect_dma source(%dma_start3A_488 : memref<12000x128xf32, #tpu.memory_space<hbm>>) target(%arg9 : memref<128x128xf32, #tpu.memory_space<vmem>>) offsets(%dma_start3A_485 : memref<128xi32, #tpu.memory_space<vmem>>) semaphore(%arg11 : memref<!tpu.dma_semaphore, #tpu.memory_space<semaphore_mem>>) {add = true}
    %dma_wait3A_489 = arith.constant 20 : i32
    %dma_wait3A_490 = arith.constant 0 : i32
    %dma_wait3A_491 = tpu.memref_slice %arg7[%dma_wait3A_489, %dma_wait3A_490] : memref<40x128xi32, #tpu.memory_space<vmem>> -> memref<1x128xi32, #tpu.memory_space<vmem>>
    %dma_wait3A_492 = tpu.memref_squeeze %dma_wait3A_491 : memref<1x128xi32, #tpu.memory_space<vmem>> -> memref<128xi32, #tpu.memory_space<vmem>>
    %dma_wait3A_493 = arith.constant 0 : i32
    %dma_wait3A_494 = arith.constant 0 : i32
    %dma_wait3A_495 = tpu.memref_slice %arg2[%dma_wait3A_493, %dma_wait3A_494] : memref<12000x128xf32, #tpu.memory_space<hbm>> -> memref<12000x128xf32, #tpu.memory_space<hbm>>
    tpu.wait_indirect_dma semaphore(%arg10 : memref<!tpu.dma_semaphore, #tpu.memory_space<semaphore_mem>>) src(%dma_wait3A_495 : memref<12000x128xf32, #tpu.memory_space<hbm>>) dst(%arg8 : memref<128x128xf32, #tpu.memory_space<vmem>>)
    %dma_wait3A_496 = arith.constant 21 : i32
    %dma_wait3A_497 = arith.constant 0 : i32
    %dma_wait3A_498 = tpu.memref_slice %arg7[%dma_wait3A_496, %dma_wait3A_497] : memref<40x128xi32, #tpu.memory_space<vmem>> -> memref<1x128xi32, #tpu.memory_space<vmem>>
    %dma_wait3A_499 = tpu.memref_squeeze %dma_wait3A_498 : memref<1x128xi32, #tpu.memory_space<vmem>> -> memref<128xi32, #tpu.memory_space<vmem>>
    %dma_wait3A_500 = arith.constant 0 : i32
    %dma_wait3A_501 = arith.constant 0 : i32
    %dma_wait3A_502 = tpu.memref_slice %arg2[%dma_wait3A_500, %dma_wait3A_501] : memref<12000x128xf32, #tpu.memory_space<hbm>> -> memref<12000x128xf32, #tpu.memory_space<hbm>>
    tpu.wait_indirect_dma semaphore(%arg10 : memref<!tpu.dma_semaphore, #tpu.memory_space<semaphore_mem>>) src(%dma_wait3A_502 : memref<12000x128xf32, #tpu.memory_space<hbm>>) dst(%arg8 : memref<128x128xf32, #tpu.memory_space<vmem>>)
    %dma_wait3A_503 = arith.constant 22 : i32
    %dma_wait3A_504 = arith.constant 0 : i32
    %dma_wait3A_505 = tpu.memref_slice %arg7[%dma_wait3A_503, %dma_wait3A_504] : memref<40x128xi32, #tpu.memory_space<vmem>> -> memref<1x128xi32, #tpu.memory_space<vmem>>
    %dma_wait3A_506 = tpu.memref_squeeze %dma_wait3A_505 : memref<1x128xi32, #tpu.memory_space<vmem>> -> memref<128xi32, #tpu.memory_space<vmem>>
    %dma_wait3A_507 = arith.constant 0 : i32
    %dma_wait3A_508 = arith.constant 0 : i32
    %dma_wait3A_509 = tpu.memref_slice %arg2[%dma_wait3A_507, %dma_wait3A_508] : memref<12000x128xf32, #tpu.memory_space<hbm>> -> memref<12000x128xf32, #tpu.memory_space<hbm>>
    tpu.wait_indirect_dma semaphore(%arg10 : memref<!tpu.dma_semaphore, #tpu.memory_space<semaphore_mem>>) src(%dma_wait3A_509 : memref<12000x128xf32, #tpu.memory_space<hbm>>) dst(%arg8 : memref<128x128xf32, #tpu.memory_space<vmem>>)
    %dma_wait3A_510 = arith.constant 23 : i32
    %dma_wait3A_511 = arith.constant 0 : i32
    %dma_wait3A_512 = tpu.memref_slice %arg7[%dma_wait3A_510, %dma_wait3A_511] : memref<40x128xi32, #tpu.memory_space<vmem>> -> memref<1x128xi32, #tpu.memory_space<vmem>>
    %dma_wait3A_513 = tpu.memref_squeeze %dma_wait3A_512 : memref<1x128xi32, #tpu.memory_space<vmem>> -> memref<128xi32, #tpu.memory_space<vmem>>
    %dma_wait3A_514 = arith.constant 0 : i32
    %dma_wait3A_515 = arith.constant 0 : i32
    %dma_wait3A_516 = tpu.memref_slice %arg2[%dma_wait3A_514, %dma_wait3A_515] : memref<12000x128xf32, #tpu.memory_space<hbm>> -> memref<12000x128xf32, #tpu.memory_space<hbm>>
    tpu.wait_indirect_dma semaphore(%arg10 : memref<!tpu.dma_semaphore, #tpu.memory_space<semaphore_mem>>) src(%dma_wait3A_516 : memref<12000x128xf32, #tpu.memory_space<hbm>>) dst(%arg8 : memref<128x128xf32, #tpu.memory_space<vmem>>)
    %dma_wait3A_517 = arith.constant 24 : i32
    %dma_wait3A_518 = arith.constant 0 : i32
    %dma_wait3A_519 = tpu.memref_slice %arg7[%dma_wait3A_517, %dma_wait3A_518] : memref<40x128xi32, #tpu.memory_space<vmem>> -> memref<1x128xi32, #tpu.memory_space<vmem>>
    %dma_wait3A_520 = tpu.memref_squeeze %dma_wait3A_519 : memref<1x128xi32, #tpu.memory_space<vmem>> -> memref<128xi32, #tpu.memory_space<vmem>>
    %dma_wait3A_521 = arith.constant 0 : i32
    %dma_wait3A_522 = arith.constant 0 : i32
    %dma_wait3A_523 = tpu.memref_slice %arg2[%dma_wait3A_521, %dma_wait3A_522] : memref<12000x128xf32, #tpu.memory_space<hbm>> -> memref<12000x128xf32, #tpu.memory_space<hbm>>
    tpu.wait_indirect_dma semaphore(%arg10 : memref<!tpu.dma_semaphore, #tpu.memory_space<semaphore_mem>>) src(%dma_wait3A_523 : memref<12000x128xf32, #tpu.memory_space<hbm>>) dst(%arg8 : memref<128x128xf32, #tpu.memory_space<vmem>>)
    %dma_wait3A_524 = arith.constant 25 : i32
    %dma_wait3A_525 = arith.constant 0 : i32
    %dma_wait3A_526 = tpu.memref_slice %arg7[%dma_wait3A_524, %dma_wait3A_525] : memref<40x128xi32, #tpu.memory_space<vmem>> -> memref<1x128xi32, #tpu.memory_space<vmem>>
    %dma_wait3A_527 = tpu.memref_squeeze %dma_wait3A_526 : memref<1x128xi32, #tpu.memory_space<vmem>> -> memref<128xi32, #tpu.memory_space<vmem>>
    %dma_wait3A_528 = arith.constant 0 : i32
    %dma_wait3A_529 = arith.constant 0 : i32
    %dma_wait3A_530 = tpu.memref_slice %arg2[%dma_wait3A_528, %dma_wait3A_529] : memref<12000x128xf32, #tpu.memory_space<hbm>> -> memref<12000x128xf32, #tpu.memory_space<hbm>>
    tpu.wait_indirect_dma semaphore(%arg10 : memref<!tpu.dma_semaphore, #tpu.memory_space<semaphore_mem>>) src(%dma_wait3A_530 : memref<12000x128xf32, #tpu.memory_space<hbm>>) dst(%arg8 : memref<128x128xf32, #tpu.memory_space<vmem>>)
    %dma_wait3A_531 = arith.constant 26 : i32
    %dma_wait3A_532 = arith.constant 0 : i32
    %dma_wait3A_533 = tpu.memref_slice %arg7[%dma_wait3A_531, %dma_wait3A_532] : memref<40x128xi32, #tpu.memory_space<vmem>> -> memref<1x128xi32, #tpu.memory_space<vmem>>
    %dma_wait3A_534 = tpu.memref_squeeze %dma_wait3A_533 : memref<1x128xi32, #tpu.memory_space<vmem>> -> memref<128xi32, #tpu.memory_space<vmem>>
    %dma_wait3A_535 = arith.constant 0 : i32
    %dma_wait3A_536 = arith.constant 0 : i32
    %dma_wait3A_537 = tpu.memref_slice %arg2[%dma_wait3A_535, %dma_wait3A_536] : memref<12000x128xf32, #tpu.memory_space<hbm>> -> memref<12000x128xf32, #tpu.memory_space<hbm>>
    tpu.wait_indirect_dma semaphore(%arg10 : memref<!tpu.dma_semaphore, #tpu.memory_space<semaphore_mem>>) src(%dma_wait3A_537 : memref<12000x128xf32, #tpu.memory_space<hbm>>) dst(%arg8 : memref<128x128xf32, #tpu.memory_space<vmem>>)
    %dma_wait3A_538 = arith.constant 27 : i32
    %dma_wait3A_539 = arith.constant 0 : i32
    %dma_wait3A_540 = tpu.memref_slice %arg7[%dma_wait3A_538, %dma_wait3A_539] : memref<40x128xi32, #tpu.memory_space<vmem>> -> memref<1x128xi32, #tpu.memory_space<vmem>>
    %dma_wait3A_541 = tpu.memref_squeeze %dma_wait3A_540 : memref<1x128xi32, #tpu.memory_space<vmem>> -> memref<128xi32, #tpu.memory_space<vmem>>
    %dma_wait3A_542 = arith.constant 0 : i32
    %dma_wait3A_543 = arith.constant 0 : i32
    %dma_wait3A_544 = tpu.memref_slice %arg2[%dma_wait3A_542, %dma_wait3A_543] : memref<12000x128xf32, #tpu.memory_space<hbm>> -> memref<12000x128xf32, #tpu.memory_space<hbm>>
    tpu.wait_indirect_dma semaphore(%arg10 : memref<!tpu.dma_semaphore, #tpu.memory_space<semaphore_mem>>) src(%dma_wait3A_544 : memref<12000x128xf32, #tpu.memory_space<hbm>>) dst(%arg8 : memref<128x128xf32, #tpu.memory_space<vmem>>)
    %dma_wait3A_545 = arith.constant 28 : i32
    %dma_wait3A_546 = arith.constant 0 : i32
    %dma_wait3A_547 = tpu.memref_slice %arg7[%dma_wait3A_545, %dma_wait3A_546] : memref<40x128xi32, #tpu.memory_space<vmem>> -> memref<1x128xi32, #tpu.memory_space<vmem>>
    %dma_wait3A_548 = tpu.memref_squeeze %dma_wait3A_547 : memref<1x128xi32, #tpu.memory_space<vmem>> -> memref<128xi32, #tpu.memory_space<vmem>>
    %dma_wait3A_549 = arith.constant 0 : i32
    %dma_wait3A_550 = arith.constant 0 : i32
    %dma_wait3A_551 = tpu.memref_slice %arg2[%dma_wait3A_549, %dma_wait3A_550] : memref<12000x128xf32, #tpu.memory_space<hbm>> -> memref<12000x128xf32, #tpu.memory_space<hbm>>
    tpu.wait_indirect_dma semaphore(%arg10 : memref<!tpu.dma_semaphore, #tpu.memory_space<semaphore_mem>>) src(%dma_wait3A_551 : memref<12000x128xf32, #tpu.memory_space<hbm>>) dst(%arg8 : memref<128x128xf32, #tpu.memory_space<vmem>>)
    %dma_wait3A_552 = arith.constant 29 : i32
    %dma_wait3A_553 = arith.constant 0 : i32
    %dma_wait3A_554 = tpu.memref_slice %arg7[%dma_wait3A_552, %dma_wait3A_553] : memref<40x128xi32, #tpu.memory_space<vmem>> -> memref<1x128xi32, #tpu.memory_space<vmem>>
    %dma_wait3A_555 = tpu.memref_squeeze %dma_wait3A_554 : memref<1x128xi32, #tpu.memory_space<vmem>> -> memref<128xi32, #tpu.memory_space<vmem>>
    %dma_wait3A_556 = arith.constant 0 : i32
    %dma_wait3A_557 = arith.constant 0 : i32
    %dma_wait3A_558 = tpu.memref_slice %arg2[%dma_wait3A_556, %dma_wait3A_557] : memref<12000x128xf32, #tpu.memory_space<hbm>> -> memref<12000x128xf32, #tpu.memory_space<hbm>>
    tpu.wait_indirect_dma semaphore(%arg10 : memref<!tpu.dma_semaphore, #tpu.memory_space<semaphore_mem>>) src(%dma_wait3A_558 : memref<12000x128xf32, #tpu.memory_space<hbm>>) dst(%arg8 : memref<128x128xf32, #tpu.memory_space<vmem>>)
    %mul3A_559 = arith.constant 512 : i32
    %mul3A_560 = arith.muli %add3A, %mul3A_559 : i32
    %add3A_561 = arith.constant 256 : i32
    %add3A_562 = arith.addi %mul3A_560, %add3A_561 : i32
    "tpu.region"() ({
      %run_scoped3A = tpu.sem_alloc : memref<!tpu.dma_semaphore, #tpu.memory_space<semaphore_mem>>
      %dma_start3A_637 = arith.constant 0 : i32
      %dma_start3A_638 = tpu.memref_slice %arg5[%add3A_562, %dma_start3A_637] : memref<16384x128xf32, #tpu.memory_space<hbm>> -> memref<128x128xf32, #tpu.memory_space<hbm>>
      %dma_start3A_639 = arith.constant 0 : i32
      %dma_start3A_640 = tpu.memref_slice %arg5[%add3A_562, %dma_start3A_639] : memref<16384x128xf32, #tpu.memory_space<hbm>> -> memref<128x128xf32, #tpu.memory_space<hbm>>
      tpu.enqueue_dma source(%arg8 : memref<128x128xf32, #tpu.memory_space<vmem>>) target(%dma_start3A_640 : memref<128x128xf32, #tpu.memory_space<hbm>>) target_semaphore(%run_scoped3A : memref<!tpu.dma_semaphore, #tpu.memory_space<semaphore_mem>>)
      %dma_wait3A_641 = arith.constant 0 : i32
      %dma_wait3A_642 = tpu.memref_slice %arg5[%add3A_562, %dma_wait3A_641] : memref<16384x128xf32, #tpu.memory_space<hbm>> -> memref<128x128xf32, #tpu.memory_space<hbm>>
      %dma_wait3A_643 = arith.constant 0 : i32
      %dma_wait3A_644 = tpu.memref_slice %arg5[%add3A_562, %dma_wait3A_643] : memref<16384x128xf32, #tpu.memory_space<hbm>> -> memref<128x128xf32, #tpu.memory_space<hbm>>
      tpu.wait_dma2 semaphore(%run_scoped3A : memref<!tpu.dma_semaphore, #tpu.memory_space<semaphore_mem>>) src(%arg8 : memref<128x128xf32, #tpu.memory_space<vmem>>) dst(%dma_wait3A_644 : memref<128x128xf32, #tpu.memory_space<hbm>>)
      tpu.yield
    }) : () -> ()
    %dma_wait3A_563 = arith.constant 30 : i32
    %dma_wait3A_564 = arith.constant 0 : i32
    %dma_wait3A_565 = tpu.memref_slice %arg7[%dma_wait3A_563, %dma_wait3A_564] : memref<40x128xi32, #tpu.memory_space<vmem>> -> memref<1x128xi32, #tpu.memory_space<vmem>>
    %dma_wait3A_566 = tpu.memref_squeeze %dma_wait3A_565 : memref<1x128xi32, #tpu.memory_space<vmem>> -> memref<128xi32, #tpu.memory_space<vmem>>
    %dma_wait3A_567 = arith.constant 0 : i32
    %dma_wait3A_568 = arith.constant 0 : i32
    %dma_wait3A_569 = tpu.memref_slice %arg2[%dma_wait3A_567, %dma_wait3A_568] : memref<12000x128xf32, #tpu.memory_space<hbm>> -> memref<12000x128xf32, #tpu.memory_space<hbm>>
    tpu.wait_indirect_dma semaphore(%arg11 : memref<!tpu.dma_semaphore, #tpu.memory_space<semaphore_mem>>) src(%dma_wait3A_569 : memref<12000x128xf32, #tpu.memory_space<hbm>>) dst(%arg9 : memref<128x128xf32, #tpu.memory_space<vmem>>)
    %dma_wait3A_570 = arith.constant 31 : i32
    %dma_wait3A_571 = arith.constant 0 : i32
    %dma_wait3A_572 = tpu.memref_slice %arg7[%dma_wait3A_570, %dma_wait3A_571] : memref<40x128xi32, #tpu.memory_space<vmem>> -> memref<1x128xi32, #tpu.memory_space<vmem>>
    %dma_wait3A_573 = tpu.memref_squeeze %dma_wait3A_572 : memref<1x128xi32, #tpu.memory_space<vmem>> -> memref<128xi32, #tpu.memory_space<vmem>>
    %dma_wait3A_574 = arith.constant 0 : i32
    %dma_wait3A_575 = arith.constant 0 : i32
    %dma_wait3A_576 = tpu.memref_slice %arg2[%dma_wait3A_574, %dma_wait3A_575] : memref<12000x128xf32, #tpu.memory_space<hbm>> -> memref<12000x128xf32, #tpu.memory_space<hbm>>
    tpu.wait_indirect_dma semaphore(%arg11 : memref<!tpu.dma_semaphore, #tpu.memory_space<semaphore_mem>>) src(%dma_wait3A_576 : memref<12000x128xf32, #tpu.memory_space<hbm>>) dst(%arg9 : memref<128x128xf32, #tpu.memory_space<vmem>>)
    %dma_wait3A_577 = arith.constant 32 : i32
    %dma_wait3A_578 = arith.constant 0 : i32
    %dma_wait3A_579 = tpu.memref_slice %arg7[%dma_wait3A_577, %dma_wait3A_578] : memref<40x128xi32, #tpu.memory_space<vmem>> -> memref<1x128xi32, #tpu.memory_space<vmem>>
    %dma_wait3A_580 = tpu.memref_squeeze %dma_wait3A_579 : memref<1x128xi32, #tpu.memory_space<vmem>> -> memref<128xi32, #tpu.memory_space<vmem>>
    %dma_wait3A_581 = arith.constant 0 : i32
    %dma_wait3A_582 = arith.constant 0 : i32
    %dma_wait3A_583 = tpu.memref_slice %arg2[%dma_wait3A_581, %dma_wait3A_582] : memref<12000x128xf32, #tpu.memory_space<hbm>> -> memref<12000x128xf32, #tpu.memory_space<hbm>>
    tpu.wait_indirect_dma semaphore(%arg11 : memref<!tpu.dma_semaphore, #tpu.memory_space<semaphore_mem>>) src(%dma_wait3A_583 : memref<12000x128xf32, #tpu.memory_space<hbm>>) dst(%arg9 : memref<128x128xf32, #tpu.memory_space<vmem>>)
    %dma_wait3A_584 = arith.constant 33 : i32
    %dma_wait3A_585 = arith.constant 0 : i32
    %dma_wait3A_586 = tpu.memref_slice %arg7[%dma_wait3A_584, %dma_wait3A_585] : memref<40x128xi32, #tpu.memory_space<vmem>> -> memref<1x128xi32, #tpu.memory_space<vmem>>
    %dma_wait3A_587 = tpu.memref_squeeze %dma_wait3A_586 : memref<1x128xi32, #tpu.memory_space<vmem>> -> memref<128xi32, #tpu.memory_space<vmem>>
    %dma_wait3A_588 = arith.constant 0 : i32
    %dma_wait3A_589 = arith.constant 0 : i32
    %dma_wait3A_590 = tpu.memref_slice %arg2[%dma_wait3A_588, %dma_wait3A_589] : memref<12000x128xf32, #tpu.memory_space<hbm>> -> memref<12000x128xf32, #tpu.memory_space<hbm>>
    tpu.wait_indirect_dma semaphore(%arg11 : memref<!tpu.dma_semaphore, #tpu.memory_space<semaphore_mem>>) src(%dma_wait3A_590 : memref<12000x128xf32, #tpu.memory_space<hbm>>) dst(%arg9 : memref<128x128xf32, #tpu.memory_space<vmem>>)
    %dma_wait3A_591 = arith.constant 34 : i32
    %dma_wait3A_592 = arith.constant 0 : i32
    %dma_wait3A_593 = tpu.memref_slice %arg7[%dma_wait3A_591, %dma_wait3A_592] : memref<40x128xi32, #tpu.memory_space<vmem>> -> memref<1x128xi32, #tpu.memory_space<vmem>>
    %dma_wait3A_594 = tpu.memref_squeeze %dma_wait3A_593 : memref<1x128xi32, #tpu.memory_space<vmem>> -> memref<128xi32, #tpu.memory_space<vmem>>
    %dma_wait3A_595 = arith.constant 0 : i32
    %dma_wait3A_596 = arith.constant 0 : i32
    %dma_wait3A_597 = tpu.memref_slice %arg2[%dma_wait3A_595, %dma_wait3A_596] : memref<12000x128xf32, #tpu.memory_space<hbm>> -> memref<12000x128xf32, #tpu.memory_space<hbm>>
    tpu.wait_indirect_dma semaphore(%arg11 : memref<!tpu.dma_semaphore, #tpu.memory_space<semaphore_mem>>) src(%dma_wait3A_597 : memref<12000x128xf32, #tpu.memory_space<hbm>>) dst(%arg9 : memref<128x128xf32, #tpu.memory_space<vmem>>)
    %dma_wait3A_598 = arith.constant 35 : i32
    %dma_wait3A_599 = arith.constant 0 : i32
    %dma_wait3A_600 = tpu.memref_slice %arg7[%dma_wait3A_598, %dma_wait3A_599] : memref<40x128xi32, #tpu.memory_space<vmem>> -> memref<1x128xi32, #tpu.memory_space<vmem>>
    %dma_wait3A_601 = tpu.memref_squeeze %dma_wait3A_600 : memref<1x128xi32, #tpu.memory_space<vmem>> -> memref<128xi32, #tpu.memory_space<vmem>>
    %dma_wait3A_602 = arith.constant 0 : i32
    %dma_wait3A_603 = arith.constant 0 : i32
    %dma_wait3A_604 = tpu.memref_slice %arg2[%dma_wait3A_602, %dma_wait3A_603] : memref<12000x128xf32, #tpu.memory_space<hbm>> -> memref<12000x128xf32, #tpu.memory_space<hbm>>
    tpu.wait_indirect_dma semaphore(%arg11 : memref<!tpu.dma_semaphore, #tpu.memory_space<semaphore_mem>>) src(%dma_wait3A_604 : memref<12000x128xf32, #tpu.memory_space<hbm>>) dst(%arg9 : memref<128x128xf32, #tpu.memory_space<vmem>>)
    %dma_wait3A_605 = arith.constant 36 : i32
    %dma_wait3A_606 = arith.constant 0 : i32
    %dma_wait3A_607 = tpu.memref_slice %arg7[%dma_wait3A_605, %dma_wait3A_606] : memref<40x128xi32, #tpu.memory_space<vmem>> -> memref<1x128xi32, #tpu.memory_space<vmem>>
    %dma_wait3A_608 = tpu.memref_squeeze %dma_wait3A_607 : memref<1x128xi32, #tpu.memory_space<vmem>> -> memref<128xi32, #tpu.memory_space<vmem>>
    %dma_wait3A_609 = arith.constant 0 : i32
    %dma_wait3A_610 = arith.constant 0 : i32
    %dma_wait3A_611 = tpu.memref_slice %arg2[%dma_wait3A_609, %dma_wait3A_610] : memref<12000x128xf32, #tpu.memory_space<hbm>> -> memref<12000x128xf32, #tpu.memory_space<hbm>>
    tpu.wait_indirect_dma semaphore(%arg11 : memref<!tpu.dma_semaphore, #tpu.memory_space<semaphore_mem>>) src(%dma_wait3A_611 : memref<12000x128xf32, #tpu.memory_space<hbm>>) dst(%arg9 : memref<128x128xf32, #tpu.memory_space<vmem>>)
    %dma_wait3A_612 = arith.constant 37 : i32
    %dma_wait3A_613 = arith.constant 0 : i32
    %dma_wait3A_614 = tpu.memref_slice %arg7[%dma_wait3A_612, %dma_wait3A_613] : memref<40x128xi32, #tpu.memory_space<vmem>> -> memref<1x128xi32, #tpu.memory_space<vmem>>
    %dma_wait3A_615 = tpu.memref_squeeze %dma_wait3A_614 : memref<1x128xi32, #tpu.memory_space<vmem>> -> memref<128xi32, #tpu.memory_space<vmem>>
    %dma_wait3A_616 = arith.constant 0 : i32
    %dma_wait3A_617 = arith.constant 0 : i32
    %dma_wait3A_618 = tpu.memref_slice %arg2[%dma_wait3A_616, %dma_wait3A_617] : memref<12000x128xf32, #tpu.memory_space<hbm>> -> memref<12000x128xf32, #tpu.memory_space<hbm>>
    tpu.wait_indirect_dma semaphore(%arg11 : memref<!tpu.dma_semaphore, #tpu.memory_space<semaphore_mem>>) src(%dma_wait3A_618 : memref<12000x128xf32, #tpu.memory_space<hbm>>) dst(%arg9 : memref<128x128xf32, #tpu.memory_space<vmem>>)
    %dma_wait3A_619 = arith.constant 38 : i32
    %dma_wait3A_620 = arith.constant 0 : i32
    %dma_wait3A_621 = tpu.memref_slice %arg7[%dma_wait3A_619, %dma_wait3A_620] : memref<40x128xi32, #tpu.memory_space<vmem>> -> memref<1x128xi32, #tpu.memory_space<vmem>>
    %dma_wait3A_622 = tpu.memref_squeeze %dma_wait3A_621 : memref<1x128xi32, #tpu.memory_space<vmem>> -> memref<128xi32, #tpu.memory_space<vmem>>
    %dma_wait3A_623 = arith.constant 0 : i32
    %dma_wait3A_624 = arith.constant 0 : i32
    %dma_wait3A_625 = tpu.memref_slice %arg2[%dma_wait3A_623, %dma_wait3A_624] : memref<12000x128xf32, #tpu.memory_space<hbm>> -> memref<12000x128xf32, #tpu.memory_space<hbm>>
    tpu.wait_indirect_dma semaphore(%arg11 : memref<!tpu.dma_semaphore, #tpu.memory_space<semaphore_mem>>) src(%dma_wait3A_625 : memref<12000x128xf32, #tpu.memory_space<hbm>>) dst(%arg9 : memref<128x128xf32, #tpu.memory_space<vmem>>)
    %dma_wait3A_626 = arith.constant 39 : i32
    %dma_wait3A_627 = arith.constant 0 : i32
    %dma_wait3A_628 = tpu.memref_slice %arg7[%dma_wait3A_626, %dma_wait3A_627] : memref<40x128xi32, #tpu.memory_space<vmem>> -> memref<1x128xi32, #tpu.memory_space<vmem>>
    %dma_wait3A_629 = tpu.memref_squeeze %dma_wait3A_628 : memref<1x128xi32, #tpu.memory_space<vmem>> -> memref<128xi32, #tpu.memory_space<vmem>>
    %dma_wait3A_630 = arith.constant 0 : i32
    %dma_wait3A_631 = arith.constant 0 : i32
    %dma_wait3A_632 = tpu.memref_slice %arg2[%dma_wait3A_630, %dma_wait3A_631] : memref<12000x128xf32, #tpu.memory_space<hbm>> -> memref<12000x128xf32, #tpu.memory_space<hbm>>
    tpu.wait_indirect_dma semaphore(%arg11 : memref<!tpu.dma_semaphore, #tpu.memory_space<semaphore_mem>>) src(%dma_wait3A_632 : memref<12000x128xf32, #tpu.memory_space<hbm>>) dst(%arg9 : memref<128x128xf32, #tpu.memory_space<vmem>>)
    %mul3A_633 = arith.constant 512 : i32
    %mul3A_634 = arith.muli %add3A, %mul3A_633 : i32
    %add3A_635 = arith.constant 384 : i32
    %add3A_636 = arith.addi %mul3A_634, %add3A_635 : i32
    "tpu.region"() ({
      %run_scoped3A = tpu.sem_alloc : memref<!tpu.dma_semaphore, #tpu.memory_space<semaphore_mem>>
      %dma_start3A_637 = arith.constant 0 : i32
      %dma_start3A_638 = tpu.memref_slice %arg5[%add3A_636, %dma_start3A_637] : memref<16384x128xf32, #tpu.memory_space<hbm>> -> memref<128x128xf32, #tpu.memory_space<hbm>>
      %dma_start3A_639 = arith.constant 0 : i32
      %dma_start3A_640 = tpu.memref_slice %arg5[%add3A_636, %dma_start3A_639] : memref<16384x128xf32, #tpu.memory_space<hbm>> -> memref<128x128xf32, #tpu.memory_space<hbm>>
      tpu.enqueue_dma source(%arg9 : memref<128x128xf32, #tpu.memory_space<vmem>>) target(%dma_start3A_640 : memref<128x128xf32, #tpu.memory_space<hbm>>) target_semaphore(%run_scoped3A : memref<!tpu.dma_semaphore, #tpu.memory_space<semaphore_mem>>)
      %dma_wait3A_641 = arith.constant 0 : i32
      %dma_wait3A_642 = tpu.memref_slice %arg5[%add3A_636, %dma_wait3A_641] : memref<16384x128xf32, #tpu.memory_space<hbm>> -> memref<128x128xf32, #tpu.memory_space<hbm>>
      %dma_wait3A_643 = arith.constant 0 : i32
      %dma_wait3A_644 = tpu.memref_slice %arg5[%add3A_636, %dma_wait3A_643] : memref<16384x128xf32, #tpu.memory_space<hbm>> -> memref<128x128xf32, #tpu.memory_space<hbm>>
      tpu.wait_dma2 semaphore(%run_scoped3A : memref<!tpu.dma_semaphore, #tpu.memory_space<semaphore_mem>>) src(%arg9 : memref<128x128xf32, #tpu.memory_space<vmem>>) dst(%dma_wait3A_644 : memref<128x128xf32, #tpu.memory_space<hbm>>)
      tpu.yield
    }) : () -> ()
    return
  }
}

module attributes {stable_mosaic.version = 14 : i64} {
  func.func @_pack_body(%arg0: i32, %arg1: memref<32x32768xf32, #tpu.memory_space<vmem>>, %arg2: memref<8192x128xf32, #tpu.memory_space<vmem>>) attributes {dimension_semantics = [#tpu.dimension_semantics<arbitrary>], iteration_bounds = array<i64: 31>, scalar_prefetch = 0 : i64, scratch_operands = 0 : i64, tpu.core_type = #tpu.core_type<tc>, window_params = [{transform_indices = @transform_0, window_bounds = array<i64: 32, 32768>}, {transform_indices = @transform_1, window_bounds = array<i64: 8192, 128>}]} {
    %get3A = arith.constant 0 : index
    %get3A_0 = arith.constant 0 : index
    %get3A_1 = vector.load %arg1[%get3A, %get3A_0] : memref<32x32768xf32, #tpu.memory_space<vmem>>, vector<32x32768xf32>
    %convert_element_type3A = arith.truncf %get3A_1 : vector<32x32768xf32> to vector<32x32768xbf16>
    %transpose3A = tpu.transpose %convert_element_type3A, [1, 0] : vector<32x32768xbf16> -> vector<32768x32xbf16>
    %slice3A = vector.extract_strided_slice %transpose3A {offsets = [0, 0], sizes = [8192, 32], strides = [1, 1]} : vector<32768x32xbf16> to vector<8192x32xbf16>
    %slice3A_2 = vector.extract_strided_slice %transpose3A {offsets = [8192, 0], sizes = [8192, 32], strides = [1, 1]} : vector<32768x32xbf16> to vector<8192x32xbf16>
    %slice3A_3 = vector.extract_strided_slice %transpose3A {offsets = [16384, 0], sizes = [8192, 32], strides = [1, 1]} : vector<32768x32xbf16> to vector<8192x32xbf16>
    %slice3A_4 = vector.extract_strided_slice %transpose3A {offsets = [24576, 0], sizes = [8192, 32], strides = [1, 1]} : vector<32768x32xbf16> to vector<8192x32xbf16>
    %concatenate3A = tpu.concatenate %slice3A, %slice3A_2, %slice3A_3, %slice3A_4 in 1 : vector<8192x32xbf16>, vector<8192x32xbf16>, vector<8192x32xbf16>, vector<8192x32xbf16> -> vector<8192x128xbf16>
    %convert_element_type3A_5 = arith.extf %concatenate3A : vector<8192x128xbf16> to vector<8192x128xf32>
    %swap3A = arith.constant 0 : index
    %swap3A_6 = arith.constant 0 : index
    %swap3A_7 = vector.load %arg2[%swap3A, %swap3A_6] : memref<8192x128xf32, #tpu.memory_space<vmem>>, vector<8192x128xf32>
    tpu.vector_store %arg2[%swap3A, %swap3A_6], %convert_element_type3A_5 {strides = array<i32>} : memref<8192x128xf32, #tpu.memory_space<vmem>>, vector<8192x128xf32>,
    return
  }
  func.func @transform_0(%arg0: i32) -> (i32, i32) {
    %c0_i32 = arith.constant 0 : i32
    %c0_i32_0 = arith.constant 0 : i32
    return %c0_i32, %arg0 : i32, i32
  }
  func.func @transform_1(%arg0: i32) -> (i32, i32) {
    %c0_i32 = arith.constant 0 : i32
    %c0_i32_0 = arith.constant 0 : i32
    return %arg0, %c0_i32 : i32, i32
  }
}

module attributes {stable_mosaic.version = 14 : i64} {
  func.func @_mlp_body(%arg0: i32, %arg1: memref<4096x128xf32, #tpu.memory_space<vmem>>, %arg2: memref<4096x1xi32, #tpu.memory_space<vmem>>, %arg3: memref<4096x128xf32, #tpu.memory_space<vmem>>, %arg4: memref<32x128xf32, #tpu.memory_space<vmem>>, %arg5: memref<1x128xf32, #tpu.memory_space<vmem>>, %arg6: memref<128x1xf32, #tpu.memory_space<vmem>>, %arg7: memref<1x1xf32, #tpu.memory_space<vmem>>, %arg8: memref<4096x1xf32, #tpu.memory_space<vmem>>) attributes {dimension_semantics = [#tpu.dimension_semantics<arbitrary>], iteration_bounds = array<i64: 4>, scalar_prefetch = 0 : i64, scratch_operands = 0 : i64, tpu.core_type = #tpu.core_type<tc>, window_params = [{transform_indices = @transform_0, window_bounds = array<i64: 4096, 128>}, {transform_indices = @transform_1, window_bounds = array<i64: 4096, 1>}, {transform_indices = @transform_2, window_bounds = array<i64: 4096, 128>}, {pipeline_mode = #tpu.pipeline_mode<synchronous>, transform_indices = @transform_3, window_bounds = array<i64: 32, 128>}, {pipeline_mode = #tpu.pipeline_mode<synchronous>, transform_indices = @transform_4, window_bounds = array<i64: 1, 128>}, {pipeline_mode = #tpu.pipeline_mode<synchronous>, transform_indices = @transform_5, window_bounds = array<i64: 128, 1>}, {pipeline_mode = #tpu.pipeline_mode<synchronous>, transform_indices = @transform_6, window_bounds = array<i64: 1, 1>}, {transform_indices = @transform_7, window_bounds = array<i64: 4096, 1>}]} {
    %get3A = arith.constant 0 : index
    %get3A_0 = arith.constant 0 : index
    %get3A_1 = vector.load %arg2[%get3A, %get3A_0] : memref<4096x1xi32, #tpu.memory_space<vmem>>, vector<4096x1xi32>
    %get3A_2 = arith.constant 0 : index
    %get3A_3 = arith.constant 0 : index
    %get3A_4 = vector.load %arg1[%get3A_2, %get3A_3] : memref<4096x128xf32, #tpu.memory_space<vmem>>, vector<4096x128xf32>
    %eq3A = arith.constant 0 : i32
    %eq3A_5 = vector.broadcast %eq3A : i32 to vector<4096x1xi32>
    %eq3A_6 = arith.cmpi eq, %get3A_1, %eq3A_5 : vector<4096x1xi32>
    %slice3A = vector.extract_strided_slice %get3A_4 {offsets = [0, 0], sizes = [4096, 32], strides = [1, 1]} : vector<4096x128xf32> to vector<4096x32xf32>
    %jit3A = arith.constant 0.000000e+00 : f32
    %broadcast_in_dim3A = vector.shape_cast %eq3A_6 : vector<4096x1xi1> to vector<4096x1xi1>
    %broadcast_in_dim3A_7 = vector.broadcast %broadcast_in_dim3A : vector<4096x1xi1> to vector<4096x32xi1>
    %broadcast_in_dim3A_8 = vector.broadcast %jit3A : f32 to vector<4096x32xf32>
    %select_n3A = arith.select %broadcast_in_dim3A_7, %slice3A, %broadcast_in_dim3A_8 : vector<4096x32xi1>, vector<4096x32xf32>
    %eq3A_9 = arith.constant 1 : i32
    %eq3A_10 = vector.broadcast %eq3A_9 : i32 to vector<4096x1xi32>
    %eq3A_11 = arith.cmpi eq, %get3A_1, %eq3A_10 : vector<4096x1xi32>
    %slice3A_12 = vector.extract_strided_slice %get3A_4 {offsets = [0, 32], sizes = [4096, 32], strides = [1, 1]} : vector<4096x128xf32> to vector<4096x32xf32>
    %jit3A_13 = arith.constant 0.000000e+00 : f32
    %broadcast_in_dim3A_14 = vector.shape_cast %eq3A_11 : vector<4096x1xi1> to vector<4096x1xi1>
    %broadcast_in_dim3A_15 = vector.broadcast %broadcast_in_dim3A_14 : vector<4096x1xi1> to vector<4096x32xi1>
    %broadcast_in_dim3A_16 = vector.broadcast %jit3A_13 : f32 to vector<4096x32xf32>
    %select_n3A_17 = arith.select %broadcast_in_dim3A_15, %slice3A_12, %broadcast_in_dim3A_16 : vector<4096x32xi1>, vector<4096x32xf32>
    %add3A = arith.addf %select_n3A, %select_n3A_17 : vector<4096x32xf32>
    %eq3A_18 = arith.constant 2 : i32
    %eq3A_19 = vector.broadcast %eq3A_18 : i32 to vector<4096x1xi32>
    %eq3A_20 = arith.cmpi eq, %get3A_1, %eq3A_19 : vector<4096x1xi32>
    %slice3A_21 = vector.extract_strided_slice %get3A_4 {offsets = [0, 64], sizes = [4096, 32], strides = [1, 1]} : vector<4096x128xf32> to vector<4096x32xf32>
    %jit3A_22 = arith.constant 0.000000e+00 : f32
    %broadcast_in_dim3A_23 = vector.shape_cast %eq3A_20 : vector<4096x1xi1> to vector<4096x1xi1>
    %broadcast_in_dim3A_24 = vector.broadcast %broadcast_in_dim3A_23 : vector<4096x1xi1> to vector<4096x32xi1>
    %broadcast_in_dim3A_25 = vector.broadcast %jit3A_22 : f32 to vector<4096x32xf32>
    %select_n3A_26 = arith.select %broadcast_in_dim3A_24, %slice3A_21, %broadcast_in_dim3A_25 : vector<4096x32xi1>, vector<4096x32xf32>
    %add3A_27 = arith.addf %add3A, %select_n3A_26 : vector<4096x32xf32>
    %eq3A_28 = arith.constant 3 : i32
    %eq3A_29 = vector.broadcast %eq3A_28 : i32 to vector<4096x1xi32>
    %eq3A_30 = arith.cmpi eq, %get3A_1, %eq3A_29 : vector<4096x1xi32>
    %slice3A_31 = vector.extract_strided_slice %get3A_4 {offsets = [0, 96], sizes = [4096, 32], strides = [1, 1]} : vector<4096x128xf32> to vector<4096x32xf32>
    %jit3A_32 = arith.constant 0.000000e+00 : f32
    %broadcast_in_dim3A_33 = vector.shape_cast %eq3A_30 : vector<4096x1xi1> to vector<4096x1xi1>
    %broadcast_in_dim3A_34 = vector.broadcast %broadcast_in_dim3A_33 : vector<4096x1xi1> to vector<4096x32xi1>
    %broadcast_in_dim3A_35 = vector.broadcast %jit3A_32 : f32 to vector<4096x32xf32>
    %select_n3A_36 = arith.select %broadcast_in_dim3A_34, %slice3A_31, %broadcast_in_dim3A_35 : vector<4096x32xi1>, vector<4096x32xf32>
    %add3A_37 = arith.addf %add3A_27, %select_n3A_36 : vector<4096x32xf32>
    %get3A_38 = arith.constant 0 : index
    %get3A_39 = arith.constant 0 : index
    %get3A_40 = vector.load %arg4[%get3A_38, %get3A_39] : memref<32x128xf32, #tpu.memory_space<vmem>>, vector<32x128xf32>
    %dot_general3A = arith.constant dense<0.000000e+00> : vector<4096x128xf32>
    %dot_general3A_41 = tpu.matmul %add3A_37, %get3A_40, %dot_general3A {dimension_numbers = #tpu.dot_dimension_numbers<[1], [0], [0], [1], [0, 0, 1, 1], [], []>, transpose_lhs_hint = false} : vector<4096x32xf32>, vector<32x128xf32>, vector<4096x128xf32> -> vector<4096x128xf32>
    %get3A_42 = arith.constant 0 : index
    %get3A_43 = arith.constant 0 : index
    %get3A_44 = vector.load %arg3[%get3A_42, %get3A_43] : memref<4096x128xf32, #tpu.memory_space<vmem>>, vector<4096x128xf32>
    %add3A_45 = arith.addf %dot_general3A_41, %get3A_44 : vector<4096x128xf32>
    %get3A_46 = arith.constant 0 : index
    %get3A_47 = arith.constant 0 : index
    %get3A_48 = vector.load %arg5[%get3A_46, %get3A_47] : memref<1x128xf32, #tpu.memory_space<vmem>>, vector<1x128xf32>
    %add3A_49 = vector.broadcast %get3A_48 : vector<1x128xf32> to vector<4096x128xf32>
    %add3A_50 = arith.addf %add3A_45, %add3A_49 : vector<4096x128xf32>
    %max3A = arith.constant 0.000000e+00 : f32
    %max3A_51 = vector.broadcast %max3A : f32 to vector<4096x128xf32>
    %max3A_52 = arith.maximumf %add3A_50, %max3A_51 : vector<4096x128xf32>
    %get3A_53 = arith.constant 0 : index
    %get3A_54 = arith.constant 0 : index
    %get3A_55 = vector.load %arg6[%get3A_53, %get3A_54] : memref<128x1xf32, #tpu.memory_space<vmem>>, vector<128x1xf32>
    %dot_general3A_56 = arith.constant dense<0.000000e+00> : vector<4096x1xf32>
    %dot_general3A_57 = tpu.matmul %max3A_52, %get3A_55, %dot_general3A_56 {dimension_numbers = #tpu.dot_dimension_numbers<[1], [0], [0], [1], [0, 0, 1, 1], [], []>, transpose_lhs_hint = false} : vector<4096x128xf32>, vector<128x1xf32>, vector<4096x1xf32> -> vector<4096x1xf32>
    %get3A_58 = arith.constant 0 : index
    %get3A_59 = arith.constant 0 : index
    %get3A_60 = vector.load %arg7[%get3A_58, %get3A_59] : memref<1x1xf32, #tpu.memory_space<vmem>>, vector<1x1xf32>
    %add3A_61 = vector.broadcast %get3A_60 : vector<1x1xf32> to vector<4096x1xf32>
    %add3A_62 = arith.addf %dot_general3A_57, %add3A_61 : vector<4096x1xf32>
    %neg3A = arith.constant 0.000000e+00 : f32
    %neg3A_63 = vector.broadcast %neg3A : f32 to vector<4096x1xf32>
    %neg3A_64 = arith.subf %neg3A_63, %add3A_62 : vector<4096x1xf32>
    %exp3A = math.exp %neg3A_64 : vector<4096x1xf32>
    %add3A_65 = arith.constant 1.000000e+00 : f32
    %add3A_66 = vector.broadcast %add3A_65 : f32 to vector<4096x1xf32>
    %add3A_67 = arith.addf %add3A_66, %exp3A : vector<4096x1xf32>
    %div3A = arith.constant 1.000000e+00 : f32
    %div3A_68 = vector.broadcast %div3A : f32 to vector<4096x1xf32>
    %div3A_69 = arith.divf %div3A_68, %add3A_67 : vector<4096x1xf32>
    %swap3A = arith.constant 0 : index
    %swap3A_70 = arith.constant 0 : index
    %swap3A_71 = vector.load %arg8[%swap3A, %swap3A_70] : memref<4096x1xf32, #tpu.memory_space<vmem>>, vector<4096x1xf32>
    tpu.vector_store %arg8[%swap3A, %swap3A_70], %div3A_69 {strides = array<i32>} : memref<4096x1xf32, #tpu.memory_space<vmem>>, vector<4096x1xf32>,
    return
  }
  func.func @transform_0(%arg0: i32) -> (i32, i32) {
    %c0_i32 = arith.constant 0 : i32
    %c0_i32_0 = arith.constant 0 : i32
    return %arg0, %c0_i32 : i32, i32
  }
  func.func @transform_1(%arg0: i32) -> (i32, i32) {
    %c0_i32 = arith.constant 0 : i32
    %c0_i32_0 = arith.constant 0 : i32
    return %arg0, %c0_i32 : i32, i32
  }
  func.func @transform_2(%arg0: i32) -> (i32, i32) {
    %c0_i32 = arith.constant 0 : i32
    %c0_i32_0 = arith.constant 0 : i32
    return %arg0, %c0_i32 : i32, i32
  }
  func.func @transform_3(%arg0: i32) -> (i32, i32) {
    %c0_i32 = arith.constant 0 : i32
    %c0_i32_0 = arith.constant 0 : i32
    %c0_i32_1 = arith.constant 0 : i32
    return %c0_i32, %c0_i32_0 : i32, i32
  }
  func.func @transform_4(%arg0: i32) -> (i32, i32) {
    %c0_i32 = arith.constant 0 : i32
    %c0_i32_0 = arith.constant 0 : i32
    %c0_i32_1 = arith.constant 0 : i32
    return %c0_i32, %c0_i32_0 : i32, i32
  }
  func.func @transform_5(%arg0: i32) -> (i32, i32) {
    %c0_i32 = arith.constant 0 : i32
    %c0_i32_0 = arith.constant 0 : i32
    %c0_i32_1 = arith.constant 0 : i32
    return %c0_i32, %c0_i32_0 : i32, i32
  }
  func.func @transform_6(%arg0: i32) -> (i32, i32) {
    %c0_i32 = arith.constant 0 : i32
    %c0_i32_0 = arith.constant 0 : i32
    %c0_i32_1 = arith.constant 0 : i32
    return %c0_i32, %c0_i32_0 : i32, i32
  }
  func.func @transform_7(%arg0: i32) -> (i32, i32) {
    %c0_i32 = arith.constant 0 : i32
    %c0_i32_0 = arith.constant 0 : i32
    return %arg0, %c0_i32 : i32, i32
  }
}

</mosaic_0001>

<sc_bundles>
// kernel: kernel.6.cloned.1.call-start
scs
__scs_entry_jumppad:
0x0: {  	(pc) =	sbr.rel $0x88, $3  }
0x1: {  	(tag) =	ssettag $0x0;
	lr =	simm.s32 $0x1  }
0x2: {  	[smem:$0x3F97] =	sst lr;
	_ =	strace $0xD0000000  }
0x3: {  	_ = 	snop  }
0x4: {  	_ = 	snop  }
0x5: {  	_ = 	snop  }
0x6: {  	_ = 	snop  }
0x7: {  	_ = 	snop  }
__scs_overlays_trampoline_lowered:
0x8: {  	[smem:$0x3FA6] =	sst s0  }
0x9: {  	[smem:$0x3FA7] =	sst s1  }
0xa: {  	[smem:$0x3FA8] =	sst s2  }
0xb: {  	[smem:$0x3FA9] =	sst s3  }
0xc: {  	[smem:$0x3FAA] =	sst s4  }
0xd: {  	[smem:$0x3FAB] =	sst s5  }
0xe: {  	[smem:$0x3FAC] =	sst s6  }
0xf: {  	[smem:$0x3FAD] =	sst s7  }
0x10: {  	[smem:$0x3FAE] =	sst s8  }
0x11: {  	[smem:$0x3FAF] =	sst s9;
	s0 =	simm.s32 @!p0 $0x0  }
0x12: {  	s1 =	sld [smem:$0x3F95];
	s0 =	simm.s32 @p0 $0x1  }
0x13: {  	[smem:$0x3FB0] =	sst s0;
	s0 =	simm.s32 @!p1 $0x0  }
0x14: {  	s2 =	sld [smem:$0x3F94];
	s0 =	simm.s32 @p1 $0x1  }
0x15: {  	[smem:$0x3FB1] =	sst s0;
	s0 =	simm.s32 @!p2 $0x0  }
0x16: {  	s3 =	sld [smem:$0x3FDB];
	s0 =	simm.s32 @p2 $0x1  }
0x17: {  	s4 =	simm.s32 $0x1BF5;
	[smem:$0x3FB3] =	sst s0  }
0x18: {  	s0 =	sld [smem:$0x3F96];
	_ =	swait.ge [sflag:s4], $0x0  }
0x19: {  	s7 =	sld [smem:$0x3F97]  }
0x1a: {  	s8 =	sadd.s32 $0xFFFFE003, lr  }
0x1b: {  	s9 =	sadd.s32 $0xFFFFFEF7, lr;
	s5 =	simm.s32 $0xFFFFFFFF;
	p2 =	slt.u32 s8, $0xFFFFF086  }
0x1c: {  	p1 =	slt.u32 s9, $0xF7A;
	s5 =	simm.s32 @!p2 $0x0  }
0x1d: {  	s5 =	simm.s32 @p1 $0x1;
	p0 =	seq.s32 s7, s2  }
0x1e: {  	s7 =	smul.u32 @!p0 $0xF7A, s2;
	p2 =	seq.s32 @!p0 s5, $0x0  }
0x1f: {  	s9 =	smul.u32 $0xF7A, s1;
	s8 =	simm.s32 @!p0 $0x1BF5;
	p2 =	por !p2, p0  }
0x20: {  	[sflag:s8] =	ssyncset.s32 @!p0 $0xFFFFF086;
	s6 =	sadd.s32 @!p0 s3, s7;
	s7 =	simm.s32 @!p0 $0x108  }
0x21: {  	s3 =	sadd.s32 s3, s9;
	s6 =	sadd.s32 @!p0 $0x88, s6;
	s7 =	simm.s32 @p2 $0x1082  }
0x22: {  	[simem:s7], [sflag:s8] =	dma.local @!p0 [hbm:s6], $0xF7A  }
0x23: {  	s9 =	sor.u32 $0xD0000000, s2;
	s6 =	simm.s32 $0x108;
	_ =	swait.ge @!p0 [sflag:s8], $0x0  }
0x24: {  	s3 =	sadd.s32 $0x88, s3;
	s6 =	simm.s32 @!p1 $0x1082;
	[sflag:s4] =	ssyncset.s32 $0xFFFFF086  }
0x25: {  	[simem:s6], [sflag:s4] =	dma.local [hbm:s3], $0xF7A  }
0x26: {  	[smem:$0x3F97] =	sst s1;
	(tag) =	ssettag s2;
	_ =	strace s9  }
0x27: {  	s1 =	sld [smem:$0x3FA7]  }
0x28: {  	s2 =	sld [smem:$0x3FA8]  }
0x29: {  	s4 =	sld [smem:$0x3FAA]  }
0x2a: {  	p0 =	seq.s32 s5, $0x0;
	s5 =	sld [smem:$0x3FAB]  }
0x2b: {  	s6 =	sld [smem:$0x3FAC]  }
0x2c: {  	s7 =	sld [smem:$0x3FAD]  }
0x2d: {  	s3 =	simm.s32 $0x108;
	s8 =	sld [smem:$0x3FAE]  }
0x2e: {  	s3 =	simm.s32 @!p0 $0x1082;
	s9 =	sld [smem:$0x3FAF]  }
0x2f: {  	lr =	sadd.s32 s0, s3;
	s0 =	sld [smem:$0x3FA6]  }
0x30: {  	s3 =	sld [smem:$0x3FA9]  }
0x31: {  	[smem:$0x3FB2] =	sst s10  }
0x32: {  	s10 =	sld [smem:$0x3FB0];
	_ =	sdelay $0x3  }
0x33: {  	p0 =	seq.s32 s10, $0x1;
	s10 =	sld [smem:$0x3FB2];
	_ =	sdelay $0x3  }
0x34: {  	[smem:$0x3FB2] =	sst s10  }
0x35: {  	s10 =	sld [smem:$0x3FB1];
	_ =	sdelay $0x3  }
0x36: {  	p1 =	seq.s32 s10, $0x1;
	s10 =	sld [smem:$0x3FB2];
	_ =	sdelay $0x3  }
0x37: {  	[smem:$0x3FB2] =	sst s10  }
0x38: {  	s10 =	sld [smem:$0x3FB3]  }
0x39: {  	_ = 	snop;
	(pc) =	sbr.ind lr, $3  }
0x3a: {  	_ = 	snop  }
0x3b: {  	_ = 	snop  }
0x3c: {  	p2 =	seq.s32 s10, $0x1;
	s10 =	sld [smem:$0x3FB2]  }
0x3d: {  	_ =	shalt  }
0x3e: {  	_ =	shalt  }
0x3f: {  	_ =	shalt  }
0x40: {  	_ =	shalt  }
0x41: {  	_ =	shalt  }
0x42: {  	_ =	shalt  }
0x43: {  	_ =	shalt  }
0x44: {  	_ =	shalt  }
0x45: {  	_ =	shalt  }
0x46: {  	_ =	shalt  }
0x47: {  	_ =	shalt  }
0x48: {  	_ =	shalt  }
0x49: {  	_ =	shalt  }
0x4a: {  	_ =	shalt  }
0x4b: {  	_ =	shalt  }
0x4c: {  	_ =	shalt  }
0x4d: {  	_ =	shalt  }
0x4e: {  	_ =	shalt  }
0x4f: {  	_ =	shalt  }
0x50: {  	_ =	shalt  }
0x51: {  	_ =	shalt  }
0x52: {  	_ =	shalt  }
0x53: {  	_ =	shalt  }
0x54: {  	_ =	shalt  }
0x55: {  	_ =	shalt  }
0x56: {  	_ =	shalt  }
0x57: {  	_ =	shalt  }
0x58: {  	_ =	shalt  }
0x59: {  	_ =	shalt  }
0x5a: {  	_ =	shalt  }
0x5b: {  	_ =	shalt  }
0x5c: {  	_ =	shalt  }
0x5d: {  	_ =	shalt  }
0x5e: {  	_ =	shalt  }
0x5f: {  	_ =	shalt  }
0x60: {  	_ =	shalt  }
0x61: {  	_ =	shalt  }
0x62: {  	_ =	shalt  }
0x63: {  	_ =	shalt  }
0x64: {  	_ =	shalt  }
0x65: {  	_ =	shalt  }
0x66: {  	_ =	shalt  }
0x67: {  	_ =	shalt  }
0x68: {  	_ =	shalt  }
0x69: {  	_ =	shalt  }
0x6a: {  	_ =	shalt  }
0x6b: {  	_ =	shalt  }
0x6c: {  	_ =	shalt  }
0x6d: {  	_ =	shalt  }
0x6e: {  	_ =	shalt  }
0x6f: {  	_ =	shalt  }
0x70: {  	_ =	shalt  }
0x71: {  	_ =	shalt  }
0x72: {  	_ =	shalt  }
0x73: {  	_ =	shalt  }
0x74: {  	_ =	shalt  }
0x75: {  	_ =	shalt  }
0x76: {  	_ =	shalt  }
0x77: {  	_ =	shalt  }
0x78: {  	_ =	shalt  }
0x79: {  	_ =	shalt  }
0x7a: {  	_ =	shalt  }
0x7b: {  	_ =	shalt  }
0x7c: {  	_ =	shalt  }
0x7d: {  	_ =	shalt  }
0x7e: {  	_ =	shalt  }
0x7f: {  	_ =	shalt  }
0x80: {  	_ =	shalt  }
0x81: {  	_ =	shalt  }
0x82: {  	_ =	shalt  }
0x83: {  	_ =	shalt  }
0x84: {  	_ =	shalt  }
0x85: {  	_ =	shalt  }
0x86: {  	_ =	shalt  }
0x87: {  	_ =	shalt  }
.Lfunc_end0:
.L_simem_size_0:
called_computation_lowered:
.L_overlay_start_0:
0x88: {  	s2 =	sld [smem:$0x3FD9]  }
0x89: {  	s3 =	sld [smem:$0x3FFE];
	_ =	sdelay $0x1  }
0x8a: {  	s1 =	srdreg.scid  }
0x8b: {  	s0 =	sand.u32 $0x1, s1  }
0x8c: {  	s17 =	sshll.u32 s0, $0xA;
	s2 =	sadd.s32 s3, s2  }
0x8d: {  	s2 =	sadd.s32 s2, s17  }
0x8e: {  	[smem:$0x3FBE] =	sst s2  }
0x8f: {  	_ = 	snop  }
0x90: {  	(tm) =	ssettm $0x1  }
0x91: {  	s18 =	sld [smem:$0x3FFB];
	_ =	sdelay $0x3  }
0x92: {  	_ =	strace s18  }
0x93: {  	s2 =	sld [smem:$0x3FFC];
	_ =	sdelay $0x3  }
0x94: {  	_ =	strace s2  }
0x95: {  	s2 =	sld [smem:$0x3FFD];
	_ =	sdelay $0x3  }
0x96: {  	_ =	strace s2  }
0x97: {  	_ =	strace $0x8FFFFFFF  }
0x98: {  	s19 =	sld [smem:$0x3FDB];
	_ =	sdelay $0x1  }
0x99: {  	s20 =	simm.s32 $_scs_section_size  }
0x9a: {  	s4 =	simm.s32 $_size__tile_overlayer_lowered;
	s5 =	simm.s32 $_tile_overlayer_lowered  }
0x9b: {  	s6 =	simm.s32 $0x1BFF;
	s21 =	sshll.u32 s5, $0x1;
	s3 =	sadd.s32 s20, s19  }
0x9c: {  	s22 =	simm.s32 $0x0;
	s4 =	sshll.u32 s4, $0x1;
	s5 =	sadd.s32 s21, s3  }
0x9d: {  	[timem:s22], [sflag:s6] =	dma.local [hbm:s5], s4  }
0x9e: {  	_ =	swait.ge [sflag:s6], s4  }
0x9f: {  	s4 =	ssub.s32 $0x0, s4;
	[sflag:s6] =	ssyncset.done $0x0  }
0xa0: {  	[sflag:s6] =	ssyncadd.s32 s4;
	_ =	sdelay $0x1  }
0xa1: {  	s23 =	simm.s32 $0x1B8B  }
0xa2: {  	_ =	swait.ge [sflag:s23], $0x1  }
0xa3: {  	[sflag:s23] =	ssyncset.done $0x0  }
0xa4: {  	[sflag:s23] =	ssyncadd.s32 $0xFFFFFFFF  }
0xa5: {  	s4 =	sld [smem:$0x0]  }
0xa6: {  	s5 =	sand.u32 $0xFFFFFFFE, s1  }
0xa7: {  	p0 =	sne.s32 s1, s5  }
0xa8: {  	s5 =	sshll.u32 @p0 s5, $0xE  }
0xa9: {  	s5 =	sadd.s32 @p0 $0x11B8D, s5;
	s6 =	sshll.u32 @p0 s4, $0x11  }
0xaa: {  	s5 =	sor.u32 @p0 s6, s5  }
0xab: {  	[sflag:s5] =	ssyncadd.remote.s32 @p0 $0x1;
	_ =	sdelay $0x1  }
0xac: {  	s5 =	simm.s32 @p0 $0x1B8D  }
0xad: {  	_ =	swait.eq @p0 [sflag:s5], $0x1  }
0xae: {  	[sflag:s5] =	ssyncadd.s32 @p0 $0xFFFFFFFF  }
0xaf: {  	s6 =	sshll.u32 @!p0 s1, $0xE  }
0xb0: {  	s6 =	sor.u32 @!p0 $0x4000, s6;
	s5 =	simm.s32 @!p0 $0x1B8D  }
0xb1: {  	s4 =	sshll.u32 @!p0 s4, $0x11;
	s6 =	sadd.s32 @!p0 $0x11B8D, s6;
	_ =	swait.eq @!p0 [sflag:s5], $0x1  }
0xb2: {  	s4 =	sor.u32 @!p0 s4, s6;
	[sflag:s5] =	ssyncadd.s32 @!p0 $0xFFFFFFFF  }
0xb3: {  	s25 =	simm.s32 $0x1B8E;
	s24 =	sld [smem:$0x3FFE];
	[sflag:s4] =	ssyncadd.remote.s32 @!p0 $0x1  }
0xb4: {  	s26 =	simm.s32 $execute0_lowered;
	[smem:$0x3FD2] =	sst s25  }
0xb5: {  	s5 =	sshll.u32 s26, $0x1;
	_ =	strace $0x80000049;
	[dreg:$0x1] =	wrdreg $0xFFFFFFFF  }
0xb6: {  	s28 =	simm.s32 $_size_execute0_lowered;
	s3 =	sadd.s32 s3, s5;
	[dreg:$0x0] =	wrdreg $0x0  }
0xb7: {  	s5 =	sshll.u32 s28, $0x1;
	[dreg:$0x2] =	wrdreg s3  }
0xb8: {  	[dreg:$0x3] =	wrdreg s5  }
0xb9: {  	[dreg:$0x4] =	wrdreg $0xC0  }
0xba: {  	_ =	task [dreg:s22], $0x5FFFF  }
0xbb: {  	[dreg:$0x1] =	wrdreg $0xFFFFFFFF  }
0xbc: {  	[dreg:$0x0] =	wrdreg $0x60  }
0xbd: {  	[dreg:$0x2] =	wrdreg s24  }
0xbe: {  	[dreg:$0x3] =	wrdreg $0x9  }
0xbf: {  	_ =	task.clear_ibuf [dreg:s22], $0x4FFFF;
	_ =	strace $0x90000049  }
0xc0: {  	s29 =	simm.s32 $0x9;
	_ =	strace $0x8000004B  }
0xc1: {  	_ =	swait.ge [sflag:s29], $0x1  }
0xc2: {  	[sflag:s29] =	ssyncadd.s32 $0xFFFFFFFF  }
0xc3: {  	_ =	strace $0x9000004B  }
0xc4: {  	_ =	sfence  }
0xc5: {  	s30 =	sld [smem:$0x0];
	_ =	sdelay $0x2  }
0xc6: {  	s31 =	sshll.u32 s1, $0xD;
	s1 =	sshrl.u32 s1, $0x2  }
0xc7: {  	s4 =	sand.u32 $0x4000, s31;
	s1 =	sadd.s32 s1, s30  }
0xc8: {  	s0 =	sor.u32 s4, s0;
	s1 =	sshll.u32 s1, $0x11  }
0xc9: {  	s0 =	sor.u32 s1, s0  }
0xca: {  	s0 =	sadd.s32 $0x8F2B, s0  }
0xcb: {  	[sflag:s0] =	ssyncadd.remote.s32 $0x1  }
0xcc: {  	_ =	sfence.sel $0xFFFF  }
0xcd: {  	[dreg:$0x0] =	wrdreg $0xFFFFFFFF;
	(pc) =	sbr.abs _section_cstart, $3  }
0xce: {  	[dreg:$0x1] =	wrdreg $0xFFFFFFFF  }
0xcf: {  	_ =	task.clear_ibuf [dreg:s22], $0x2FFFF;
	_ =	strace $0x9FFFFFFF  }
0xd0: {  	(tm) =	ssettm $0x7FFFFFFF  }
0xd1: {  	_ =	shalt  }
tec
execute0_lowered:
.L_overlay_start_1:
0x0: {  	(tag) =	ssettag $0x1  }
0x1: {  	s1 =	rddreg [dreg:$0x0];
	s2 =	simm.s32 $0x0  }
0x2: {  	s6 =	simm.s32 $0x380;
	[smem:$0x7FF] =	sst s2  }
0x3: {  	s7 =	simm.s32 $0x400;
	_ =	strace $0x8000004A;
	[dreg:$0xa] =	wrdreg s6  }
0x4: {  	s8 =	simm.s32 $0x480;
	[dreg:$0xb] =	wrdreg s7  }
0x5: {  	s0 =	srdreg.scid;
	s9 =	simm.s32 $0x500;
	[dreg:$0xc] =	wrdreg s8  }
0x6: {  	s10 =	stileid.u32;
	s11 =	simm.s32 $0x580;
	[dreg:$0xd] =	wrdreg s9  }
0x7: {  	s12 =	simm.s32 $0x600;
	s13 =	simm.s32 $0x680;
	[dreg:$0xe] =	wrdreg s11  }
0x8: {  	s14 =	simm.s32 $0x700;
	s15 =	simm.s32 $0x780;
	[dreg:$0xf] =	wrdreg s12  }
0x9: {  	s16 =	simm.s32 $0x800;
	s17 =	simm.s32 $0x880;
	[dreg:$0x10] =	wrdreg s13  }
0xa: {  	s19 =	simm.s32 $0x900;
	s20 =	simm.s32 $0x980;
	[dreg:$0x11] =	wrdreg s14  }
0xb: {  	s21 =	simm.s32 $0xA00;
	s22 =	simm.s32 $0xA80;
	[dreg:$0x12] =	wrdreg s15  }
0xc: {  	s31 =	simm.s32 $0x200;
	s28 =	simm.s32 $0xF00;
	[dreg:$0x13] =	wrdreg s16  }
0xd: {  	s29 =	simm.s32 $0xF80;
	s30 =	simm.s32 $0x1000;
	[dreg:$0x14] =	wrdreg s17  }
0xe: {  	s0 =	sand.u32 $0x1, s0;
	s3 =	sshll.u32 s10, $0x1;
	[dreg:$0x15] =	wrdreg s19  }
0xf: {  	p0 =	por $0x0, $0x0;
	s3 =	sor.u32 s0, s3;
	[dreg:$0x16] =	wrdreg s20  }
0x10: {  	s8 =	sadd.s32 $0x427800, s1;
	s0 =	ssub.s32 $0x2, s0;
	[dreg:$0x17] =	wrdreg s21  }
0x11: {  	[dreg:$0x18] =	wrdreg s22;
	s9 =	simm.s32 $0x80;
	s6 =	simm.s32 $0x1600  }
0x12: {  	s7 =	simm.s32 $0x1;
	s22 =	simm.s32 $0xC80;
	s11 =	simm.s32 $0x1080  }
0x13: {  	s15 =	simm.s32 $0x180;
	s12 =	simm.s32 $0x1180;
	s13 =	simm.s32 $0x1200  }
0x14: {  	s14 =	simm.s32 $0x1280;
	s16 =	simm.s32 $0x1300;
	s17 =	simm.s32 $0x1380  }
0x15: {  	s19 =	simm.s32 $0x1480;
	s20 =	simm.s32 $0x1500;
	s4 =	sshll.u32 s3, $0x6  }
0x16: {  	s5 =	smul.u32 $0x280, s3;
	s3 =	sshll.u32 s3, $0xD;
	s4 =	sadd.s32 s4, s1  }
0x17: {  	s21 =	simm.s32 $0x1580;
	s3 =	sadd.s32 s3, s1;
	s4 =	sadd.s32 $0x422000, s4  }
0x18: {  	s18 =	sshrl.u32 s0, $0x1;
	s24 =	sadd.s32 $0x456600, s3;
	[dreg:$0x2] =	wrdreg s4  }
0x19: {  	s0 =	ssub.s32 s0, s18;
	s25 =	sadd.s32 $0x456E00, s3;
	[dreg:$0x4] =	wrdreg s24  }
0x1a: {  	s18 =	simm.s32 $0x1400;
	s26 =	sadd.s32 $0x457600, s3;
	[dreg:$0x5] =	wrdreg s25  }
0x1b: {  	s5 =	sadd.s32 s5, s1;
	s3 =	sadd.s32 $0x457E00, s3;
	[dreg:$0x6] =	wrdreg s26  }
0x1c: {  	s0 =	smax.u32 s0, $0x1;
	s23 =	sadd.s32 $0x422800, s5;
	[dreg:$0x7] =	wrdreg s3  }
0x1d: {  	s4 =	simm.s32 $0x280;
	s5 =	simm.s32 $0x300;
	[dreg:$0x3] =	wrdreg s23  }
0x1e: {  	s3 =	simm.s32 $0x3;
	s24 =	simm.s32 $0xB80;
	[dreg:$0x8] =	wrdreg s4  }
0x1f: {  	s25 =	simm.s32 $0x100;
	p1 =	sne.s32 s0, $0x1;
	[dreg:$0x9] =	wrdreg s5  }
.Ltmp0:
0x20: {  	s26 =	simm.s32 $0xC00;
	[dreg:$0x1a] =	wrdreg s24;
	(pc) =	sbr.rel @!p1 .LBB2_1-.Ltmp0, $4  }
0x21: {  	s1 =	sadd.s32 $0xFFFFFFFF, s0;
	s23 =	simm.s32 $0xB00;
	[dreg:$0x1b] =	wrdreg s25  }
0x22: {  	s4 =	simm.s32 $0x5600;
	s5 =	simm.s32 $0x2;
	[dreg:$0x1c] =	wrdreg s26  }
0x23: {  	s24 =	simm.s32 $0xD80;
	s25 =	simm.s32 $0xE00;
	s0 =	rddreg [dreg:$0x2]  }
0x24: {  	s26 =	simm.s32 $0xE80;
	[dreg:$0x19] =	wrdreg s23;
	s23 =	simm.s32 $0xD00  }
0x25: {  	[tilespmem:s2], [sflag:$0x3] =	stream.linear.gather [hbm4b:s0+s2], $0x200, $0x38;
	[tilespmem:$0x9600] =	vst v63  }
0x26: {  	_ =	swait.ge [sflag:s3], $0x200  }
0x27: {  	[sflag:s3] =	ssyncset.done $0x0  }
0x28: {  	s10 =	rddreg [dreg:$0x3];
	[sflag:s3] =	ssyncadd.s32 $0xFFFFFE00  }
0x29: {  	[tilespmem:s31], [sflag:$0x3] =	stream.linear.gather [hbm4b:s10+s2], $0x1400, $0x38;
	[tilespmem:$0x9600] =	vst v63  }
0x2a: {  	_ =	swait.ge [sflag:s3], $0x1400  }
0x2b: {  	[sflag:s3] =	ssyncset.done $0x0  }
0x2c: {  	[sflag:s3] =	ssyncadd.s32 $0xFFFFEC00  }
0x2d: {  	[tilespmem:s6], [sflag:$0x1] =	stream.indirect.gather [hbm4b:s8+s9], $0x80, s2, s9, $0xb8;
	[tilespmem:$0x9600] =	vst v63  }
0x2e: {  	_ =	swait.ge [sflag:s7], $0x4000  }
0x2f: {  	[sflag:s7] =	ssyncset.done $0x0  }
0x30: {  	[sflag:s7] =	ssyncadd.s32 $0xFFFFC000  }
0x31: {  	[tilespmem:s6], [sflag:$0x1] =	stream.indirect.gather.add.f32 [hbm:s8], $0x80, s31, s9, $0xb8;
	[tilespmem:$0x9600] =	vst v63  }
0x32: {  	s0 =	rddreg [dreg:$0x8]  }
0x33: {  	[tilespmem:s6], [sflag:$0x1] =	stream.indirect.gather.add.f32 [hbm:s8], $0x80, s0, s9, $0xb8;
	[tilespmem:$0x9600] =	vst v63  }
0x34: {  	s10 =	smov.u32 s1;
	s1 =	rddreg [dreg:$0x9]  }
0x35: {  	[tilespmem:s6], [sflag:$0x1] =	stream.indirect.gather.add.f32 [hbm:s8], $0x80, s1, s9, $0xb8;
	[tilespmem:$0x9600] =	vst v63  }
0x36: {  	s0 =	rddreg [dreg:$0xa]  }
0x37: {  	[tilespmem:s6], [sflag:$0x1] =	stream.indirect.gather.add.f32 [hbm:s8], $0x80, s0, s9, $0xb8;
	[tilespmem:$0x9600] =	vst v63  }
0x38: {  	s1 =	rddreg [dreg:$0xb]  }
0x39: {  	[tilespmem:s6], [sflag:$0x1] =	stream.indirect.gather.add.f32 [hbm:s8], $0x80, s1, s9, $0xb8;
	[tilespmem:$0x9600] =	vst v63  }
0x3a: {  	s0 =	rddreg [dreg:$0xc]  }
0x3b: {  	[tilespmem:s6], [sflag:$0x1] =	stream.indirect.gather.add.f32 [hbm:s8], $0x80, s0, s9, $0xb8;
	[tilespmem:$0x9600] =	vst v63  }
0x3c: {  	s1 =	rddreg [dreg:$0xd]  }
0x3d: {  	[tilespmem:s6], [sflag:$0x1] =	stream.indirect.gather.add.f32 [hbm:s8], $0x80, s1, s9, $0xb8;
	[tilespmem:$0x9600] =	vst v63  }
0x3e: {  	s0 =	rddreg [dreg:$0xe]  }
0x3f: {  	[tilespmem:s6], [sflag:$0x1] =	stream.indirect.gather.add.f32 [hbm:s8], $0x80, s0, s9, $0xb8;
	[tilespmem:$0x9600] =	vst v63  }
0x40: {  	s1 =	rddreg [dreg:$0xf]  }
0x41: {  	[tilespmem:s6], [sflag:$0x1] =	stream.indirect.gather.add.f32 [hbm:s8], $0x80, s1, s9, $0xb8;
	[tilespmem:$0x9600] =	vst v63  }
0x42: {  	s0 =	rddreg [dreg:$0x10]  }
0x43: {  	[tilespmem:s6], [sflag:$0x1] =	stream.indirect.gather.add.f32 [hbm:s8], $0x80, s0, s9, $0xb8;
	[tilespmem:$0x9600] =	vst v63  }
0x44: {  	_ = 	snop  }
0x45: {  	[tilespmem:s4], [sflag:$0x2] =	stream.indirect.gather [hbm4b:s8+s9], $0x80, s9, s9, $0xb8;
	[tilespmem:$0x9600] =	vst v63  }
0x46: {  	_ =	swait.ge [sflag:s5], $0x4000  }
0x47: {  	[sflag:s5] =	ssyncset.done $0x0  }
0x48: {  	s0 =	rddreg [dreg:$0x11];
	[sflag:s5] =	ssyncadd.s32 $0xFFFFC000  }
0x49: {  	[tilespmem:s4], [sflag:$0x2] =	stream.indirect.gather.add.f32 [hbm:s8], $0x80, s0, s9, $0xb8;
	[tilespmem:$0x9600] =	vst v63  }
0x4a: {  	s1 =	rddreg [dreg:$0x12]  }
0x4b: {  	[tilespmem:s4], [sflag:$0x2] =	stream.indirect.gather.add.f32 [hbm:s8], $0x80, s1, s9, $0xb8;
	[tilespmem:$0x9600] =	vst v63  }
0x4c: {  	s0 =	rddreg [dreg:$0x13]  }
0x4d: {  	[tilespmem:s4], [sflag:$0x2] =	stream.indirect.gather.add.f32 [hbm:s8], $0x80, s0, s9, $0xb8;
	[tilespmem:$0x9600] =	vst v63  }
0x4e: {  	s1 =	rddreg [dreg:$0x14]  }
0x4f: {  	[tilespmem:s4], [sflag:$0x2] =	stream.indirect.gather.add.f32 [hbm:s8], $0x80, s1, s9, $0xb8;
	[tilespmem:$0x9600] =	vst v63  }
0x50: {  	s0 =	rddreg [dreg:$0x15]  }
0x51: {  	[tilespmem:s4], [sflag:$0x2] =	stream.indirect.gather.add.f32 [hbm:s8], $0x80, s0, s9, $0xb8;
	[tilespmem:$0x9600] =	vst v63  }
0x52: {  	s1 =	rddreg [dreg:$0x16]  }
0x53: {  	[tilespmem:s4], [sflag:$0x2] =	stream.indirect.gather.add.f32 [hbm:s8], $0x80, s1, s9, $0xb8;
	[tilespmem:$0x9600] =	vst v63  }
0x54: {  	s0 =	rddreg [dreg:$0x17]  }
0x55: {  	[tilespmem:s4], [sflag:$0x2] =	stream.indirect.gather.add.f32 [hbm:s8], $0x80, s0, s9, $0xb8;
	[tilespmem:$0x9600] =	vst v63  }
0x56: {  	s1 =	rddreg [dreg:$0x18]  }
0x57: {  	[tilespmem:s4], [sflag:$0x2] =	stream.indirect.gather.add.f32 [hbm:s8], $0x80, s1, s9, $0xb8;
	[tilespmem:$0x9600] =	vst v63  }
0x58: {  	s0 =	rddreg [dreg:$0x19]  }
0x59: {  	[tilespmem:s4], [sflag:$0x2] =	stream.indirect.gather.add.f32 [hbm:s8], $0x80, s0, s9, $0xb8;
	[tilespmem:$0x9600] =	vst v63  }
0x5a: {  	s1 =	rddreg [dreg:$0x1a]  }
0x5b: {  	[tilespmem:s4], [sflag:$0x2] =	stream.indirect.gather.add.f32 [hbm:s8], $0x80, s1, s9, $0xb8;
	[tilespmem:$0x9600] =	vst v63  }
0x5c: {  	_ =	swait.ge [sflag:s7], $0x4000  }
0x5d: {  	[sflag:s7] =	ssyncset.done $0x0  }
0x5e: {  	[sflag:s7] =	ssyncadd.s32 $0xFFFFC000  }
0x5f: {  	_ =	swait.ge [sflag:s7], $0x4000  }
0x60: {  	[sflag:s7] =	ssyncset.done $0x0  }
0x61: {  	[sflag:s7] =	ssyncadd.s32 $0xFFFFC000  }
0x62: {  	_ =	swait.ge [sflag:s7], $0x4000  }
0x63: {  	[sflag:s7] =	ssyncset.done $0x0  }
0x64: {  	[sflag:s7] =	ssyncadd.s32 $0xFFFFC000  }
0x65: {  	_ =	swait.ge [sflag:s7], $0x4000  }
0x66: {  	[sflag:s7] =	ssyncset.done $0x0  }
0x67: {  	[sflag:s7] =	ssyncadd.s32 $0xFFFFC000  }
0x68: {  	_ =	swait.ge [sflag:s7], $0x4000  }
0x69: {  	[sflag:s7] =	ssyncset.done $0x0  }
0x6a: {  	[sflag:s7] =	ssyncadd.s32 $0xFFFFC000  }
0x6b: {  	_ =	swait.ge [sflag:s7], $0x4000  }
0x6c: {  	[sflag:s7] =	ssyncset.done $0x0  }
0x6d: {  	[sflag:s7] =	ssyncadd.s32 $0xFFFFC000  }
0x6e: {  	_ =	swait.ge [sflag:s7], $0x4000  }
0x6f: {  	[sflag:s7] =	ssyncset.done $0x0  }
0x70: {  	[sflag:s7] =	ssyncadd.s32 $0xFFFFC000  }
0x71: {  	_ =	swait.ge [sflag:s7], $0x4000  }
0x72: {  	[sflag:s7] =	ssyncset.done $0x0  }
0x73: {  	[sflag:s7] =	ssyncadd.s32 $0xFFFFC000  }
0x74: {  	_ =	swait.ge [sflag:s7], $0x4000  }
0x75: {  	[sflag:s7] =	ssyncset.done $0x0  }
0x76: {  	[sflag:s7] =	ssyncadd.s32 $0xFFFFC000  }
0x77: {  	_ =	swait.ge [sflag:s7], $0x4000  }
0x78: {  	[sflag:s7] =	ssyncset.done $0x0  }
0x79: {  	s1 =	rddreg [dreg:$0x4];
	[sflag:s7] =	ssyncadd.s32 $0xFFFFC000  }
0x7a: {  	[hbm4b:s1+s2] =	stream.linear.scatter [tilespmem:s6], [sflag:$0x3], $0x4000, $0x38;
	[tilespmem:$0x9600] =	vst v63  }
0x7b: {  	_ =	swait.ge [sflag:s3], $0x4000  }
0x7c: {  	[sflag:s3] =	ssyncset.done $0x0  }
0x7d: {  	s1 =	rddreg [dreg:$0x1b];
	[sflag:s3] =	ssyncadd.s32 $0xFFFFC000  }
0x7e: {  	[tilespmem:s6], [sflag:$0x1] =	stream.indirect.gather [hbm4b:s8+s9], $0x80, s1, s9, $0xb8;
	[tilespmem:$0x9600] =	vst v63  }
0x7f: {  	_ =	swait.ge [sflag:s7], $0x4000  }
0x80: {  	[sflag:s7] =	ssyncset.done $0x0  }
0x81: {  	s1 =	rddreg [dreg:$0x1c];
	[sflag:s7] =	ssyncadd.s32 $0xFFFFC000  }
0x82: {  	[tilespmem:s6], [sflag:$0x1] =	stream.indirect.gather.add.f32 [hbm:s8], $0x80, s1, s9, $0xb8;
	[tilespmem:$0x9600] =	vst v63  }
0x83: {  	_ = 	snop  }
0x84: {  	[tilespmem:s6], [sflag:$0x1] =	stream.indirect.gather.add.f32 [hbm:s8], $0x80, s22, s9, $0xb8;
	[tilespmem:$0x9600] =	vst v63  }
0x85: {  	_ = 	snop  }
0x86: {  	[tilespmem:s6], [sflag:$0x1] =	stream.indirect.gather.add.f32 [hbm:s8], $0x80, s23, s9, $0xb8;
	[tilespmem:$0x9600] =	vst v63  }
0x87: {  	_ = 	snop  }
0x88: {  	[tilespmem:s6], [sflag:$0x1] =	stream.indirect.gather.add.f32 [hbm:s8], $0x80, s24, s9, $0xb8;
	[tilespmem:$0x9600] =	vst v63  }
0x89: {  	_ = 	snop  }
0x8a: {  	[tilespmem:s6], [sflag:$0x1] =	stream.indirect.gather.add.f32 [hbm:s8], $0x80, s25, s9, $0xb8;
	[tilespmem:$0x9600] =	vst v63  }
0x8b: {  	_ = 	snop  }
0x8c: {  	[tilespmem:s6], [sflag:$0x1] =	stream.indirect.gather.add.f32 [hbm:s8], $0x80, s26, s9, $0xb8;
	[tilespmem:$0x9600] =	vst v63  }
0x8d: {  	_ = 	snop  }
0x8e: {  	[tilespmem:s6], [sflag:$0x1] =	stream.indirect.gather.add.f32 [hbm:s8], $0x80, s28, s9, $0xb8;
	[tilespmem:$0x9600] =	vst v63  }
0x8f: {  	_ = 	snop  }
0x90: {  	[tilespmem:s6], [sflag:$0x1] =	stream.indirect.gather.add.f32 [hbm:s8], $0x80, s29, s9, $0xb8;
	[tilespmem:$0x9600] =	vst v63  }
0x91: {  	_ = 	snop  }
0x92: {  	[tilespmem:s6], [sflag:$0x1] =	stream.indirect.gather.add.f32 [hbm:s8], $0x80, s30, s9, $0xb8;
	[tilespmem:$0x9600] =	vst v63  }
0x93: {  	_ = 	snop  }
0x94: {  	[tilespmem:s6], [sflag:$0x1] =	stream.indirect.gather.add.f32 [hbm:s8], $0x80, s11, s9, $0xb8;
	[tilespmem:$0x9600] =	vst v63  }
0x95: {  	_ =	swait.ge [sflag:s5], $0x4000  }
0x96: {  	[sflag:s5] =	ssyncset.done $0x0  }
0x97: {  	[sflag:s5] =	ssyncadd.s32 $0xFFFFC000  }
0x98: {  	_ =	swait.ge [sflag:s5], $0x4000  }
0x99: {  	[sflag:s5] =	ssyncset.done $0x0  }
0x9a: {  	[sflag:s5] =	ssyncadd.s32 $0xFFFFC000  }
0x9b: {  	_ =	swait.ge [sflag:s5], $0x4000  }
0x9c: {  	[sflag:s5] =	ssyncset.done $0x0  }
0x9d: {  	[sflag:s5] =	ssyncadd.s32 $0xFFFFC000  }
0x9e: {  	_ =	swait.ge [sflag:s5], $0x4000  }
0x9f: {  	[sflag:s5] =	ssyncset.done $0x0  }
0xa0: {  	[sflag:s5] =	ssyncadd.s32 $0xFFFFC000  }
0xa1: {  	_ =	swait.ge [sflag:s5], $0x4000  }
0xa2: {  	[sflag:s5] =	ssyncset.done $0x0  }
0xa3: {  	[sflag:s5] =	ssyncadd.s32 $0xFFFFC000  }
0xa4: {  	_ =	swait.ge [sflag:s5], $0x4000  }
0xa5: {  	[sflag:s5] =	ssyncset.done $0x0  }
0xa6: {  	[sflag:s5] =	ssyncadd.s32 $0xFFFFC000  }
0xa7: {  	_ =	swait.ge [sflag:s5], $0x4000  }
0xa8: {  	[sflag:s5] =	ssyncset.done $0x0  }
0xa9: {  	[sflag:s5] =	ssyncadd.s32 $0xFFFFC000  }
0xaa: {  	_ =	swait.ge [sflag:s5], $0x4000  }
0xab: {  	[sflag:s5] =	ssyncset.done $0x0  }
0xac: {  	[sflag:s5] =	ssyncadd.s32 $0xFFFFC000  }
0xad: {  	_ =	swait.ge [sflag:s5], $0x4000  }
0xae: {  	[sflag:s5] =	ssyncset.done $0x0  }
0xaf: {  	[sflag:s5] =	ssyncadd.s32 $0xFFFFC000  }
0xb0: {  	_ =	swait.ge [sflag:s5], $0x4000  }
0xb1: {  	[sflag:s5] =	ssyncset.done $0x0  }
0xb2: {  	s1 =	rddreg [dreg:$0x5];
	[sflag:s5] =	ssyncadd.s32 $0xFFFFC000  }
0xb3: {  	[hbm4b:s1+s2] =	stream.linear.scatter [tilespmem:s4], [sflag:$0x3], $0x4000, $0x38;
	[tilespmem:$0x9600] =	vst v63  }
0xb4: {  	_ =	swait.ge [sflag:s3], $0x4000  }
0xb5: {  	[sflag:s3] =	ssyncset.done $0x0  }
0xb6: {  	[sflag:s3] =	ssyncadd.s32 $0xFFFFC000  }
0xb7: {  	[tilespmem:s4], [sflag:$0x2] =	stream.indirect.gather [hbm4b:s8+s9], $0x80, s15, s9, $0xb8;
	[tilespmem:$0x9600] =	vst v63  }
0xb8: {  	_ =	swait.ge [sflag:s5], $0x4000  }
0xb9: {  	[sflag:s5] =	ssyncset.done $0x0  }
0xba: {  	s1 =	simm.s32 $0x1100;
	[sflag:s5] =	ssyncadd.s32 $0xFFFFC000  }
0xbb: {  	[tilespmem:s4], [sflag:$0x2] =	stream.indirect.gather.add.f32 [hbm:s8], $0x80, s1, s9, $0xb8;
	[tilespmem:$0x9600] =	vst v63  }
0xbc: {  	_ = 	snop  }
0xbd: {  	[tilespmem:s4], [sflag:$0x2] =	stream.indirect.gather.add.f32 [hbm:s8], $0x80, s12, s9, $0xb8;
	[tilespmem:$0x9600] =	vst v63  }
0xbe: {  	_ = 	snop  }
0xbf: {  	[tilespmem:s4], [sflag:$0x2] =	stream.indirect.gather.add.f32 [hbm:s8], $0x80, s13, s9, $0xb8;
	[tilespmem:$0x9600] =	vst v63  }
0xc0: {  	_ = 	snop  }
0xc1: {  	[tilespmem:s4], [sflag:$0x2] =	stream.indirect.gather.add.f32 [hbm:s8], $0x80, s14, s9, $0xb8;
	[tilespmem:$0x9600] =	vst v63  }
0xc2: {  	_ = 	snop  }
0xc3: {  	[tilespmem:s4], [sflag:$0x2] =	stream.indirect.gather.add.f32 [hbm:s8], $0x80, s16, s9, $0xb8;
	[tilespmem:$0x9600] =	vst v63  }
0xc4: {  	_ = 	snop  }
0xc5: {  	[tilespmem:s4], [sflag:$0x2] =	stream.indirect.gather.add.f32 [hbm:s8], $0x80, s17, s9, $0xb8;
	[tilespmem:$0x9600] =	vst v63  }
0xc6: {  	_ = 	snop  }
0xc7: {  	[tilespmem:s4], [sflag:$0x2] =	stream.indirect.gather.add.f32 [hbm:s8], $0x80, s18, s9, $0xb8;
	[tilespmem:$0x9600] =	vst v63  }
0xc8: {  	_ = 	snop  }
0xc9: {  	[tilespmem:s4], [sflag:$0x2] =	stream.indirect.gather.add.f32 [hbm:s8], $0x80, s19, s9, $0xb8;
	[tilespmem:$0x9600] =	vst v63  }
0xca: {  	_ = 	snop  }
0xcb: {  	[tilespmem:s4], [sflag:$0x2] =	stream.indirect.gather.add.f32 [hbm:s8], $0x80, s20, s9, $0xb8;
	[tilespmem:$0x9600] =	vst v63  }
0xcc: {  	_ = 	snop  }
0xcd: {  	[tilespmem:s4], [sflag:$0x2] =	stream.indirect.gather.add.f32 [hbm:s8], $0x80, s21, s9, $0xb8;
	[tilespmem:$0x9600] =	vst v63  }
0xce: {  	_ =	swait.ge [sflag:s7], $0x4000  }
0xcf: {  	[sflag:s7] =	ssyncset.done $0x0  }
0xd0: {  	[sflag:s7] =	ssyncadd.s32 $0xFFFFC000  }
0xd1: {  	_ =	swait.ge [sflag:s7], $0x4000  }
0xd2: {  	[sflag:s7] =	ssyncset.done $0x0  }
0xd3: {  	[sflag:s7] =	ssyncadd.s32 $0xFFFFC000  }
0xd4: {  	_ =	swait.ge [sflag:s7], $0x4000  }
0xd5: {  	[sflag:s7] =	ssyncset.done $0x0  }
0xd6: {  	[sflag:s7] =	ssyncadd.s32 $0xFFFFC000  }
0xd7: {  	_ =	swait.ge [sflag:s7], $0x4000  }
0xd8: {  	[sflag:s7] =	ssyncset.done $0x0  }
0xd9: {  	[sflag:s7] =	ssyncadd.s32 $0xFFFFC000  }
0xda: {  	_ =	swait.ge [sflag:s7], $0x4000  }
0xdb: {  	[sflag:s7] =	ssyncset.done $0x0  }
0xdc: {  	[sflag:s7] =	ssyncadd.s32 $0xFFFFC000  }
0xdd: {  	_ =	swait.ge [sflag:s7], $0x4000  }
0xde: {  	[sflag:s7] =	ssyncset.done $0x0  }
0xdf: {  	[sflag:s7] =	ssyncadd.s32 $0xFFFFC000  }
0xe0: {  	_ =	swait.ge [sflag:s7], $0x4000  }
0xe1: {  	[sflag:s7] =	ssyncset.done $0x0  }
0xe2: {  	[sflag:s7] =	ssyncadd.s32 $0xFFFFC000  }
0xe3: {  	_ =	swait.ge [sflag:s7], $0x4000  }
0xe4: {  	[sflag:s7] =	ssyncset.done $0x0  }
0xe5: {  	[sflag:s7] =	ssyncadd.s32 $0xFFFFC000  }
0xe6: {  	_ =	swait.ge [sflag:s7], $0x4000  }
0xe7: {  	[sflag:s7] =	ssyncset.done $0x0  }
0xe8: {  	[sflag:s7] =	ssyncadd.s32 $0xFFFFC000  }
0xe9: {  	_ =	swait.ge [sflag:s7], $0x4000  }
0xea: {  	[sflag:s7] =	ssyncset.done $0x0  }
0xeb: {  	s1 =	rddreg [dreg:$0x6];
	[sflag:s7] =	ssyncadd.s32 $0xFFFFC000  }
0xec: {  	[hbm4b:s1+s2] =	stream.linear.scatter [tilespmem:s6], [sflag:$0x3], $0x4000, $0x38;
	[tilespmem:$0x9600] =	vst v63  }
0xed: {  	_ =	swait.ge [sflag:s3], $0x4000  }
0xee: {  	[sflag:s3] =	ssyncset.done $0x0  }
0xef: {  	[sflag:s3] =	ssyncadd.s32 $0xFFFFC000  }
0xf0: {  	_ =	swait.ge [sflag:s5], $0x4000  }
0xf1: {  	[sflag:s5] =	ssyncset.done $0x0  }
0xf2: {  	[sflag:s5] =	ssyncadd.s32 $0xFFFFC000  }
0xf3: {  	_ =	swait.ge [sflag:s5], $0x4000  }
0xf4: {  	[sflag:s5] =	ssyncset.done $0x0  }
0xf5: {  	[sflag:s5] =	ssyncadd.s32 $0xFFFFC000  }
0xf6: {  	_ =	swait.ge [sflag:s5], $0x4000  }
0xf7: {  	[sflag:s5] =	ssyncset.done $0x0  }
0xf8: {  	[sflag:s5] =	ssyncadd.s32 $0xFFFFC000  }
0xf9: {  	_ =	swait.ge [sflag:s5], $0x4000  }
0xfa: {  	[sflag:s5] =	ssyncset.done $0x0  }
0xfb: {  	[sflag:s5] =	ssyncadd.s32 $0xFFFFC000  }
0xfc: {  	_ =	swait.ge [sflag:s5], $0x4000  }
0xfd: {  	[sflag:s5] =	ssyncset.done $0x0  }
0xfe: {  	[sflag:s5] =	ssyncadd.s32 $0xFFFFC000  }
0xff: {  	_ =	swait.ge [sflag:s5], $0x4000  }
0x100: {  	[sflag:s5] =	ssyncset.done $0x0  }
0x101: {  	[sflag:s5] =	ssyncadd.s32 $0xFFFFC000  }
0x102: {  	_ =	swait.ge [sflag:s5], $0x4000  }
0x103: {  	[sflag:s5] =	ssyncset.done $0x0  }
0x104: {  	[sflag:s5] =	ssyncadd.s32 $0xFFFFC000  }
0x105: {  	_ =	swait.ge [sflag:s5], $0x4000  }
0x106: {  	[sflag:s5] =	ssyncset.done $0x0  }
0x107: {  	[sflag:s5] =	ssyncadd.s32 $0xFFFFC000  }
0x108: {  	_ =	swait.ge [sflag:s5], $0x4000  }
0x109: {  	[sflag:s5] =	ssyncset.done $0x0  }
0x10a: {  	[sflag:s5] =	ssyncadd.s32 $0xFFFFC000  }
0x10b: {  	p1 =	sne.s32 s10, $0x1;
	_ =	swait.ge [sflag:s5], $0x4000  }
.Ltmp1:
0x10c: {  	[sflag:s5] =	ssyncset.done $0x0;
	(pc) =	sbr.rel @!p1 .LBB2_3-.Ltmp1, $4  }
0x10d: {  	s1 =	rddreg [dreg:$0x7];
	[sflag:s5] =	ssyncadd.s32 $0xFFFFC000  }
0x10e: {  	[hbm4b:s1+s2] =	stream.linear.scatter [tilespmem:s4], [sflag:$0x3], $0x4000, $0x38;
	[tilespmem:$0x9600] =	vst v63  }
0x10f: {  	p0 =	por $0x1, $0x1;
	_ =	swait.ge [sflag:s3], $0x4000  }
0x110: {  	s1 =	sadd.s32 $0xFFFFFFFF, s10;
	s0 =	rddreg [dreg:$0x2];
	[sflag:s3] =	ssyncset.done $0x0  }
.LBB2_4:
0x111: {  	[sflag:s3] =	ssyncadd.s32 $0xFFFFC000  }
0x112: {  	[tilespmem:s2], [sflag:$0x3] =	stream.linear.gather [hbm4b:s0+s2], $0x200, $0x38;
	[tilespmem:$0x9600] =	vst v63  }
0x113: {  	_ =	swait.ge [sflag:s3], $0x200  }
0x114: {  	[sflag:s3] =	ssyncset.done $0x0  }
0x115: {  	s10 =	rddreg [dreg:$0x3];
	[sflag:s3] =	ssyncadd.s32 $0xFFFFFE00  }
0x116: {  	[tilespmem:s31], [sflag:$0x3] =	stream.linear.gather [hbm4b:s10+s2], $0x1400, $0x38;
	[tilespmem:$0x9600] =	vst v63  }
0x117: {  	_ =	swait.ge [sflag:s3], $0x1400  }
0x118: {  	[sflag:s3] =	ssyncset.done $0x0  }
0x119: {  	[sflag:s3] =	ssyncadd.s32 $0xFFFFEC00  }
0x11a: {  	[tilespmem:s6], [sflag:$0x1] =	stream.indirect.gather [hbm4b:s8+s9], $0x80, s2, s9, $0xb8;
	[tilespmem:$0x9600] =	vst v63  }
0x11b: {  	_ =	swait.ge [sflag:s7], $0x4000  }
0x11c: {  	[sflag:s7] =	ssyncset.done $0x0  }
0x11d: {  	[sflag:s7] =	ssyncadd.s32 $0xFFFFC000  }
0x11e: {  	[tilespmem:s6], [sflag:$0x1] =	stream.indirect.gather.add.f32 [hbm:s8], $0x80, s31, s9, $0xb8;
	[tilespmem:$0x9600] =	vst v63  }
0x11f: {  	s0 =	rddreg [dreg:$0x8]  }
0x120: {  	[tilespmem:s6], [sflag:$0x1] =	stream.indirect.gather.add.f32 [hbm:s8], $0x80, s0, s9, $0xb8;
	[tilespmem:$0x9600] =	vst v63  }
0x121: {  	s10 =	rddreg [dreg:$0x9]  }
0x122: {  	[tilespmem:s6], [sflag:$0x1] =	stream.indirect.gather.add.f32 [hbm:s8], $0x80, s10, s9, $0xb8;
	[tilespmem:$0x9600] =	vst v63  }
0x123: {  	s0 =	rddreg [dreg:$0xa]  }
0x124: {  	[tilespmem:s6], [sflag:$0x1] =	stream.indirect.gather.add.f32 [hbm:s8], $0x80, s0, s9, $0xb8;
	[tilespmem:$0x9600] =	vst v63  }
0x125: {  	s10 =	rddreg [dreg:$0xb]  }
0x126: {  	[tilespmem:s6], [sflag:$0x1] =	stream.indirect.gather.add.f32 [hbm:s8], $0x80, s10, s9, $0xb8;
	[tilespmem:$0x9600] =	vst v63  }
0x127: {  	s0 =	rddreg [dreg:$0xc]  }
0x128: {  	[tilespmem:s6], [sflag:$0x1] =	stream.indirect.gather.add.f32 [hbm:s8], $0x80, s0, s9, $0xb8;
	[tilespmem:$0x9600] =	vst v63  }
0x129: {  	s10 =	rddreg [dreg:$0xd]  }
0x12a: {  	[tilespmem:s6], [sflag:$0x1] =	stream.indirect.gather.add.f32 [hbm:s8], $0x80, s10, s9, $0xb8;
	[tilespmem:$0x9600] =	vst v63  }
0x12b: {  	s0 =	rddreg [dreg:$0xe]  }
0x12c: {  	[tilespmem:s6], [sflag:$0x1] =	stream.indirect.gather.add.f32 [hbm:s8], $0x80, s0, s9, $0xb8;
	[tilespmem:$0x9600] =	vst v63  }
0x12d: {  	s10 =	rddreg [dreg:$0xf]  }
0x12e: {  	[tilespmem:s6], [sflag:$0x1] =	stream.indirect.gather.add.f32 [hbm:s8], $0x80, s10, s9, $0xb8;
	[tilespmem:$0x9600] =	vst v63  }
0x12f: {  	s0 =	rddreg [dreg:$0x10]  }
0x130: {  	[tilespmem:s6], [sflag:$0x1] =	stream.indirect.gather.add.f32 [hbm:s8], $0x80, s0, s9, $0xb8;
	[tilespmem:$0x9600] =	vst v63  }
0x131: {  	_ = 	snop  }
0x132: {  	[tilespmem:s4], [sflag:$0x2] =	stream.indirect.gather [hbm4b:s8+s9], $0x80, s9, s9, $0xb8;
	[tilespmem:$0x9600] =	vst v63  }
0x133: {  	_ =	swait.ge [sflag:s5], $0x4000  }
0x134: {  	[sflag:s5] =	ssyncset.done $0x0  }
0x135: {  	s0 =	rddreg [dreg:$0x11];
	[sflag:s5] =	ssyncadd.s32 $0xFFFFC000  }
0x136: {  	[tilespmem:s4], [sflag:$0x2] =	stream.indirect.gather.add.f32 [hbm:s8], $0x80, s0, s9, $0xb8;
	[tilespmem:$0x9600] =	vst v63  }
0x137: {  	s10 =	rddreg [dreg:$0x12]  }
0x138: {  	[tilespmem:s4], [sflag:$0x2] =	stream.indirect.gather.add.f32 [hbm:s8], $0x80, s10, s9, $0xb8;
	[tilespmem:$0x9600] =	vst v63  }
0x139: {  	s0 =	rddreg [dreg:$0x13]  }
0x13a: {  	[tilespmem:s4], [sflag:$0x2] =	stream.indirect.gather.add.f32 [hbm:s8], $0x80, s0, s9, $0xb8;
	[tilespmem:$0x9600] =	vst v63  }
0x13b: {  	s10 =	rddreg [dreg:$0x14]  }
0x13c: {  	[tilespmem:s4], [sflag:$0x2] =	stream.indirect.gather.add.f32 [hbm:s8], $0x80, s10, s9, $0xb8;
	[tilespmem:$0x9600] =	vst v63  }
0x13d: {  	s0 =	rddreg [dreg:$0x15]  }
0x13e: {  	[tilespmem:s4], [sflag:$0x2] =	stream.indirect.gather.add.f32 [hbm:s8], $0x80, s0, s9, $0xb8;
	[tilespmem:$0x9600] =	vst v63  }
0x13f: {  	s10 =	rddreg [dreg:$0x16]  }
0x140: {  	[tilespmem:s4], [sflag:$0x2] =	stream.indirect.gather.add.f32 [hbm:s8], $0x80, s10, s9, $0xb8;
	[tilespmem:$0x9600] =	vst v63  }
0x141: {  	s0 =	rddreg [dreg:$0x17]  }
0x142: {  	[tilespmem:s4], [sflag:$0x2] =	stream.indirect.gather.add.f32 [hbm:s8], $0x80, s0, s9, $0xb8;
	[tilespmem:$0x9600] =	vst v63  }
0x143: {  	s10 =	rddreg [dreg:$0x18]  }
0x144: {  	[tilespmem:s4], [sflag:$0x2] =	stream.indirect.gather.add.f32 [hbm:s8], $0x80, s10, s9, $0xb8;
	[tilespmem:$0x9600] =	vst v63  }
0x145: {  	s0 =	rddreg [dreg:$0x19]  }
0x146: {  	[tilespmem:s4], [sflag:$0x2] =	stream.indirect.gather.add.f32 [hbm:s8], $0x80, s0, s9, $0xb8;
	[tilespmem:$0x9600] =	vst v63  }
0x147: {  	s10 =	rddreg [dreg:$0x1a]  }
0x148: {  	[tilespmem:s4], [sflag:$0x2] =	stream.indirect.gather.add.f32 [hbm:s8], $0x80, s10, s9, $0xb8;
	[tilespmem:$0x9600] =	vst v63  }
0x149: {  	_ =	swait.ge [sflag:s7], $0x4000  }
0x14a: {  	[sflag:s7] =	ssyncset.done $0x0  }
0x14b: {  	[sflag:s7] =	ssyncadd.s32 $0xFFFFC000  }
0x14c: {  	_ =	swait.ge [sflag:s7], $0x4000  }
0x14d: {  	[sflag:s7] =	ssyncset.done $0x0  }
0x14e: {  	[sflag:s7] =	ssyncadd.s32 $0xFFFFC000  }
0x14f: {  	_ =	swait.ge [sflag:s7], $0x4000  }
0x150: {  	[sflag:s7] =	ssyncset.done $0x0  }
0x151: {  	[sflag:s7] =	ssyncadd.s32 $0xFFFFC000  }
0x152: {  	_ =	swait.ge [sflag:s7], $0x4000  }
0x153: {  	[sflag:s7] =	ssyncset.done $0x0  }
0x154: {  	[sflag:s7] =	ssyncadd.s32 $0xFFFFC000  }
0x155: {  	_ =	swait.ge [sflag:s7], $0x4000  }
0x156: {  	[sflag:s7] =	ssyncset.done $0x0  }
0x157: {  	[sflag:s7] =	ssyncadd.s32 $0xFFFFC000  }
0x158: {  	_ =	swait.ge [sflag:s7], $0x4000  }
0x159: {  	[sflag:s7] =	ssyncset.done $0x0  }
0x15a: {  	[sflag:s7] =	ssyncadd.s32 $0xFFFFC000  }
0x15b: {  	_ =	swait.ge [sflag:s7], $0x4000  }
0x15c: {  	[sflag:s7] =	ssyncset.done $0x0  }
0x15d: {  	[sflag:s7] =	ssyncadd.s32 $0xFFFFC000  }
0x15e: {  	_ =	swait.ge [sflag:s7], $0x4000  }
0x15f: {  	[sflag:s7] =	ssyncset.done $0x0  }
0x160: {  	[sflag:s7] =	ssyncadd.s32 $0xFFFFC000  }
0x161: {  	_ =	swait.ge [sflag:s7], $0x4000  }
0x162: {  	[sflag:s7] =	ssyncset.done $0x0  }
0x163: {  	[sflag:s7] =	ssyncadd.s32 $0xFFFFC000  }
0x164: {  	_ =	swait.ge [sflag:s7], $0x4000  }
0x165: {  	[sflag:s7] =	ssyncset.done $0x0  }
0x166: {  	s10 =	rddreg [dreg:$0x4];
	[sflag:s7] =	ssyncadd.s32 $0xFFFFC000  }
0x167: {  	[hbm4b:s10+s2] =	stream.linear.scatter [tilespmem:s6], [sflag:$0x3], $0x4000, $0x38;
	[tilespmem:$0x9600] =	vst v63  }
0x168: {  	_ =	swait.ge [sflag:s3], $0x4000  }
0x169: {  	[sflag:s3] =	ssyncset.done $0x0  }
0x16a: {  	s10 =	rddreg [dreg:$0x1b];
	[sflag:s3] =	ssyncadd.s32 $0xFFFFC000  }
0x16b: {  	[tilespmem:s6], [sflag:$0x1] =	stream.indirect.gather [hbm4b:s8+s9], $0x80, s10, s9, $0xb8;
	[tilespmem:$0x9600] =	vst v63  }
0x16c: {  	_ =	swait.ge [sflag:s7], $0x4000  }
0x16d: {  	[sflag:s7] =	ssyncset.done $0x0  }
0x16e: {  	s10 =	rddreg [dreg:$0x1c];
	[sflag:s7] =	ssyncadd.s32 $0xFFFFC000  }
0x16f: {  	[tilespmem:s6], [sflag:$0x1] =	stream.indirect.gather.add.f32 [hbm:s8], $0x80, s10, s9, $0xb8;
	[tilespmem:$0x9600] =	vst v63  }
0x170: {  	_ = 	snop  }
0x171: {  	[tilespmem:s6], [sflag:$0x1] =	stream.indirect.gather.add.f32 [hbm:s8], $0x80, s22, s9, $0xb8;
	[tilespmem:$0x9600] =	vst v63  }
0x172: {  	_ = 	snop  }
0x173: {  	[tilespmem:s6], [sflag:$0x1] =	stream.indirect.gather.add.f32 [hbm:s8], $0x80, s23, s9, $0xb8;
	[tilespmem:$0x9600] =	vst v63  }
0x174: {  	_ = 	snop  }
0x175: {  	[tilespmem:s6], [sflag:$0x1] =	stream.indirect.gather.add.f32 [hbm:s8], $0x80, s24, s9, $0xb8;
	[tilespmem:$0x9600] =	vst v63  }
0x176: {  	_ = 	snop  }
0x177: {  	[tilespmem:s6], [sflag:$0x1] =	stream.indirect.gather.add.f32 [hbm:s8], $0x80, s25, s9, $0xb8;
	[tilespmem:$0x9600] =	vst v63  }
0x178: {  	_ = 	snop  }
0x179: {  	[tilespmem:s6], [sflag:$0x1] =	stream.indirect.gather.add.f32 [hbm:s8], $0x80, s26, s9, $0xb8;
	[tilespmem:$0x9600] =	vst v63  }
0x17a: {  	_ = 	snop  }
0x17b: {  	[tilespmem:s6], [sflag:$0x1] =	stream.indirect.gather.add.f32 [hbm:s8], $0x80, s28, s9, $0xb8;
	[tilespmem:$0x9600] =	vst v63  }
0x17c: {  	_ = 	snop  }
0x17d: {  	[tilespmem:s6], [sflag:$0x1] =	stream.indirect.gather.add.f32 [hbm:s8], $0x80, s29, s9, $0xb8;
	[tilespmem:$0x9600] =	vst v63  }
0x17e: {  	_ = 	snop  }
0x17f: {  	[tilespmem:s6], [sflag:$0x1] =	stream.indirect.gather.add.f32 [hbm:s8], $0x80, s30, s9, $0xb8;
	[tilespmem:$0x9600] =	vst v63  }
0x180: {  	_ = 	snop  }
0x181: {  	[tilespmem:s6], [sflag:$0x1] =	stream.indirect.gather.add.f32 [hbm:s8], $0x80, s11, s9, $0xb8;
	[tilespmem:$0x9600] =	vst v63  }
0x182: {  	_ =	swait.ge [sflag:s5], $0x4000  }
0x183: {  	[sflag:s5] =	ssyncset.done $0x0  }
0x184: {  	[sflag:s5] =	ssyncadd.s32 $0xFFFFC000  }
0x185: {  	_ =	swait.ge [sflag:s5], $0x4000  }
0x186: {  	[sflag:s5] =	ssyncset.done $0x0  }
0x187: {  	[sflag:s5] =	ssyncadd.s32 $0xFFFFC000  }
0x188: {  	_ =	swait.ge [sflag:s5], $0x4000  }
0x189: {  	[sflag:s5] =	ssyncset.done $0x0  }
0x18a: {  	[sflag:s5] =	ssyncadd.s32 $0xFFFFC000  }
0x18b: {  	_ =	swait.ge [sflag:s5], $0x4000  }
0x18c: {  	[sflag:s5] =	ssyncset.done $0x0  }
0x18d: {  	[sflag:s5] =	ssyncadd.s32 $0xFFFFC000  }
0x18e: {  	_ =	swait.ge [sflag:s5], $0x4000  }
0x18f: {  	[sflag:s5] =	ssyncset.done $0x0  }
0x190: {  	[sflag:s5] =	ssyncadd.s32 $0xFFFFC000  }
0x191: {  	_ =	swait.ge [sflag:s5], $0x4000  }
0x192: {  	[sflag:s5] =	ssyncset.done $0x0  }
0x193: {  	[sflag:s5] =	ssyncadd.s32 $0xFFFFC000  }
0x194: {  	_ =	swait.ge [sflag:s5], $0x4000  }
0x195: {  	[sflag:s5] =	ssyncset.done $0x0  }
0x196: {  	[sflag:s5] =	ssyncadd.s32 $0xFFFFC000  }
0x197: {  	_ =	swait.ge [sflag:s5], $0x4000  }
0x198: {  	[sflag:s5] =	ssyncset.done $0x0  }
0x199: {  	[sflag:s5] =	ssyncadd.s32 $0xFFFFC000  }
0x19a: {  	_ =	swait.ge [sflag:s5], $0x4000  }
0x19b: {  	[sflag:s5] =	ssyncset.done $0x0  }
0x19c: {  	[sflag:s5] =	ssyncadd.s32 $0xFFFFC000  }
0x19d: {  	_ =	swait.ge [sflag:s5], $0x4000  }
0x19e: {  	[sflag:s5] =	ssyncset.done $0x0  }
0x19f: {  	s10 =	rddreg [dreg:$0x5];
	[sflag:s5] =	ssyncadd.s32 $0xFFFFC000  }
0x1a0: {  	[hbm4b:s10+s2] =	stream.linear.scatter [tilespmem:s4], [sflag:$0x3], $0x4000, $0x38;
	[tilespmem:$0x9600] =	vst v63  }
0x1a1: {  	_ =	swait.ge [sflag:s3], $0x4000  }
0x1a2: {  	[sflag:s3] =	ssyncset.done $0x0  }
0x1a3: {  	[sflag:s3] =	ssyncadd.s32 $0xFFFFC000  }
0x1a4: {  	[tilespmem:s4], [sflag:$0x2] =	stream.indirect.gather [hbm4b:s8+s9], $0x80, s15, s9, $0xb8;
	[tilespmem:$0x9600] =	vst v63  }
0x1a5: {  	_ =	swait.ge [sflag:s5], $0x4000  }
0x1a6: {  	[sflag:s5] =	ssyncset.done $0x0  }
0x1a7: {  	s10 =	simm.s32 $0x1100;
	[sflag:s5] =	ssyncadd.s32 $0xFFFFC000  }
0x1a8: {  	[tilespmem:s4], [sflag:$0x2] =	stream.indirect.gather.add.f32 [hbm:s8], $0x80, s10, s9, $0xb8;
	[tilespmem:$0x9600] =	vst v63  }
0x1a9: {  	_ = 	snop  }
0x1aa: {  	[tilespmem:s4], [sflag:$0x2] =	stream.indirect.gather.add.f32 [hbm:s8], $0x80, s12, s9, $0xb8;
	[tilespmem:$0x9600] =	vst v63  }
0x1ab: {  	_ = 	snop  }
0x1ac: {  	[tilespmem:s4], [sflag:$0x2] =	stream.indirect.gather.add.f32 [hbm:s8], $0x80, s13, s9, $0xb8;
	[tilespmem:$0x9600] =	vst v63  }
0x1ad: {  	_ = 	snop  }
0x1ae: {  	[tilespmem:s4], [sflag:$0x2] =	stream.indirect.gather.add.f32 [hbm:s8], $0x80, s14, s9, $0xb8;
	[tilespmem:$0x9600] =	vst v63  }
0x1af: {  	_ = 	snop  }
0x1b0: {  	[tilespmem:s4], [sflag:$0x2] =	stream.indirect.gather.add.f32 [hbm:s8], $0x80, s16, s9, $0xb8;
	[tilespmem:$0x9600] =	vst v63  }
0x1b1: {  	_ = 	snop  }
0x1b2: {  	[tilespmem:s4], [sflag:$0x2] =	stream.indirect.gather.add.f32 [hbm:s8], $0x80, s17, s9, $0xb8;
	[tilespmem:$0x9600] =	vst v63  }
0x1b3: {  	_ = 	snop  }
0x1b4: {  	[tilespmem:s4], [sflag:$0x2] =	stream.indirect.gather.add.f32 [hbm:s8], $0x80, s18, s9, $0xb8;
	[tilespmem:$0x9600] =	vst v63  }
0x1b5: {  	_ = 	snop  }
0x1b6: {  	[tilespmem:s4], [sflag:$0x2] =	stream.indirect.gather.add.f32 [hbm:s8], $0x80, s19, s9, $0xb8;
	[tilespmem:$0x9600] =	vst v63  }
0x1b7: {  	_ = 	snop  }
0x1b8: {  	[tilespmem:s4], [sflag:$0x2] =	stream.indirect.gather.add.f32 [hbm:s8], $0x80, s20, s9, $0xb8;
	[tilespmem:$0x9600] =	vst v63  }
0x1b9: {  	_ = 	snop  }
0x1ba: {  	[tilespmem:s4], [sflag:$0x2] =	stream.indirect.gather.add.f32 [hbm:s8], $0x80, s21, s9, $0xb8;
	[tilespmem:$0x9600] =	vst v63  }
0x1bb: {  	_ =	swait.ge [sflag:s7], $0x4000  }
0x1bc: {  	[sflag:s7] =	ssyncset.done $0x0  }
0x1bd: {  	[sflag:s7] =	ssyncadd.s32 $0xFFFFC000  }
0x1be: {  	_ =	swait.ge [sflag:s7], $0x4000  }
0x1bf: {  	[sflag:s7] =	ssyncset.done $0x0  }
0x1c0: {  	[sflag:s7] =	ssyncadd.s32 $0xFFFFC000  }
0x1c1: {  	_ =	swait.ge [sflag:s7], $0x4000  }
0x1c2: {  	[sflag:s7] =	ssyncset.done $0x0  }
0x1c3: {  	[sflag:s7] =	ssyncadd.s32 $0xFFFFC000  }
0x1c4: {  	_ =	swait.ge [sflag:s7], $0x4000  }
0x1c5: {  	[sflag:s7] =	ssyncset.done $0x0  }
0x1c6: {  	[sflag:s7] =	ssyncadd.s32 $0xFFFFC000  }
0x1c7: {  	_ =	swait.ge [sflag:s7], $0x4000  }
0x1c8: {  	[sflag:s7] =	ssyncset.done $0x0  }
0x1c9: {  	[sflag:s7] =	ssyncadd.s32 $0xFFFFC000  }
0x1ca: {  	_ =	swait.ge [sflag:s7], $0x4000  }
0x1cb: {  	[sflag:s7] =	ssyncset.done $0x0  }
0x1cc: {  	[sflag:s7] =	ssyncadd.s32 $0xFFFFC000  }
0x1cd: {  	_ =	swait.ge [sflag:s7], $0x4000  }
0x1ce: {  	[sflag:s7] =	ssyncset.done $0x0  }
0x1cf: {  	[sflag:s7] =	ssyncadd.s32 $0xFFFFC000  }
0x1d0: {  	_ =	swait.ge [sflag:s7], $0x4000  }
0x1d1: {  	[sflag:s7] =	ssyncset.done $0x0  }
0x1d2: {  	[sflag:s7] =	ssyncadd.s32 $0xFFFFC000  }
0x1d3: {  	_ =	swait.ge [sflag:s7], $0x4000  }
0x1d4: {  	[sflag:s7] =	ssyncset.done $0x0  }
0x1d5: {  	[sflag:s7] =	ssyncadd.s32 $0xFFFFC000  }
0x1d6: {  	_ =	swait.ge [sflag:s7], $0x4000  }
0x1d7: {  	[sflag:s7] =	ssyncset.done $0x0  }
0x1d8: {  	s10 =	rddreg [dreg:$0x6];
	[sflag:s7] =	ssyncadd.s32 $0xFFFFC000  }
0x1d9: {  	[hbm4b:s10+s2] =	stream.linear.scatter [tilespmem:s6], [sflag:$0x3], $0x4000, $0x38;
	[tilespmem:$0x9600] =	vst v63  }
0x1da: {  	_ =	swait.ge [sflag:s3], $0x4000  }
0x1db: {  	[sflag:s3] =	ssyncset.done $0x0  }
0x1dc: {  	[sflag:s3] =	ssyncadd.s32 $0xFFFFC000  }
0x1dd: {  	_ =	swait.ge [sflag:s5], $0x4000  }
0x1de: {  	[sflag:s5] =	ssyncset.done $0x0  }
0x1df: {  	[sflag:s5] =	ssyncadd.s32 $0xFFFFC000  }
0x1e0: {  	_ =	swait.ge [sflag:s5], $0x4000  }
0x1e1: {  	[sflag:s5] =	ssyncset.done $0x0  }
0x1e2: {  	[sflag:s5] =	ssyncadd.s32 $0xFFFFC000  }
0x1e3: {  	_ =	swait.ge [sflag:s5], $0x4000  }
0x1e4: {  	[sflag:s5] =	ssyncset.done $0x0  }
0x1e5: {  	[sflag:s5] =	ssyncadd.s32 $0xFFFFC000  }
0x1e6: {  	_ =	swait.ge [sflag:s5], $0x4000  }
0x1e7: {  	[sflag:s5] =	ssyncset.done $0x0  }
0x1e8: {  	[sflag:s5] =	ssyncadd.s32 $0xFFFFC000  }
0x1e9: {  	_ =	swait.ge [sflag:s5], $0x4000  }
0x1ea: {  	[sflag:s5] =	ssyncset.done $0x0  }
0x1eb: {  	[sflag:s5] =	ssyncadd.s32 $0xFFFFC000  }
0x1ec: {  	_ =	swait.ge [sflag:s5], $0x4000  }
0x1ed: {  	[sflag:s5] =	ssyncset.done $0x0  }
0x1ee: {  	[sflag:s5] =	ssyncadd.s32 $0xFFFFC000  }
0x1ef: {  	_ =	swait.ge [sflag:s5], $0x4000  }
0x1f0: {  	[sflag:s5] =	ssyncset.done $0x0  }
0x1f1: {  	[sflag:s5] =	ssyncadd.s32 $0xFFFFC000  }
0x1f2: {  	_ =	swait.ge [sflag:s5], $0x4000  }
0x1f3: {  	[sflag:s5] =	ssyncset.done $0x0  }
0x1f4: {  	[sflag:s5] =	ssyncadd.s32 $0xFFFFC000  }
0x1f5: {  	_ =	swait.ge [sflag:s5], $0x4000  }
0x1f6: {  	[sflag:s5] =	ssyncset.done $0x0  }
0x1f7: {  	[sflag:s5] =	ssyncadd.s32 $0xFFFFC000  }
0x1f8: {  	p1 =	sne.s32 s1, $0x1;
	_ =	swait.ge [sflag:s5], $0x4000  }
.Ltmp2:
0x1f9: {  	[sflag:s5] =	ssyncset.done $0x0;
	(pc) =	sbr.rel @p1 .LBB2_4-.Ltmp2, $4  }
0x1fa: {  	s10 =	rddreg [dreg:$0x7];
	[sflag:s5] =	ssyncadd.s32 $0xFFFFC000  }
0x1fb: {  	[hbm4b:s10+s2] =	stream.linear.scatter [tilespmem:s4], [sflag:$0x3], $0x4000, $0x38;
	[tilespmem:$0x9600] =	vst v63  }
0x1fc: {  	_ =	swait.ge [sflag:s3], $0x4000  }
0x1fd: {  	s1 =	sadd.s32 $0xFFFFFFFF, s1;
	s0 =	rddreg [dreg:$0x2];
	[sflag:s3] =	ssyncset.done $0x0  }
0x1fe: {  	s21 =	simm.s32 $0x1080;
	s30 =	simm.s32 $0x1000  }
0x1ff: {  	s29 =	simm.s32 $0xF80;
	s28 =	simm.s32 $0xF00;
	s26 =	simm.s32 $0xE80  }
0x200: {  	s25 =	simm.s32 $0xE00;
	s24 =	simm.s32 $0xD80;
	s23 =	simm.s32 $0xD00  }
0x201: {  	s22 =	simm.s32 $0xC80;
	s20 =	simm.s32 $0x1500;
	s19 =	simm.s32 $0x1480  }
0x202: {  	s18 =	simm.s32 $0x1400;
	s17 =	simm.s32 $0x1380;
	s16 =	simm.s32 $0x1300  }
0x203: {  	s15 =	simm.s32 $0x180;
	s14 =	simm.s32 $0x1280;
	s13 =	simm.s32 $0x1200  }
0x204: {  	s12 =	simm.s32 $0x1180;
	s11 =	simm.s32 $0x1100;
	s10 =	stileid.u32  }
.LBB2_6:
0x205: {  	[sflag:s3] =	ssyncadd.s32 @p0 $0xFFFFC000  }
0x206: {  	[tilespmem:s2], [sflag:$0x3] =	stream.linear.gather [hbm4b:s0+s2], $0x200, $0x38;
	[tilespmem:$0x9600] =	vst v63  }
0x207: {  	_ =	swait.ge [sflag:s3], $0x200  }
0x208: {  	[sflag:s3] =	ssyncset.done $0x0  }
0x209: {  	s1 =	rddreg [dreg:$0x3];
	[sflag:s3] =	ssyncadd.s32 $0xFFFFFE00  }
0x20a: {  	[tilespmem:s31], [sflag:$0x3] =	stream.linear.gather [hbm4b:s1+s2], $0x1400, $0x38;
	[tilespmem:$0x9600] =	vst v63  }
0x20b: {  	_ =	swait.ge [sflag:s3], $0x1400  }
0x20c: {  	[sflag:s3] =	ssyncset.done $0x0  }
0x20d: {  	[sflag:s3] =	ssyncadd.s32 $0xFFFFEC00  }
0x20e: {  	[tilespmem:s6], [sflag:$0x1] =	stream.indirect.gather [hbm4b:s8+s9], $0x80, s2, s9, $0xb8;
	[tilespmem:$0x9600] =	vst v63  }
0x20f: {  	_ =	swait.ge [sflag:s7], $0x4000  }
0x210: {  	[sflag:s7] =	ssyncset.done $0x0  }
0x211: {  	[sflag:s7] =	ssyncadd.s32 $0xFFFFC000  }
0x212: {  	[tilespmem:s6], [sflag:$0x1] =	stream.indirect.gather.add.f32 [hbm:s8], $0x80, s31, s9, $0xb8;
	[tilespmem:$0x9600] =	vst v63  }
0x213: {  	s0 =	rddreg [dreg:$0x8]  }
0x214: {  	[tilespmem:s6], [sflag:$0x1] =	stream.indirect.gather.add.f32 [hbm:s8], $0x80, s0, s9, $0xb8;
	[tilespmem:$0x9600] =	vst v63  }
0x215: {  	s1 =	rddreg [dreg:$0x9]  }
0x216: {  	[tilespmem:s6], [sflag:$0x1] =	stream.indirect.gather.add.f32 [hbm:s8], $0x80, s1, s9, $0xb8;
	[tilespmem:$0x9600] =	vst v63  }
0x217: {  	s31 =	rddreg [dreg:$0xa]  }
0x218: {  	[tilespmem:s6], [sflag:$0x1] =	stream.indirect.gather.add.f32 [hbm:s8], $0x80, s31, s9, $0xb8;
	[tilespmem:$0x9600] =	vst v63  }
0x219: {  	s1 =	rddreg [dreg:$0xb]  }
0x21a: {  	[tilespmem:s6], [sflag:$0x1] =	stream.indirect.gather.add.f32 [hbm:s8], $0x80, s1, s9, $0xb8;
	[tilespmem:$0x9600] =	vst v63  }
0x21b: {  	s31 =	rddreg [dreg:$0xc]  }
0x21c: {  	[tilespmem:s6], [sflag:$0x1] =	stream.indirect.gather.add.f32 [hbm:s8], $0x80, s31, s9, $0xb8;
	[tilespmem:$0x9600] =	vst v63  }
0x21d: {  	s1 =	rddreg [dreg:$0xd]  }
0x21e: {  	[tilespmem:s6], [sflag:$0x1] =	stream.indirect.gather.add.f32 [hbm:s8], $0x80, s1, s9, $0xb8;
	[tilespmem:$0x9600] =	vst v63  }
0x21f: {  	s31 =	rddreg [dreg:$0xe]  }
0x220: {  	[tilespmem:s6], [sflag:$0x1] =	stream.indirect.gather.add.f32 [hbm:s8], $0x80, s31, s9, $0xb8;
	[tilespmem:$0x9600] =	vst v63  }
0x221: {  	s1 =	rddreg [dreg:$0xf]  }
0x222: {  	[tilespmem:s6], [sflag:$0x1] =	stream.indirect.gather.add.f32 [hbm:s8], $0x80, s1, s9, $0xb8;
	[tilespmem:$0x9600] =	vst v63  }
0x223: {  	s31 =	rddreg [dreg:$0x10]  }
0x224: {  	[tilespmem:s6], [sflag:$0x1] =	stream.indirect.gather.add.f32 [hbm:s8], $0x80, s31, s9, $0xb8;
	[tilespmem:$0x9600] =	vst v63  }
0x225: {  	_ = 	snop  }
0x226: {  	[tilespmem:s4], [sflag:$0x2] =	stream.indirect.gather [hbm4b:s8+s9], $0x80, s9, s9, $0xb8;
	[tilespmem:$0x9600] =	vst v63  }
0x227: {  	_ =	swait.ge [sflag:s5], $0x4000  }
0x228: {  	[sflag:s5] =	ssyncset.done $0x0  }
0x229: {  	s1 =	rddreg [dreg:$0x11];
	[sflag:s5] =	ssyncadd.s32 $0xFFFFC000  }
0x22a: {  	[tilespmem:s4], [sflag:$0x2] =	stream.indirect.gather.add.f32 [hbm:s8], $0x80, s1, s9, $0xb8;
	[tilespmem:$0x9600] =	vst v63  }
0x22b: {  	s31 =	rddreg [dreg:$0x12]  }
0x22c: {  	[tilespmem:s4], [sflag:$0x2] =	stream.indirect.gather.add.f32 [hbm:s8], $0x80, s31, s9, $0xb8;
	[tilespmem:$0x9600] =	vst v63  }
0x22d: {  	s0 =	rddreg [dreg:$0x13]  }
0x22e: {  	[tilespmem:s4], [sflag:$0x2] =	stream.indirect.gather.add.f32 [hbm:s8], $0x80, s0, s9, $0xb8;
	[tilespmem:$0x9600] =	vst v63  }
0x22f: {  	s31 =	rddreg [dreg:$0x14]  }
0x230: {  	[tilespmem:s4], [sflag:$0x2] =	stream.indirect.gather.add.f32 [hbm:s8], $0x80, s31, s9, $0xb8;
	[tilespmem:$0x9600] =	vst v63  }
0x231: {  	s0 =	rddreg [dreg:$0x15]  }
0x232: {  	[tilespmem:s4], [sflag:$0x2] =	stream.indirect.gather.add.f32 [hbm:s8], $0x80, s0, s9, $0xb8;
	[tilespmem:$0x9600] =	vst v63  }
0x233: {  	s31 =	rddreg [dreg:$0x16]  }
0x234: {  	[tilespmem:s4], [sflag:$0x2] =	stream.indirect.gather.add.f32 [hbm:s8], $0x80, s31, s9, $0xb8;
	[tilespmem:$0x9600] =	vst v63  }
0x235: {  	s0 =	rddreg [dreg:$0x17]  }
0x236: {  	[tilespmem:s4], [sflag:$0x2] =	stream.indirect.gather.add.f32 [hbm:s8], $0x80, s0, s9, $0xb8;
	[tilespmem:$0x9600] =	vst v63  }
0x237: {  	s31 =	rddreg [dreg:$0x18]  }
0x238: {  	[tilespmem:s4], [sflag:$0x2] =	stream.indirect.gather.add.f32 [hbm:s8], $0x80, s31, s9, $0xb8;
	[tilespmem:$0x9600] =	vst v63  }
0x239: {  	s0 =	rddreg [dreg:$0x19]  }
0x23a: {  	[tilespmem:s4], [sflag:$0x2] =	stream.indirect.gather.add.f32 [hbm:s8], $0x80, s0, s9, $0xb8;
	[tilespmem:$0x9600] =	vst v63  }
0x23b: {  	s31 =	rddreg [dreg:$0x1a]  }
0x23c: {  	[tilespmem:s4], [sflag:$0x2] =	stream.indirect.gather.add.f32 [hbm:s8], $0x80, s31, s9, $0xb8;
	[tilespmem:$0x9600] =	vst v63  }
0x23d: {  	_ =	swait.ge [sflag:s7], $0x4000  }
0x23e: {  	[sflag:s7] =	ssyncset.done $0x0  }
0x23f: {  	[sflag:s7] =	ssyncadd.s32 $0xFFFFC000  }
0x240: {  	_ =	swait.ge [sflag:s7], $0x4000  }
0x241: {  	[sflag:s7] =	ssyncset.done $0x0  }
0x242: {  	[sflag:s7] =	ssyncadd.s32 $0xFFFFC000  }
0x243: {  	_ =	swait.ge [sflag:s7], $0x4000  }
0x244: {  	[sflag:s7] =	ssyncset.done $0x0  }
0x245: {  	[sflag:s7] =	ssyncadd.s32 $0xFFFFC000  }
0x246: {  	_ =	swait.ge [sflag:s7], $0x4000  }
0x247: {  	[sflag:s7] =	ssyncset.done $0x0  }
0x248: {  	[sflag:s7] =	ssyncadd.s32 $0xFFFFC000  }
0x249: {  	_ =	swait.ge [sflag:s7], $0x4000  }
0x24a: {  	[sflag:s7] =	ssyncset.done $0x0  }
0x24b: {  	[sflag:s7] =	ssyncadd.s32 $0xFFFFC000  }
0x24c: {  	_ =	swait.ge [sflag:s7], $0x4000  }
0x24d: {  	[sflag:s7] =	ssyncset.done $0x0  }
0x24e: {  	[sflag:s7] =	ssyncadd.s32 $0xFFFFC000  }
0x24f: {  	_ =	swait.ge [sflag:s7], $0x4000  }
0x250: {  	[sflag:s7] =	ssyncset.done $0x0  }
0x251: {  	[sflag:s7] =	ssyncadd.s32 $0xFFFFC000  }
0x252: {  	_ =	swait.ge [sflag:s7], $0x4000  }
0x253: {  	[sflag:s7] =	ssyncset.done $0x0  }
0x254: {  	[sflag:s7] =	ssyncadd.s32 $0xFFFFC000  }
0x255: {  	_ =	swait.ge [sflag:s7], $0x4000  }
0x256: {  	[sflag:s7] =	ssyncset.done $0x0  }
0x257: {  	[sflag:s7] =	ssyncadd.s32 $0xFFFFC000  }
0x258: {  	_ =	swait.ge [sflag:s7], $0x4000  }
0x259: {  	[sflag:s7] =	ssyncset.done $0x0  }
0x25a: {  	s1 =	rddreg [dreg:$0x4];
	[sflag:s7] =	ssyncadd.s32 $0xFFFFC000  }
0x25b: {  	[hbm4b:s1+s2] =	stream.linear.scatter [tilespmem:s6], [sflag:$0x3], $0x4000, $0x38;
	[tilespmem:$0x9600] =	vst v63  }
0x25c: {  	_ =	swait.ge [sflag:s3], $0x4000  }
0x25d: {  	[sflag:s3] =	ssyncset.done $0x0  }
0x25e: {  	s31 =	rddreg [dreg:$0x1b];
	[sflag:s3] =	ssyncadd.s32 $0xFFFFC000  }
0x25f: {  	[tilespmem:s6], [sflag:$0x1] =	stream.indirect.gather [hbm4b:s8+s9], $0x80, s31, s9, $0xb8;
	[tilespmem:$0x9600] =	vst v63  }
0x260: {  	_ =	swait.ge [sflag:s7], $0x4000  }
0x261: {  	[sflag:s7] =	ssyncset.done $0x0  }
0x262: {  	s1 =	rddreg [dreg:$0x1c];
	[sflag:s7] =	ssyncadd.s32 $0xFFFFC000  }
0x263: {  	[tilespmem:s6], [sflag:$0x1] =	stream.indirect.gather.add.f32 [hbm:s8], $0x80, s1, s9, $0xb8;
	[tilespmem:$0x9600] =	vst v63  }
0x264: {  	_ = 	snop  }
0x265: {  	[tilespmem:s6], [sflag:$0x1] =	stream.indirect.gather.add.f32 [hbm:s8], $0x80, s22, s9, $0xb8;
	[tilespmem:$0x9600] =	vst v63  }
0x266: {  	_ = 	snop  }
0x267: {  	[tilespmem:s6], [sflag:$0x1] =	stream.indirect.gather.add.f32 [hbm:s8], $0x80, s23, s9, $0xb8;
	[tilespmem:$0x9600] =	vst v63  }
0x268: {  	_ = 	snop  }
0x269: {  	[tilespmem:s6], [sflag:$0x1] =	stream.indirect.gather.add.f32 [hbm:s8], $0x80, s24, s9, $0xb8;
	[tilespmem:$0x9600] =	vst v63  }
0x26a: {  	_ = 	snop  }
0x26b: {  	[tilespmem:s6], [sflag:$0x1] =	stream.indirect.gather.add.f32 [hbm:s8], $0x80, s25, s9, $0xb8;
	[tilespmem:$0x9600] =	vst v63  }
0x26c: {  	_ = 	snop  }
0x26d: {  	[tilespmem:s6], [sflag:$0x1] =	stream.indirect.gather.add.f32 [hbm:s8], $0x80, s26, s9, $0xb8;
	[tilespmem:$0x9600] =	vst v63  }
0x26e: {  	_ = 	snop  }
0x26f: {  	[tilespmem:s6], [sflag:$0x1] =	stream.indirect.gather.add.f32 [hbm:s8], $0x80, s28, s9, $0xb8;
	[tilespmem:$0x9600] =	vst v63  }
0x270: {  	_ = 	snop  }
0x271: {  	[tilespmem:s6], [sflag:$0x1] =	stream.indirect.gather.add.f32 [hbm:s8], $0x80, s29, s9, $0xb8;
	[tilespmem:$0x9600] =	vst v63  }
0x272: {  	_ = 	snop  }
0x273: {  	[tilespmem:s6], [sflag:$0x1] =	stream.indirect.gather.add.f32 [hbm:s8], $0x80, s30, s9, $0xb8;
	[tilespmem:$0x9600] =	vst v63  }
0x274: {  	_ = 	snop  }
0x275: {  	[tilespmem:s6], [sflag:$0x1] =	stream.indirect.gather.add.f32 [hbm:s8], $0x80, s21, s9, $0xb8;
	[tilespmem:$0x9600] =	vst v63  }
0x276: {  	_ =	swait.ge [sflag:s5], $0x4000  }
0x277: {  	[sflag:s5] =	ssyncset.done $0x0  }
0x278: {  	[sflag:s5] =	ssyncadd.s32 $0xFFFFC000  }
0x279: {  	_ =	swait.ge [sflag:s5], $0x4000  }
0x27a: {  	[sflag:s5] =	ssyncset.done $0x0  }
0x27b: {  	[sflag:s5] =	ssyncadd.s32 $0xFFFFC000  }
0x27c: {  	_ =	swait.ge [sflag:s5], $0x4000  }
0x27d: {  	[sflag:s5] =	ssyncset.done $0x0  }
0x27e: {  	[sflag:s5] =	ssyncadd.s32 $0xFFFFC000  }
0x27f: {  	_ =	swait.ge [sflag:s5], $0x4000  }
0x280: {  	[sflag:s5] =	ssyncset.done $0x0  }
0x281: {  	[sflag:s5] =	ssyncadd.s32 $0xFFFFC000  }
0x282: {  	_ =	swait.ge [sflag:s5], $0x4000  }
0x283: {  	[sflag:s5] =	ssyncset.done $0x0  }
0x284: {  	[sflag:s5] =	ssyncadd.s32 $0xFFFFC000  }
0x285: {  	_ =	swait.ge [sflag:s5], $0x4000  }
0x286: {  	[sflag:s5] =	ssyncset.done $0x0  }
0x287: {  	[sflag:s5] =	ssyncadd.s32 $0xFFFFC000  }
0x288: {  	_ =	swait.ge [sflag:s5], $0x4000  }
0x289: {  	[sflag:s5] =	ssyncset.done $0x0  }
0x28a: {  	[sflag:s5] =	ssyncadd.s32 $0xFFFFC000  }
0x28b: {  	_ =	swait.ge [sflag:s5], $0x4000  }
0x28c: {  	[sflag:s5] =	ssyncset.done $0x0  }
0x28d: {  	[sflag:s5] =	ssyncadd.s32 $0xFFFFC000  }
0x28e: {  	_ =	swait.ge [sflag:s5], $0x4000  }
0x28f: {  	[sflag:s5] =	ssyncset.done $0x0  }
0x290: {  	[sflag:s5] =	ssyncadd.s32 $0xFFFFC000  }
0x291: {  	_ =	swait.ge [sflag:s5], $0x4000  }
0x292: {  	[sflag:s5] =	ssyncset.done $0x0  }
0x293: {  	s28 =	rddreg [dreg:$0x5];
	[sflag:s5] =	ssyncadd.s32 $0xFFFFC000  }
0x294: {  	[hbm4b:s28+s2] =	stream.linear.scatter [tilespmem:s4], [sflag:$0x3], $0x4000, $0x38;
	[tilespmem:$0x9600] =	vst v63  }
0x295: {  	_ =	swait.ge [sflag:s3], $0x4000  }
0x296: {  	[sflag:s3] =	ssyncset.done $0x0  }
0x297: {  	[sflag:s3] =	ssyncadd.s32 $0xFFFFC000  }
0x298: {  	[tilespmem:s4], [sflag:$0x2] =	stream.indirect.gather [hbm4b:s8+s9], $0x80, s15, s9, $0xb8;
	[tilespmem:$0x9600] =	vst v63  }
0x299: {  	_ =	swait.ge [sflag:s5], $0x4000  }
0x29a: {  	[sflag:s5] =	ssyncset.done $0x0  }
0x29b: {  	[sflag:s5] =	ssyncadd.s32 $0xFFFFC000  }
0x29c: {  	[tilespmem:s4], [sflag:$0x2] =	stream.indirect.gather.add.f32 [hbm:s8], $0x80, s11, s9, $0xb8;
	[tilespmem:$0x9600] =	vst v63  }
0x29d: {  	_ = 	snop  }
0x29e: {  	[tilespmem:s4], [sflag:$0x2] =	stream.indirect.gather.add.f32 [hbm:s8], $0x80, s12, s9, $0xb8;
	[tilespmem:$0x9600] =	vst v63  }
0x29f: {  	_ = 	snop  }
0x2a0: {  	[tilespmem:s4], [sflag:$0x2] =	stream.indirect.gather.add.f32 [hbm:s8], $0x80, s13, s9, $0xb8;
	[tilespmem:$0x9600] =	vst v63  }
0x2a1: {  	_ = 	snop  }
0x2a2: {  	[tilespmem:s4], [sflag:$0x2] =	stream.indirect.gather.add.f32 [hbm:s8], $0x80, s14, s9, $0xb8;
	[tilespmem:$0x9600] =	vst v63  }
0x2a3: {  	_ = 	snop  }
0x2a4: {  	[tilespmem:s4], [sflag:$0x2] =	stream.indirect.gather.add.f32 [hbm:s8], $0x80, s16, s9, $0xb8;
	[tilespmem:$0x9600] =	vst v63  }
0x2a5: {  	_ = 	snop  }
0x2a6: {  	[tilespmem:s4], [sflag:$0x2] =	stream.indirect.gather.add.f32 [hbm:s8], $0x80, s17, s9, $0xb8;
	[tilespmem:$0x9600] =	vst v63  }
0x2a7: {  	_ = 	snop  }
0x2a8: {  	[tilespmem:s4], [sflag:$0x2] =	stream.indirect.gather.add.f32 [hbm:s8], $0x80, s18, s9, $0xb8;
	[tilespmem:$0x9600] =	vst v63  }
0x2a9: {  	_ = 	snop  }
0x2aa: {  	[tilespmem:s4], [sflag:$0x2] =	stream.indirect.gather.add.f32 [hbm:s8], $0x80, s19, s9, $0xb8;
	[tilespmem:$0x9600] =	vst v63  }
0x2ab: {  	_ = 	snop  }
0x2ac: {  	[tilespmem:s4], [sflag:$0x2] =	stream.indirect.gather.add.f32 [hbm:s8], $0x80, s20, s9, $0xb8;
	[tilespmem:$0x9600] =	vst v63  }
0x2ad: {  	s29 =	simm.s32 $0x1580  }
0x2ae: {  	[tilespmem:s4], [sflag:$0x2] =	stream.indirect.gather.add.f32 [hbm:s8], $0x80, s29, s9, $0xb8;
	[tilespmem:$0x9600] =	vst v63  }
0x2af: {  	_ =	swait.ge [sflag:s7], $0x4000  }
0x2b0: {  	[sflag:s7] =	ssyncset.done $0x0  }
0x2b1: {  	[sflag:s7] =	ssyncadd.s32 $0xFFFFC000  }
0x2b2: {  	_ =	swait.ge [sflag:s7], $0x4000  }
0x2b3: {  	[sflag:s7] =	ssyncset.done $0x0  }
0x2b4: {  	[sflag:s7] =	ssyncadd.s32 $0xFFFFC000  }
0x2b5: {  	_ =	swait.ge [sflag:s7], $0x4000  }
0x2b6: {  	[sflag:s7] =	ssyncset.done $0x0  }
0x2b7: {  	[sflag:s7] =	ssyncadd.s32 $0xFFFFC000  }
0x2b8: {  	_ =	swait.ge [sflag:s7], $0x4000  }
0x2b9: {  	[sflag:s7] =	ssyncset.done $0x0  }
0x2ba: {  	[sflag:s7] =	ssyncadd.s32 $0xFFFFC000  }
0x2bb: {  	_ =	swait.ge [sflag:s7], $0x4000  }
0x2bc: {  	[sflag:s7] =	ssyncset.done $0x0  }
0x2bd: {  	[sflag:s7] =	ssyncadd.s32 $0xFFFFC000  }
0x2be: {  	_ =	swait.ge [sflag:s7], $0x4000  }
0x2bf: {  	[sflag:s7] =	ssyncset.done $0x0  }
0x2c0: {  	[sflag:s7] =	ssyncadd.s32 $0xFFFFC000  }
0x2c1: {  	_ =	swait.ge [sflag:s7], $0x4000  }
0x2c2: {  	[sflag:s7] =	ssyncset.done $0x0  }
0x2c3: {  	[sflag:s7] =	ssyncadd.s32 $0xFFFFC000  }
0x2c4: {  	_ =	swait.ge [sflag:s7], $0x4000  }
0x2c5: {  	[sflag:s7] =	ssyncset.done $0x0  }
0x2c6: {  	[sflag:s7] =	ssyncadd.s32 $0xFFFFC000  }
0x2c7: {  	_ =	swait.ge [sflag:s7], $0x4000  }
0x2c8: {  	[sflag:s7] =	ssyncset.done $0x0  }
0x2c9: {  	[sflag:s7] =	ssyncadd.s32 $0xFFFFC000  }
0x2ca: {  	_ =	swait.ge [sflag:s7], $0x4000  }
0x2cb: {  	[sflag:s7] =	ssyncset.done $0x0  }
0x2cc: {  	s30 =	rddreg [dreg:$0x6];
	[sflag:s7] =	ssyncadd.s32 $0xFFFFC000  }
0x2cd: {  	[hbm4b:s30+s2] =	stream.linear.scatter [tilespmem:s6], [sflag:$0x3], $0x4000, $0x38;
	[tilespmem:$0x9600] =	vst v63  }
0x2ce: {  	_ =	swait.ge [sflag:s3], $0x4000  }
0x2cf: {  	[sflag:s3] =	ssyncset.done $0x0  }
0x2d0: {  	[sflag:s3] =	ssyncadd.s32 $0xFFFFC000  }
0x2d1: {  	_ =	swait.ge [sflag:s5], $0x4000  }
0x2d2: {  	[sflag:s5] =	ssyncset.done $0x0  }
0x2d3: {  	[sflag:s5] =	ssyncadd.s32 $0xFFFFC000  }
0x2d4: {  	_ =	swait.ge [sflag:s5], $0x4000  }
0x2d5: {  	[sflag:s5] =	ssyncset.done $0x0  }
0x2d6: {  	[sflag:s5] =	ssyncadd.s32 $0xFFFFC000  }
0x2d7: {  	_ =	swait.ge [sflag:s5], $0x4000  }
0x2d8: {  	[sflag:s5] =	ssyncset.done $0x0  }
0x2d9: {  	[sflag:s5] =	ssyncadd.s32 $0xFFFFC000  }
0x2da: {  	_ =	swait.ge [sflag:s5], $0x4000  }
0x2db: {  	[sflag:s5] =	ssyncset.done $0x0  }
0x2dc: {  	[sflag:s5] =	ssyncadd.s32 $0xFFFFC000  }
0x2dd: {  	_ =	swait.ge [sflag:s5], $0x4000  }
0x2de: {  	[sflag:s5] =	ssyncset.done $0x0  }
0x2df: {  	[sflag:s5] =	ssyncadd.s32 $0xFFFFC000  }
0x2e0: {  	_ =	swait.ge [sflag:s5], $0x4000  }
0x2e1: {  	[sflag:s5] =	ssyncset.done $0x0  }
0x2e2: {  	[sflag:s5] =	ssyncadd.s32 $0xFFFFC000  }
0x2e3: {  	_ =	swait.ge [sflag:s5], $0x4000  }
0x2e4: {  	[sflag:s5] =	ssyncset.done $0x0  }
0x2e5: {  	[sflag:s5] =	ssyncadd.s32 $0xFFFFC000  }
0x2e6: {  	_ =	swait.ge [sflag:s5], $0x4000  }
0x2e7: {  	[sflag:s5] =	ssyncset.done $0x0  }
0x2e8: {  	[sflag:s5] =	ssyncadd.s32 $0xFFFFC000  }
0x2e9: {  	_ =	swait.ge [sflag:s5], $0x4000  }
0x2ea: {  	[sflag:s5] =	ssyncset.done $0x0  }
0x2eb: {  	[sflag:s5] =	ssyncadd.s32 $0xFFFFC000  }
0x2ec: {  	_ =	swait.ge [sflag:s5], $0x4000  }
0x2ed: {  	[sflag:s5] =	ssyncset.done $0x0  }
0x2ee: {  	s31 =	rddreg [dreg:$0x7];
	[sflag:s5] =	ssyncadd.s32 $0xFFFFC000  }
0x2ef: {  	[hbm4b:s31+s2] =	stream.linear.scatter [tilespmem:s4], [sflag:$0x3], $0x4000, $0x38;
	[tilespmem:$0x9600] =	vst v63  }
0x2f0: {  	_ =	swait.ge [sflag:s3], $0x4000  }
0x2f1: {  	[sflag:s3] =	ssyncset.done $0x0  }
0x2f2: {  	[sflag:s3] =	ssyncadd.s32 $0xFFFFC000  }
0x2f3: {  	_ =	sfence.sel $0x180000  }
0x2f4: {  	[bflag:$0x0] =	sbarrier.arrive $0xFFFF  }
0x2f5: {  	_ =	strace $0x9000004A  }
0x2f6: {  	[bflag:$0x2] =	sbarrier.arrive $0xFFFF  }
0x2f7: {  	p0 =	sne.s32 s10, $0x0;
	s0 =	rddreg [dreg:$0x1]  }
0x2f8: {  	s0 =	sadd.s32 @!p0 $0x100000, s0  }
0x2f9: {  	[sflag:s0] =	ssyncadd.tile.s32 @!p0 $0x1;
	_ =	shalt  }
.LBB2_1:
0x2fa: {  	s21 =	simm.s32 $0x1080;
	s30 =	simm.s32 $0x1000  }
0x2fb: {  	s29 =	simm.s32 $0xF80;
	s28 =	simm.s32 $0xF00;
	s26 =	simm.s32 $0xE80  }
.Ltmp3:
0x2fc: {  	s25 =	simm.s32 $0xE00;
	s24 =	simm.s32 $0xD80;
	(pc) =	sbr.rel .LBB2_6-.Ltmp3, $4  }
0x2fd: {  	s23 =	simm.s32 $0xD00;
	s22 =	simm.s32 $0xC80;
	s20 =	simm.s32 $0x1500  }
0x2fe: {  	s19 =	simm.s32 $0x1480;
	s18 =	simm.s32 $0x1400;
	s17 =	simm.s32 $0x1380  }
0x2ff: {  	s16 =	simm.s32 $0x1300;
	s15 =	simm.s32 $0x180;
	s14 =	simm.s32 $0x1280  }
0x300: {  	s13 =	simm.s32 $0x1200;
	s12 =	simm.s32 $0x1180;
	s11 =	simm.s32 $0x1100  }
.LBB2_3:
0x301: {  	s21 =	simm.s32 $0x1080;
	s30 =	simm.s32 $0x1000;
	s29 =	simm.s32 $0xF80  }
0x302: {  	s28 =	simm.s32 $0xF00;
	s26 =	simm.s32 $0xE80;
	s25 =	simm.s32 $0xE00  }
.Ltmp4:
0x303: {  	s24 =	simm.s32 $0xD80;
	s23 =	simm.s32 $0xD00;
	(pc) =	sbr.rel .LBB2_6-.Ltmp4, $4  }
0x304: {  	s22 =	simm.s32 $0xC80;
	s20 =	simm.s32 $0x1500;
	s19 =	simm.s32 $0x1480  }
0x305: {  	s18 =	simm.s32 $0x1400;
	s17 =	simm.s32 $0x1380;
	s16 =	simm.s32 $0x1300  }
0x306: {  	s15 =	simm.s32 $0x180;
	s14 =	simm.s32 $0x1280;
	s13 =	simm.s32 $0x1200  }
0x307: {  	s12 =	simm.s32 $0x1180;
	s11 =	simm.s32 $0x1100;
	s10 =	stileid.u32  }
.Lfunc_end2:
_tile_overlayer_lowered:
.L_overlay_start_2:
0x308: {  	(tag) =	ssettag $0x2  }
0x309: {  	s0 =	rddreg [dreg:$0x0];
	s2 =	stileid.u32  }
0x30a: {  	s1 =	rddreg [dreg:$0x1];
	p0 =	sne.s32 s2, $0x0  }
0x30b: {  	s3 =	rddreg [dreg:$0x2];
	[bflag:$0x3] =	sbarrier.arrive $0xFFFF;
	s2 =	simm.s32 @!p0 $0x1C03  }
0x30c: {  	[timem:s3], [sflag:s2] =	dma.local @!p0 [hbm:s0], s1  }
0x30d: {  	s0 =	simm.s32 @!p0 $0x3  }
0x30e: {  	_ =	swait.ge @!p0 [sflag:s0], s1  }
0x30f: {  	s1 =	ssub.s32 @!p0 $0x0, s1;
	[sflag:s0] =	ssyncset.done @!p0 $0x0  }
0x310: {  	[sflag:s0] =	ssyncadd.s32 @!p0 s1  }
0x311: {  	[bflag:$0x3] =	sbarrier.arrive $0xFFFF  }
0x312: {  	_ =	shalt  }

// kernel: kernel.9.cloned.1.call-start
scs
__scs_entry_jumppad:
0x0: {  	(pc) =	sbr.rel $0x88, $3  }
0x1: {  	(tag) =	ssettag $0x0;
	lr =	simm.s32 $0x1  }
0x2: {  	[smem:$0x3F97] =	sst lr;
	_ =	strace $0xD0000000  }
0x3: {  	_ = 	snop  }
0x4: {  	_ = 	snop  }
0x5: {  	_ = 	snop  }
0x6: {  	_ = 	snop  }
0x7: {  	_ = 	snop  }
__scs_overlays_trampoline_lowered:
0x8: {  	[smem:$0x3FA6] =	sst s0  }
0x9: {  	[smem:$0x3FA7] =	sst s1  }
0xa: {  	[smem:$0x3FA8] =	sst s2  }
0xb: {  	[smem:$0x3FA9] =	sst s3  }
0xc: {  	[smem:$0x3FAA] =	sst s4  }
0xd: {  	[smem:$0x3FAB] =	sst s5  }
0xe: {  	[smem:$0x3FAC] =	sst s6  }
0xf: {  	[smem:$0x3FAD] =	sst s7  }
0x10: {  	[smem:$0x3FAE] =	sst s8  }
0x11: {  	[smem:$0x3FAF] =	sst s9;
	s0 =	simm.s32 @!p0 $0x0  }
0x12: {  	s1 =	sld [smem:$0x3F95];
	s0 =	simm.s32 @p0 $0x1  }
0x13: {  	[smem:$0x3FB0] =	sst s0;
	s0 =	simm.s32 @!p1 $0x0  }
0x14: {  	s2 =	sld [smem:$0x3F94];
	s0 =	simm.s32 @p1 $0x1  }
0x15: {  	[smem:$0x3FB1] =	sst s0;
	s0 =	simm.s32 @!p2 $0x0  }
0x16: {  	s3 =	sld [smem:$0x3FDB];
	s0 =	simm.s32 @p2 $0x1  }
0x17: {  	s4 =	simm.s32 $0x1BF5;
	[smem:$0x3FB3] =	sst s0  }
0x18: {  	s0 =	sld [smem:$0x3F96];
	_ =	swait.ge [sflag:s4], $0x0  }
0x19: {  	s7 =	sld [smem:$0x3F97]  }
0x1a: {  	s8 =	sadd.s32 $0xFFFFE003, lr  }
0x1b: {  	s9 =	sadd.s32 $0xFFFFFEF7, lr;
	s5 =	simm.s32 $0xFFFFFFFF;
	p2 =	slt.u32 s8, $0xFFFFF086  }
0x1c: {  	p1 =	slt.u32 s9, $0xF7A;
	s5 =	simm.s32 @!p2 $0x0  }
0x1d: {  	s5 =	simm.s32 @p1 $0x1;
	p0 =	seq.s32 s7, s2  }
0x1e: {  	s7 =	smul.u32 @!p0 $0xF7A, s2;
	p2 =	seq.s32 @!p0 s5, $0x0  }
0x1f: {  	s9 =	smul.u32 $0xF7A, s1;
	s8 =	simm.s32 @!p0 $0x1BF5;
	p2 =	por !p2, p0  }
0x20: {  	[sflag:s8] =	ssyncset.s32 @!p0 $0xFFFFF086;
	s6 =	sadd.s32 @!p0 s3, s7;
	s7 =	simm.s32 @!p0 $0x108  }
0x21: {  	s3 =	sadd.s32 s3, s9;
	s6 =	sadd.s32 @!p0 $0x88, s6;
	s7 =	simm.s32 @p2 $0x1082  }
0x22: {  	[simem:s7], [sflag:s8] =	dma.local @!p0 [hbm:s6], $0xF7A  }
0x23: {  	s9 =	sor.u32 $0xD0000000, s2;
	s6 =	simm.s32 $0x108;
	_ =	swait.ge @!p0 [sflag:s8], $0x0  }
0x24: {  	s3 =	sadd.s32 $0x88, s3;
	s6 =	simm.s32 @!p1 $0x1082;
	[sflag:s4] =	ssyncset.s32 $0xFFFFF086  }
0x25: {  	[simem:s6], [sflag:s4] =	dma.local [hbm:s3], $0xF7A  }
0x26: {  	[smem:$0x3F97] =	sst s1;
	(tag) =	ssettag s2;
	_ =	strace s9  }
0x27: {  	s1 =	sld [smem:$0x3FA7]  }
0x28: {  	s2 =	sld [smem:$0x3FA8]  }
0x29: {  	s4 =	sld [smem:$0x3FAA]  }
0x2a: {  	p0 =	seq.s32 s5, $0x0;
	s5 =	sld [smem:$0x3FAB]  }
0x2b: {  	s6 =	sld [smem:$0x3FAC]  }
0x2c: {  	s7 =	sld [smem:$0x3FAD]  }
0x2d: {  	s3 =	simm.s32 $0x108;
	s8 =	sld [smem:$0x3FAE]  }
0x2e: {  	s3 =	simm.s32 @!p0 $0x1082;
	s9 =	sld [smem:$0x3FAF]  }
0x2f: {  	lr =	sadd.s32 s0, s3;
	s0 =	sld [smem:$0x3FA6]  }
0x30: {  	s3 =	sld [smem:$0x3FA9]  }
0x31: {  	[smem:$0x3FB2] =	sst s10  }
0x32: {  	s10 =	sld [smem:$0x3FB0];
	_ =	sdelay $0x3  }
0x33: {  	p0 =	seq.s32 s10, $0x1;
	s10 =	sld [smem:$0x3FB2];
	_ =	sdelay $0x3  }
0x34: {  	[smem:$0x3FB2] =	sst s10  }
0x35: {  	s10 =	sld [smem:$0x3FB1];
	_ =	sdelay $0x3  }
0x36: {  	p1 =	seq.s32 s10, $0x1;
	s10 =	sld [smem:$0x3FB2];
	_ =	sdelay $0x3  }
0x37: {  	[smem:$0x3FB2] =	sst s10  }
0x38: {  	s10 =	sld [smem:$0x3FB3]  }
0x39: {  	_ = 	snop;
	(pc) =	sbr.ind lr, $3  }
0x3a: {  	_ = 	snop  }
0x3b: {  	_ = 	snop  }
0x3c: {  	p2 =	seq.s32 s10, $0x1;
	s10 =	sld [smem:$0x3FB2]  }
0x3d: {  	_ =	shalt  }
0x3e: {  	_ =	shalt  }
0x3f: {  	_ =	shalt  }
0x40: {  	_ =	shalt  }
0x41: {  	_ =	shalt  }
0x42: {  	_ =	shalt  }
0x43: {  	_ =	shalt  }
0x44: {  	_ =	shalt  }
0x45: {  	_ =	shalt  }
0x46: {  	_ =	shalt  }
0x47: {  	_ =	shalt  }
0x48: {  	_ =	shalt  }
0x49: {  	_ =	shalt  }
0x4a: {  	_ =	shalt  }
0x4b: {  	_ =	shalt  }
0x4c: {  	_ =	shalt  }
0x4d: {  	_ =	shalt  }
0x4e: {  	_ =	shalt  }
0x4f: {  	_ =	shalt  }
0x50: {  	_ =	shalt  }
0x51: {  	_ =	shalt  }
0x52: {  	_ =	shalt  }
0x53: {  	_ =	shalt  }
0x54: {  	_ =	shalt  }
0x55: {  	_ =	shalt  }
0x56: {  	_ =	shalt  }
0x57: {  	_ =	shalt  }
0x58: {  	_ =	shalt  }
0x59: {  	_ =	shalt  }
0x5a: {  	_ =	shalt  }
0x5b: {  	_ =	shalt  }
0x5c: {  	_ =	shalt  }
0x5d: {  	_ =	shalt  }
0x5e: {  	_ =	shalt  }
0x5f: {  	_ =	shalt  }
0x60: {  	_ =	shalt  }
0x61: {  	_ =	shalt  }
0x62: {  	_ =	shalt  }
0x63: {  	_ =	shalt  }
0x64: {  	_ =	shalt  }
0x65: {  	_ =	shalt  }
0x66: {  	_ =	shalt  }
0x67: {  	_ =	shalt  }
0x68: {  	_ =	shalt  }
0x69: {  	_ =	shalt  }
0x6a: {  	_ =	shalt  }
0x6b: {  	_ =	shalt  }
0x6c: {  	_ =	shalt  }
0x6d: {  	_ =	shalt  }
0x6e: {  	_ =	shalt  }
0x6f: {  	_ =	shalt  }
0x70: {  	_ =	shalt  }
0x71: {  	_ =	shalt  }
0x72: {  	_ =	shalt  }
0x73: {  	_ =	shalt  }
0x74: {  	_ =	shalt  }
0x75: {  	_ =	shalt  }
0x76: {  	_ =	shalt  }
0x77: {  	_ =	shalt  }
0x78: {  	_ =	shalt  }
0x79: {  	_ =	shalt  }
0x7a: {  	_ =	shalt  }
0x7b: {  	_ =	shalt  }
0x7c: {  	_ =	shalt  }
0x7d: {  	_ =	shalt  }
0x7e: {  	_ =	shalt  }
0x7f: {  	_ =	shalt  }
0x80: {  	_ =	shalt  }
0x81: {  	_ =	shalt  }
0x82: {  	_ =	shalt  }
0x83: {  	_ =	shalt  }
0x84: {  	_ =	shalt  }
0x85: {  	_ =	shalt  }
0x86: {  	_ =	shalt  }
0x87: {  	_ =	shalt  }
.Lfunc_end0:
.L_simem_size_0:
called_computation.1_lowered:
.L_overlay_start_0:
0x88: {  	s2 =	sld [smem:$0x3FD9]  }
0x89: {  	s3 =	sld [smem:$0x3FFE];
	_ =	sdelay $0x1  }
0x8a: {  	s1 =	srdreg.scid  }
0x8b: {  	s0 =	sand.u32 $0x1, s1  }
0x8c: {  	s16 =	sshll.u32 s0, $0xA;
	s2 =	sadd.s32 s3, s2  }
0x8d: {  	s2 =	sadd.s32 s2, s16  }
0x8e: {  	[smem:$0x3FBE] =	sst s2  }
0x8f: {  	_ = 	snop  }
0x90: {  	(tm) =	ssettm $0x1  }
0x91: {  	s17 =	sld [smem:$0x3FFB];
	_ =	sdelay $0x3  }
0x92: {  	_ =	strace s17  }
0x93: {  	s2 =	sld [smem:$0x3FFC];
	_ =	sdelay $0x3  }
0x94: {  	_ =	strace s2  }
0x95: {  	s2 =	sld [smem:$0x3FFD];
	_ =	sdelay $0x3  }
0x96: {  	_ =	strace s2  }
0x97: {  	_ =	strace $0x8FFFFFFF  }
0x98: {  	s18 =	sld [smem:$0x3FDB];
	_ =	sdelay $0x1  }
0x99: {  	s19 =	simm.s32 $_scs_section_size  }
0x9a: {  	s4 =	simm.s32 $_size__tile_overlayer_lowered;
	s5 =	simm.s32 $_tile_overlayer_lowered  }
0x9b: {  	s22 =	simm.s32 $0x1BFF;
	s21 =	sshll.u32 s5, $0x1;
	s2 =	sadd.s32 s19, s18  }
0x9c: {  	s6 =	simm.s32 $0x0;
	s20 =	sshll.u32 s4, $0x1;
	s4 =	sadd.s32 s21, s2  }
0x9d: {  	[timem:s6], [sflag:s22] =	dma.local [hbm:s4], s20  }
0x9e: {  	_ =	swait.ge [sflag:s22], s20  }
0x9f: {  	s3 =	ssub.s32 $0x0, s20;
	[sflag:s22] =	ssyncset.done $0x0  }
0xa0: {  	[sflag:s22] =	ssyncadd.s32 s3;
	_ =	sdelay $0x1  }
0xa1: {  	s23 =	simm.s32 $0x1B8B  }
0xa2: {  	_ =	swait.ge [sflag:s23], $0x1  }
0xa3: {  	[sflag:s23] =	ssyncset.done $0x0  }
0xa4: {  	s25 =	simm.s32 $0x1B8E;
	s24 =	sld [smem:$0x3FFE];
	[sflag:s23] =	ssyncadd.s32 $0xFFFFFFFF  }
0xa5: {  	s26 =	simm.s32 $execute0_lowered;
	[smem:$0x3FD2] =	sst s25  }
0xa6: {  	s4 =	sshll.u32 s26, $0x1;
	_ =	strace $0x80000046;
	[dreg:$0x1] =	wrdreg $0xFFFFFFFF  }
0xa7: {  	s28 =	simm.s32 $_size_execute0_lowered;
	s2 =	sadd.s32 s2, s4;
	[dreg:$0x0] =	wrdreg $0x0  }
0xa8: {  	s4 =	sshll.u32 s28, $0x1;
	[dreg:$0x2] =	wrdreg s2  }
0xa9: {  	[dreg:$0x3] =	wrdreg s4  }
0xaa: {  	[dreg:$0x4] =	wrdreg $0xC0  }
0xab: {  	_ =	task [dreg:s6], $0x5FFFF  }
0xac: {  	[dreg:$0x1] =	wrdreg $0xFFFFFFFF  }
0xad: {  	[dreg:$0x0] =	wrdreg $0x60  }
0xae: {  	[dreg:$0x2] =	wrdreg s24  }
0xaf: {  	[dreg:$0x3] =	wrdreg $0xA  }
0xb0: {  	_ =	task.clear_ibuf [dreg:s6], $0x4FFFF;
	_ =	strace $0x90000046  }
0xb1: {  	s29 =	simm.s32 $0xA;
	_ =	strace $0x80000048  }
0xb2: {  	_ =	swait.ge [sflag:s29], $0x1  }
0xb3: {  	[sflag:s29] =	ssyncadd.s32 $0xFFFFFFFF  }
0xb4: {  	_ =	strace $0x90000048  }
0xb5: {  	_ =	sfence  }
0xb6: {  	s30 =	sld [smem:$0x0];
	_ =	sdelay $0x2  }
0xb7: {  	s31 =	sshll.u32 s1, $0xD;
	s1 =	sshrl.u32 s1, $0x2  }
0xb8: {  	s3 =	sand.u32 $0x4000, s31;
	s1 =	sadd.s32 s1, s30  }
0xb9: {  	s0 =	sor.u32 s3, s0;
	s1 =	sshll.u32 s1, $0x11  }
0xba: {  	s0 =	sor.u32 s1, s0  }
0xbb: {  	s0 =	sadd.s32 $0x8F2B, s0  }
0xbc: {  	[sflag:s0] =	ssyncadd.remote.s32 $0x1  }
0xbd: {  	_ =	sfence.sel $0xFFFF  }
0xbe: {  	[dreg:$0x0] =	wrdreg $0xFFFFFFFF;
	(pc) =	sbr.abs _section_cstart, $3  }
0xbf: {  	[dreg:$0x1] =	wrdreg $0xFFFFFFFF  }
0xc0: {  	_ =	task.clear_ibuf [dreg:s6], $0x2FFFF;
	_ =	strace $0x9FFFFFFF  }
0xc1: {  	(tm) =	ssettm $0x7FFFFFFF  }
tec
execute0_lowered:
.L_overlay_start_1:
0x0: {  	(tag) =	ssettag $0x1  }
0x1: {  	s0 =	srdreg.scid  }
0x2: {  	s14 =	rddreg [dreg:$0x0];
	s15 =	sand.u32 $0x1, s0  }
0x3: {  	s1 =	stileid.u32;
	s2 =	simm.s32 $0x0;
	s3 =	sshll.u32 s15, $0x6  }
0x4: {  	s0 =	rddreg [dreg:$0x1];
	s4 =	sshll.u32 s1, $0x7;
	s3 =	sadd.s32 s3, s14  }
0x5: {  	[smem:$0x7FF] =	sst s2;
	s3 =	sadd.s32 s4, s3  }
0x6: {  	_ =	strace $0x80000047;
	s4 =	sadd.s32 $0x1800, s3;
	s3 =	simm.s32 $0x2  }
0x7: {  	[tilespmem:s2], [sflag:$0x2] =	stream.linear.gather [hbm4b:s4+s2], $0x200, $0x38;
	[tilespmem:$0x10200] =	vst v63  }
0x8: {  	_ =	swait.ge [sflag:s3], $0x200  }
0x9: {  	s6 =	simm.s32 $0x80;
	[sflag:s3] =	ssyncset.done $0x0  }
0xa: {  	s7 =	simm.s32 $0x200;
	s5 =	sadd.s32 $0x2000, s14;
	[sflag:s3] =	ssyncadd.s32 $0xFFFFFE00  }
0xb: {  	[tilespmem:s7], [sflag:$0x1] =	stream.indirect.gather [hbm4b:s5+s6], $0x80, s2, s6, $0xb8;
	[tilespmem:$0x10200] =	vst v63  }
0xc: {  	s8 =	simm.s32 $0x4200  }
0xd: {  	[tilespmem:s8], [sflag:$0x1] =	stream.indirect.gather [hbm4b:s5+s6], $0x80, s6, s6, $0xb8;
	[tilespmem:$0x10200] =	vst v63  }
0xe: {  	s9 =	simm.s32 $0x100;
	s10 =	simm.s32 $0x8200  }
0xf: {  	[tilespmem:s10], [sflag:$0x1] =	stream.indirect.gather [hbm4b:s5+s6], $0x80, s9, s6, $0xb8;
	[tilespmem:$0x10200] =	vst v63  }
0x10: {  	s11 =	simm.s32 $0x180;
	s12 =	simm.s32 $0xC200;
	s13 =	simm.s32 $0x1  }
0x11: {  	[tilespmem:s12], [sflag:$0x1] =	stream.indirect.gather [hbm4b:s5+s6], $0x80, s11, s6, $0xb8;
	[tilespmem:$0x10200] =	vst v63  }
0x12: {  	_ =	swait.ge [sflag:s13], $0x4000  }
0x13: {  	[sflag:s13] =	ssyncset.done $0x0  }
0x14: {  	[sflag:s13] =	ssyncadd.s32 $0xFFFFC000  }
0x15: {  	_ =	swait.ge [sflag:s13], $0x4000  }
0x16: {  	[sflag:s13] =	ssyncset.done $0x0  }
0x17: {  	s16 =	sshll.u32 s15, $0xD;
	s15 =	ssub.s32 $0x2, s15;
	[sflag:s13] =	ssyncadd.s32 $0xFFFFC000  }
0x18: {  	s31 =	sshrl.u32 s15, $0x1;
	_ =	swait.ge [sflag:s13], $0x4000  }
0x19: {  	s15 =	ssub.s32 s15, s31;
	[sflag:s13] =	ssyncset.done $0x0  }
0x1a: {  	s17 =	sshll.u32 s1, $0xE;
	s15 =	smax.u32 s15, $0x1;
	[sflag:s13] =	ssyncadd.s32 $0xFFFFC000  }
0x1b: {  	s14 =	sadd.s32 s16, s14;
	p0 =	sne.s32 s15, $0x1;
	_ =	swait.ge [sflag:s13], $0x4000  }
.Ltmp0:
0x1c: {  	s14 =	sadd.s32 s17, s14;
	[sflag:s13] =	ssyncset.done $0x0;
	(pc) =	sbr.rel @!p0 .LBB2_2-.Ltmp0, $4  }
0x1d: {  	s14 =	sadd.s32 $0x3E2000, s14;
	[sflag:s13] =	ssyncadd.s32 $0xFFFFC000  }
0x1e: {  	[hbm4b:s14+s2] =	stream.linear.scatter [tilespmem:s7], [sflag:$0x2], $0x10000, $0x38;
	[tilespmem:$0x10200] =	vst v63  }
0x1f: {  	_ =	swait.ge [sflag:s3], $0x10000  }
0x20: {  	s15 =	sadd.s32 $0xFFFFFFFF, s15;
	[sflag:s3] =	ssyncset.done $0x0  }
.LBB2_1:
0x21: {  	p0 =	sne.s32 s15, $0x1;
	s15 =	sadd.s32 $0xFFFFFFFF, s15;
	[sflag:s3] =	ssyncadd.s32 $0xFFFF0000  }
0x22: {  	[tilespmem:s2], [sflag:$0x2] =	stream.linear.gather [hbm4b:s4+s2], $0x200, $0x38;
	[tilespmem:$0x10200] =	vst v63  }
0x23: {  	_ =	swait.ge [sflag:s3], $0x200  }
0x24: {  	[sflag:s3] =	ssyncset.done $0x0  }
0x25: {  	[sflag:s3] =	ssyncadd.s32 $0xFFFFFE00  }
0x26: {  	[tilespmem:s7], [sflag:$0x1] =	stream.indirect.gather [hbm4b:s5+s6], $0x80, s2, s6, $0xb8;
	[tilespmem:$0x10200] =	vst v63  }
0x27: {  	_ = 	snop  }
0x28: {  	[tilespmem:s8], [sflag:$0x1] =	stream.indirect.gather [hbm4b:s5+s6], $0x80, s6, s6, $0xb8;
	[tilespmem:$0x10200] =	vst v63  }
0x29: {  	_ = 	snop  }
0x2a: {  	[tilespmem:s10], [sflag:$0x1] =	stream.indirect.gather [hbm4b:s5+s6], $0x80, s9, s6, $0xb8;
	[tilespmem:$0x10200] =	vst v63  }
0x2b: {  	_ = 	snop  }
0x2c: {  	[tilespmem:s12], [sflag:$0x1] =	stream.indirect.gather [hbm4b:s5+s6], $0x80, s11, s6, $0xb8;
	[tilespmem:$0x10200] =	vst v63  }
0x2d: {  	_ =	swait.ge [sflag:s13], $0x4000  }
0x2e: {  	[sflag:s13] =	ssyncset.done $0x0  }
0x2f: {  	[sflag:s13] =	ssyncadd.s32 $0xFFFFC000  }
0x30: {  	_ =	swait.ge [sflag:s13], $0x4000  }
0x31: {  	[sflag:s13] =	ssyncset.done $0x0  }
0x32: {  	[sflag:s13] =	ssyncadd.s32 $0xFFFFC000  }
0x33: {  	_ =	swait.ge [sflag:s13], $0x4000  }
0x34: {  	[sflag:s13] =	ssyncset.done $0x0  }
0x35: {  	[sflag:s13] =	ssyncadd.s32 $0xFFFFC000  }
0x36: {  	_ =	swait.ge [sflag:s13], $0x4000  }
.Ltmp1:
0x37: {  	[sflag:s13] =	ssyncset.done $0x0;
	(pc) =	sbr.rel @p0 .LBB2_1-.Ltmp1, $4  }
0x38: {  	[sflag:s13] =	ssyncadd.s32 $0xFFFFC000  }
0x39: {  	[hbm4b:s14+s2] =	stream.linear.scatter [tilespmem:s7], [sflag:$0x2], $0x10000, $0x38;
	[tilespmem:$0x10200] =	vst v63  }
0x3a: {  	_ =	swait.ge [sflag:s3], $0x10000  }
0x3b: {  	[sflag:s3] =	ssyncset.done $0x0  }
.LBB2_2:
0x3c: {  	[sflag:s3] =	ssyncadd.s32 $0xFFFF0000  }
0x3d: {  	_ =	sfence.sel $0x180000  }
0x3e: {  	[bflag:$0x0] =	sbarrier.arrive $0xFFFF  }
0x3f: {  	p0 =	sne.s32 s1, $0x0;
	_ =	strace $0x90000047  }
0x40: {  	s0 =	sadd.s32 @!p0 $0x100000, s0;
	[bflag:$0x2] =	sbarrier.arrive $0xFFFF  }
0x41: {  	[sflag:s0] =	ssyncadd.tile.s32 @!p0 $0x1;
	_ =	shalt  }
.Lfunc_end2:
_tile_overlayer_lowered:
.L_overlay_start_2:
0x42: {  	(tag) =	ssettag $0x2  }
0x43: {  	s0 =	rddreg [dreg:$0x0];
	s2 =	stileid.u32  }
0x44: {  	s1 =	rddreg [dreg:$0x1];
	p0 =	sne.s32 s2, $0x0  }
0x45: {  	s3 =	rddreg [dreg:$0x2];
	[bflag:$0x3] =	sbarrier.arrive $0xFFFF;
	s2 =	simm.s32 @!p0 $0x1C02  }
0x46: {  	[timem:s3], [sflag:s2] =	dma.local @!p0 [hbm:s0], s1  }
0x47: {  	s0 =	simm.s32 @!p0 $0x2  }
0x48: {  	_ =	swait.ge @!p0 [sflag:s0], s1  }
0x49: {  	s1 =	ssub.s32 @!p0 $0x0, s1;
	[sflag:s0] =	ssyncset.done @!p0 $0x0  }
0x4a: {  	[sflag:s0] =	ssyncadd.s32 @!p0 s1  }
0x4b: {  	[bflag:$0x3] =	sbarrier.arrive $0xFFFF  }
0x4c: {  	_ =	shalt  }

</sc_bundles>
